<compile_context>
chip_gen: v7x
topology: tpu7x:2x2x1
jax: 0.10.2.dev20260603
libtpu: 0.0.44.dev20260713+nightly
codegen_flags: <defaults>
</compile_context>

<pallas_src>
import functools

import jax
import jax.numpy as jnp
from jax import lax
from jax.experimental import pallas as pl
from jax.experimental.pallas import tpu as pltpu
from jax.experimental.pallas import tpu_sc as plsc

N, E, D = 10000, 320000, 128
HALF = D // 2
NC, NS = 2, 16
EPT = E // NS
CHUNK = 125
IB = 10
NBATCH = EPT // (CHUNK * IB)
NCHTOT = E // CHUNK
ZR = 125
NPAD = 10000
ROWS_PER_SUB = NPAD // NS
DEGW = 16
NB = 4


def _sc_aggregate(xs, edges):
    mesh = plsc.VectorSubcoreMesh(
        core_axis_name="c", subcore_axis_name="s", num_cores=NC, num_subcores=NS
    )

    @functools.partial(
        pl.kernel,
        out_type=[
            jax.ShapeDtypeStruct((NC, NPAD, HALF), jnp.float32),
            jax.ShapeDtypeStruct((NC, NPAD, DEGW), jnp.float32),
        ],
        mesh=mesh,
        scratch_types=[
            pltpu.VMEM((IB, CHUNK), jnp.int32),
            pltpu.VMEM((IB, CHUNK), jnp.int32),
            pltpu.VMEM((IB, CHUNK), jnp.int32),
            pltpu.VMEM((IB, CHUNK), jnp.int32),
            pltpu.VMEM((CHUNK, HALF), jnp.float32),
            pltpu.VMEM((CHUNK, HALF), jnp.float32),
            pltpu.VMEM((CHUNK, HALF), jnp.float32),
            pltpu.VMEM((CHUNK, HALF), jnp.float32),
            pltpu.VMEM((CHUNK, DEGW), jnp.float32),
            pltpu.VMEM((CHUNK, DEGW), jnp.float32),
            pltpu.VMEM_SHARED((NPAD, HALF), jnp.float32),
            pltpu.VMEM_SHARED((NPAD, DEGW), jnp.float32),
            pltpu.SemaphoreType.DMA,
            pltpu.SemaphoreType.DMA,
            pltpu.SemaphoreType.DMA,
            pltpu.SemaphoreType.DMA,
            pltpu.SemaphoreType.DMA,
            pltpu.SemaphoreType.DMA,
            pltpu.SemaphoreType.DMA,
            pltpu.SemaphoreType.DMA,
            pltpu.SemaphoreType.DMA,
            pltpu.SemaphoreType.DMA,
            pltpu.SemaphoreType.DMA,
        ],
        compiler_params=pltpu.CompilerParams(use_tc_tiling_on_sc=False),
    )
    def k(xs_hbm, e_hbm, out_hbm, deg_hbm, src0_v, dst0_v, src1_v, dst1_v,
          rows0, rows1, rows2, rows3, ones_v, zd_v, acc_sh, deg_sh,
          gsem0, gsem1, gsem2, gsem3, ssem0, ssem1, ssem2, ssem3,
          dsem, isem0, isem1):
        cid = lax.axis_index("c")
        sid = lax.axis_index("s")

        zero16 = jnp.zeros((16,), jnp.float32)
        one16 = jnp.ones((16,), jnp.float32)

        @pl.loop(0, CHUNK)
        def _(r):
            ones_v[r, :] = one16
            zd_v[r, :] = zero16

            @pl.loop(0, HALF, step=16)
            def _(cc):
                rows0[r, pl.ds(cc, 16)] = zero16

        @pl.loop(0, ROWS_PER_SUB // ZR)
        def _(kk):
            base = sid * ROWS_PER_SUB + kk * ZR
            pltpu.sync_copy(rows0.at[pl.ds(0, ZR)], acc_sh.at[pl.ds(base, ZR)])
            pltpu.sync_copy(zd_v.at[pl.ds(0, ZR)], deg_sh.at[pl.ds(base, ZR)])

        plsc.subcore_barrier()

        xh = xs_hbm.at[cid]
        rows = (rows0, rows1, rows2, rows3)
        gsems = (gsem0, gsem1, gsem2, gsem3)
        ssems = (ssem0, ssem1, ssem2, ssem3)
        srcs = (src0_v, src1_v)
        dsts = (dst0_v, dst1_v)
        isems = (isem0, isem1)
        cbase = sid * (NBATCH * IB)
        last_cb = cbase + (NBATCH - 1) * IB

        pltpu.async_copy(e_hbm.at[0, pl.ds(cbase, IB)], src0_v, isem0)
        pltpu.async_copy(e_hbm.at[1, pl.ds(cbase, IB)], dst0_v, isem0)

        @pl.loop(0, NBATCH // 2)
        def _(go):
            for gg in range(2):
                sbuf, dbuf, isem = srcs[gg], dsts[gg], isems[gg]
                pltpu.make_async_copy(
                    e_hbm.at[0, pl.ds(cbase, IB)], sbuf, isem).wait()
                pltpu.make_async_copy(
                    e_hbm.at[1, pl.ds(cbase, IB)], dbuf, isem).wait()
                nxt = jnp.minimum(cbase + (2 * go + gg + 1) * IB, last_cb)
                ngg = (gg + 1) % 2
                pltpu.async_copy(e_hbm.at[0, pl.ds(nxt, IB)],
                                 srcs[ngg], isems[ngg])
                pltpu.async_copy(e_hbm.at[1, pl.ds(nxt, IB)],
                                 dsts[ngg], isems[ngg])

                gat = [None] * NB
                scats = [None] * NB
                deg_descs = [[], []]
                for p in range(NB - 1):
                    gat[p] = pltpu.async_copy(
                        xh.at[sbuf.at[p]], rows[p], gsems[p])
                for c in range(IB):
                    b = c % NB
                    gat[b].wait()
                    if c + NB - 1 < IB:
                        nb = (c + NB - 1) % NB
                        if scats[nb] is not None:
                            scats[nb].wait()
                        gat[nb] = pltpu.async_copy(
                            xh.at[sbuf.at[c + NB - 1]], rows[nb], gsems[nb])
                    scats[b] = pltpu.async_copy(
                        rows[b], acc_sh.at[dbuf.at[c]], ssems[b], add=True)
                    par = c % 2

                    @pl.when(cid == par)
                    def _():
                        deg_descs[par].append(pltpu.async_copy(
                            ones_v, deg_sh.at[dbuf.at[c]], dsem, add=True))
                for sc in scats:
                    if sc is not None:
                        sc.wait()
                for par in range(2):
                    @pl.when(cid == par)
                    def _():
                        for dd in deg_descs[par]:
                            dd.wait()

        pltpu.make_async_copy(e_hbm.at[0, pl.ds(cbase, IB)], src0_v, isem0).wait()
        pltpu.make_async_copy(e_hbm.at[1, pl.ds(cbase, IB)], dst0_v, isem0).wait()

        base = sid * ROWS_PER_SUB
        pltpu.sync_copy(acc_sh.at[pl.ds(base, ROWS_PER_SUB)],
                        out_hbm.at[cid, pl.ds(base, ROWS_PER_SUB)])
        pltpu.sync_copy(deg_sh.at[pl.ds(base, ROWS_PER_SUB)],
                        deg_hbm.at[cid, pl.ds(base, ROWS_PER_SUB)])

    return k(xs, edges)


BLK = 2000


def _tc_combine(x, part, degp, W_self, W_neigh, b, gamma, beta):
    def body(x_ref, p_ref, d_ref, ws_ref, wn_ref, b_ref, g_ref, be_ref, o_ref):
        xb = x_ref[...]
        psum = jnp.concatenate([p_ref[0], p_ref[1]], axis=1).astype(jnp.float32)
        deg = d_ref[0, :, 0:1] + d_ref[1, :, 0:1]
        agg = psum / jnp.maximum(deg, 1.0)
        h = jnp.dot(xb, ws_ref[...], preferred_element_type=jnp.float32)
        h = h + jnp.dot(agg, wn_ref[...], preferred_element_type=jnp.float32)
        h = h + b_ref[...]
        mu = jnp.mean(h, axis=1, keepdims=True)
        var = jnp.mean((h - mu) * (h - mu), axis=1, keepdims=True)
        h = (h - mu) * lax.rsqrt(var + 1e-5) * g_ref[...] + be_ref[...]
        o_ref[...] = jnp.maximum(h, 0.0) + xb

    return pl.pallas_call(
        body,
        grid=(N // BLK,),
        in_specs=[
            pl.BlockSpec((BLK, D), lambda i: (i, 0)),
            pl.BlockSpec((NC, BLK, HALF), lambda i: (0, i, 0)),
            pl.BlockSpec((NC, BLK, DEGW), lambda i: (0, i, 0)),
            pl.BlockSpec((D, D), lambda i: (0, 0)),
            pl.BlockSpec((D, D), lambda i: (0, 0)),
            pl.BlockSpec((1, D), lambda i: (0, 0)),
            pl.BlockSpec((1, D), lambda i: (0, 0)),
            pl.BlockSpec((1, D), lambda i: (0, 0)),
        ],
        out_specs=pl.BlockSpec((BLK, D), lambda i: (i, 0)),
        out_shape=jax.ShapeDtypeStruct((N, D), jnp.float32),
    )(x, part, degp, W_self, W_neigh, b, gamma, beta)


@jax.jit
def kernel(x, edge_index, W_self, W_neigh, b, gamma, beta):
    xs = jnp.stack([x[:, :HALF], x[:, HALF:]])
    edges = edge_index.reshape(2, NCHTOT, CHUNK)
    part, degp = _sc_aggregate(xs, edges)
    return _tc_combine(
        x, part, degp, W_self, W_neigh,
        b.reshape(1, D), gamma.reshape(1, D), beta.reshape(1, D),
    )

# --- scband reference (transcript-rebuilt; emitter-appended) ---
"""Pipeline reference for scband-gnnblock-2018634629226 (READ-ONLY COPY).

The authoritative reference and input builder live on the scoring server;
editing this copy changes nothing except your own understanding.
"""

import jax, jax.numpy as jnp
import numpy as np

N, E, D = 10000, 320000, 128


def setup_inputs(seed: int = 0) -> dict:
    key = jax.random.key(seed)
    k1, k2, k3, k4, k5 = jax.random.split(key, 5)
    x = jax.random.normal(k1, (N, D), dtype=jnp.float32)
    edge_index = jax.random.randint(k2, (2, E), 0, N, dtype=jnp.int32)
    scale = 1.0 / np.sqrt(D)
    W_self = jax.random.normal(k3, (D, D), dtype=jnp.float32) * scale
    W_neigh = jax.random.normal(k4, (D, D), dtype=jnp.float32) * scale
    b = jnp.zeros((D,), dtype=jnp.float32)
    gamma = jnp.ones((D,), dtype=jnp.float32)
    beta = jnp.zeros((D,), dtype=jnp.float32)
    return {"x": x, "edge_index": edge_index, "W_self": W_self, "W_neigh": W_neigh, "b": b, "gamma": gamma, "beta": beta}


def reference(x, edge_index, W_self, W_neigh, b, gamma, beta):
    # GNNBlock: residual -> gnn_layer (GraphConv w/ mean aggregation) -> LayerNorm -> ReLU -> +residual
    n = x.shape[0]
    src = edge_index[0]
    dst = edge_index[1]
    # message passing: gather source features, scatter-mean to destination nodes
    msg = jnp.take(x, src, axis=0)
    agg_sum = jax.ops.segment_sum(msg, dst, num_segments=n)
    deg = jax.ops.segment_sum(jnp.ones((src.shape[0],), dtype=x.dtype), dst, num_segments=n)
    agg = agg_sum / jnp.clip(deg, 1.0)[:, None]
    h = x @ W_self + agg @ W_neigh + b
    # LayerNorm over feature dim
    mu = jnp.mean(h, axis=-1, keepdims=True)
    var = jnp.var(h, axis=-1, keepdims=True)
    h = (h - mu) / jnp.sqrt(var + 1e-5) * gamma + beta
    # ReLU + residual
    h = jax.nn.relu(h)
    return h + x

if __name__ == "__main__":
    import jax
    _d = setup_inputs()
    print(jax.jit(kernel)(*tuple(_d.values())))

</pallas_src>

<mosaic_0001>
#map = affine_map<(d0, d1) -> (0, 0, 0)>
#map1 = affine_map<(d0, d1) -> (0)>
module attributes {stable_mosaic.version = 14 : i64} {
  func.func @_rewritten_body(%arg0: i32, %arg1: i32, %arg2: memref<2x10000x64xf32, #tpu.memory_space<hbm>>, %arg3: memref<2x2560x125xi32, #tpu.memory_space<hbm>>, %arg4: memref<1xi32, #tpu.memory_space<hbm>>, %arg5: memref<1xi32, #tpu.memory_space<hbm>>, %arg6: memref<1xi32, #tpu.memory_space<hbm>>, %arg7: memref<1xi32, #tpu.memory_space<hbm>>, %arg8: memref<1xi32, #tpu.memory_space<hbm>>, %arg9: memref<1xi32, #tpu.memory_space<hbm>>, %arg10: memref<1xi32, #tpu.memory_space<hbm>>, %arg11: memref<1xi32, #tpu.memory_space<hbm>>, %arg12: memref<1xi32, #tpu.memory_space<hbm>>, %arg13: memref<1xi32, #tpu.memory_space<hbm>>, %arg14: memref<1xi32, #tpu.memory_space<hbm>>, %arg15: memref<1xi32, #tpu.memory_space<hbm>>, %arg16: memref<1xi32, #tpu.memory_space<hbm>>, %arg17: memref<1xi32, #tpu.memory_space<hbm>>, %arg18: memref<1xi32, #tpu.memory_space<hbm>>, %arg19: memref<1xi32, #tpu.memory_space<hbm>>, %arg20: memref<1xi32, #tpu.memory_space<hbm>>, %arg21: memref<1xi32, #tpu.memory_space<hbm>>, %arg22: memref<1xi32, #tpu.memory_space<hbm>>, %arg23: memref<1xi32, #tpu.memory_space<hbm>>, %arg24: memref<2x10000x64xf32, #tpu.memory_space<hbm>>, %arg25: memref<2x10000x16xf32, #tpu.memory_space<hbm>>, %arg26: memref<10x125xi32, #tpu.memory_space<vmem>>, %arg27: memref<10x125xi32, #tpu.memory_space<vmem>>, %arg28: memref<10x125xi32, #tpu.memory_space<vmem>>, %arg29: memref<10x125xi32, #tpu.memory_space<vmem>>, %arg30: memref<125x64xf32, #tpu.memory_space<vmem>>, %arg31: memref<125x64xf32, #tpu.memory_space<vmem>>, %arg32: memref<125x64xf32, #tpu.memory_space<vmem>>, %arg33: memref<125x64xf32, #tpu.memory_space<vmem>>, %arg34: memref<125x16xf32, #tpu.memory_space<vmem>>, %arg35: memref<125x16xf32, #tpu.memory_space<vmem>>, %arg36: memref<10000x64xf32, #tpu.memory_space<vmem_shared>>, %arg37: memref<10000x16xf32, #tpu.memory_space<vmem_shared>>, %arg38: memref<!tpu.dma_semaphore, #tpu.memory_space<semaphore_mem>>, %arg39: memref<!tpu.dma_semaphore, #tpu.memory_space<semaphore_mem>>, %arg40: memref<!tpu.dma_semaphore, #tpu.memory_space<semaphore_mem>>, %arg41: memref<!tpu.dma_semaphore, #tpu.memory_space<semaphore_mem>>, %arg42: memref<!tpu.dma_semaphore, #tpu.memory_space<semaphore_mem>>, %arg43: memref<!tpu.dma_semaphore, #tpu.memory_space<semaphore_mem>>, %arg44: memref<!tpu.dma_semaphore, #tpu.memory_space<semaphore_mem>>, %arg45: memref<!tpu.dma_semaphore, #tpu.memory_space<semaphore_mem>>, %arg46: memref<!tpu.dma_semaphore, #tpu.memory_space<semaphore_mem>>, %arg47: memref<!tpu.dma_semaphore, #tpu.memory_space<semaphore_mem>>, %arg48: memref<!tpu.dma_semaphore, #tpu.memory_space<semaphore_mem>>) attributes {dimension_semantics = [#tpu.dimension_semantics<core_parallel>, #tpu.dimension_semantics<subcore_parallel>], iteration_bounds = array<i64: 2, 16>, scalar_prefetch = 0 : i64, scratch_operands = 23 : i64, tpu.core_type = #tpu.core_type<sc_vector_subcore>, window_params = [{transform_indices = #map}, {transform_indices = #map}, {transform_indices = #map1}, {transform_indices = #map1}, {transform_indices = #map1}, {transform_indices = #map1}, {transform_indices = #map1}, {transform_indices = #map1}, {transform_indices = #map1}, {transform_indices = #map1}, {transform_indices = #map1}, {transform_indices = #map1}, {transform_indices = #map1}, {transform_indices = #map1}, {transform_indices = #map1}, {transform_indices = #map1}, {transform_indices = #map1}, {transform_indices = #map1}, {transform_indices = #map1}, {transform_indices = #map1}, {transform_indices = #map1}, {transform_indices = #map1}, {transform_indices = #map}, {transform_indices = #map}]} {
    %empty_ref3A = memref.alloca() : memref<16xi32, #tpu.memory_space<vmem>>
    %empty_ref3A_0 = memref.alloca() : memref<16xi32, #tpu.memory_space<vmem>>
    %empty_ref3A_1 = memref.alloca() : memref<16xi32, #tpu.memory_space<vmem>>
    %empty_ref3A_2 = memref.alloca() : memref<16xi32, #tpu.memory_space<vmem>>
    %empty_ref3A_3 = memref.alloca() : memref<16xi32, #tpu.memory_space<vmem>>
    %empty_ref3A_4 = memref.alloca() : memref<16xi32, #tpu.memory_space<vmem>>
    %empty_ref3A_5 = memref.alloca() : memref<16xi32, #tpu.memory_space<vmem>>
    %empty_ref3A_6 = memref.alloca() : memref<16xi32, #tpu.memory_space<vmem>>
    %empty_ref3A_7 = memref.alloca() : memref<16xi32, #tpu.memory_space<vmem>>
    %empty_ref3A_8 = memref.alloca() : memref<16xi32, #tpu.memory_space<vmem>>
    %empty_ref3A_9 = memref.alloca() : memref<16xi32, #tpu.memory_space<vmem>>
    %empty_ref3A_10 = memref.alloca() : memref<16xi32, #tpu.memory_space<vmem>>
    %empty_ref3A_11 = memref.alloca() : memref<16xi32, #tpu.memory_space<vmem>>
    %empty_ref3A_12 = memref.alloca() : memref<16xi32, #tpu.memory_space<vmem>>
    %empty_ref3A_13 = memref.alloca() : memref<16xi32, #tpu.memory_space<vmem>>
    %empty_ref3A_14 = memref.alloca() : memref<16xi32, #tpu.memory_space<vmem>>
    %empty_ref3A_15 = memref.alloca() : memref<16xi32, #tpu.memory_space<vmem>>
    %empty_ref3A_16 = memref.alloca() : memref<16xi32, #tpu.memory_space<vmem>>
    %empty_ref3A_17 = memref.alloca() : memref<16xi32, #tpu.memory_space<vmem>>
    %empty_ref3A_18 = memref.alloca() : memref<16xi32, #tpu.memory_space<vmem>>
    "tpu.region"() ({
      %run_scoped3A = tpu.sem_alloc : memref<!tpu.dma_semaphore, #tpu.memory_space<semaphore_mem>>
      %dma_start3A_163 = arith.constant 0 : i32
      %dma_start3A_164 = tpu.memref_slice %empty_ref3A[%dma_start3A_163] : memref<16xi32, #tpu.memory_space<vmem>> -> memref<1xi32, #tpu.memory_space<vmem>>
      %dma_start3A_165 = arith.constant 0 : i32
      %dma_start3A_166 = tpu.memref_slice %empty_ref3A[%dma_start3A_165] : memref<16xi32, #tpu.memory_space<vmem>> -> memref<1xi32, #tpu.memory_space<vmem>>
      tpu.enqueue_dma source(%arg4 : memref<1xi32, #tpu.memory_space<hbm>>) target(%dma_start3A_166 : memref<1xi32, #tpu.memory_space<vmem>>) target_semaphore(%run_scoped3A : memref<!tpu.dma_semaphore, #tpu.memory_space<semaphore_mem>>)
      %dma_start3A_167 = arith.constant 0 : i32
      %dma_start3A_168 = tpu.memref_slice %empty_ref3A_0[%dma_start3A_167] : memref<16xi32, #tpu.memory_space<vmem>> -> memref<1xi32, #tpu.memory_space<vmem>>
      %dma_start3A_169 = arith.constant 0 : i32
      %dma_start3A_170 = tpu.memref_slice %empty_ref3A_0[%dma_start3A_169] : memref<16xi32, #tpu.memory_space<vmem>> -> memref<1xi32, #tpu.memory_space<vmem>>
      tpu.enqueue_dma source(%arg5 : memref<1xi32, #tpu.memory_space<hbm>>) target(%dma_start3A_170 : memref<1xi32, #tpu.memory_space<vmem>>) target_semaphore(%run_scoped3A : memref<!tpu.dma_semaphore, #tpu.memory_space<semaphore_mem>>)
      %dma_start3A_171 = arith.constant 0 : i32
      %dma_start3A_172 = tpu.memref_slice %empty_ref3A_1[%dma_start3A_171] : memref<16xi32, #tpu.memory_space<vmem>> -> memref<1xi32, #tpu.memory_space<vmem>>
      %dma_start3A_173 = arith.constant 0 : i32
      %dma_start3A_174 = tpu.memref_slice %empty_ref3A_1[%dma_start3A_173] : memref<16xi32, #tpu.memory_space<vmem>> -> memref<1xi32, #tpu.memory_space<vmem>>
      tpu.enqueue_dma source(%arg6 : memref<1xi32, #tpu.memory_space<hbm>>) target(%dma_start3A_174 : memref<1xi32, #tpu.memory_space<vmem>>) target_semaphore(%run_scoped3A : memref<!tpu.dma_semaphore, #tpu.memory_space<semaphore_mem>>)
      %dma_start3A_175 = arith.constant 0 : i32
      %dma_start3A_176 = tpu.memref_slice %empty_ref3A_2[%dma_start3A_175] : memref<16xi32, #tpu.memory_space<vmem>> -> memref<1xi32, #tpu.memory_space<vmem>>
      %dma_start3A_177 = arith.constant 0 : i32
      %dma_start3A_178 = tpu.memref_slice %empty_ref3A_2[%dma_start3A_177] : memref<16xi32, #tpu.memory_space<vmem>> -> memref<1xi32, #tpu.memory_space<vmem>>
      tpu.enqueue_dma source(%arg7 : memref<1xi32, #tpu.memory_space<hbm>>) target(%dma_start3A_178 : memref<1xi32, #tpu.memory_space<vmem>>) target_semaphore(%run_scoped3A : memref<!tpu.dma_semaphore, #tpu.memory_space<semaphore_mem>>)
      %dma_start3A_179 = arith.constant 0 : i32
      %dma_start3A_180 = tpu.memref_slice %empty_ref3A_3[%dma_start3A_179] : memref<16xi32, #tpu.memory_space<vmem>> -> memref<1xi32, #tpu.memory_space<vmem>>
      %dma_start3A_181 = arith.constant 0 : i32
      %dma_start3A_182 = tpu.memref_slice %empty_ref3A_3[%dma_start3A_181] : memref<16xi32, #tpu.memory_space<vmem>> -> memref<1xi32, #tpu.memory_space<vmem>>
      tpu.enqueue_dma source(%arg8 : memref<1xi32, #tpu.memory_space<hbm>>) target(%dma_start3A_182 : memref<1xi32, #tpu.memory_space<vmem>>) target_semaphore(%run_scoped3A : memref<!tpu.dma_semaphore, #tpu.memory_space<semaphore_mem>>)
      %dma_start3A_183 = arith.constant 0 : i32
      %dma_start3A_184 = tpu.memref_slice %empty_ref3A_4[%dma_start3A_183] : memref<16xi32, #tpu.memory_space<vmem>> -> memref<1xi32, #tpu.memory_space<vmem>>
      %dma_start3A_185 = arith.constant 0 : i32
      %dma_start3A_186 = tpu.memref_slice %empty_ref3A_4[%dma_start3A_185] : memref<16xi32, #tpu.memory_space<vmem>> -> memref<1xi32, #tpu.memory_space<vmem>>
      tpu.enqueue_dma source(%arg9 : memref<1xi32, #tpu.memory_space<hbm>>) target(%dma_start3A_186 : memref<1xi32, #tpu.memory_space<vmem>>) target_semaphore(%run_scoped3A : memref<!tpu.dma_semaphore, #tpu.memory_space<semaphore_mem>>)
      %dma_start3A_187 = arith.constant 0 : i32
      %dma_start3A_188 = tpu.memref_slice %empty_ref3A_5[%dma_start3A_187] : memref<16xi32, #tpu.memory_space<vmem>> -> memref<1xi32, #tpu.memory_space<vmem>>
      %dma_start3A_189 = arith.constant 0 : i32
      %dma_start3A_190 = tpu.memref_slice %empty_ref3A_5[%dma_start3A_189] : memref<16xi32, #tpu.memory_space<vmem>> -> memref<1xi32, #tpu.memory_space<vmem>>
      tpu.enqueue_dma source(%arg10 : memref<1xi32, #tpu.memory_space<hbm>>) target(%dma_start3A_190 : memref<1xi32, #tpu.memory_space<vmem>>) target_semaphore(%run_scoped3A : memref<!tpu.dma_semaphore, #tpu.memory_space<semaphore_mem>>)
      %dma_start3A_191 = arith.constant 0 : i32
      %dma_start3A_192 = tpu.memref_slice %empty_ref3A_6[%dma_start3A_191] : memref<16xi32, #tpu.memory_space<vmem>> -> memref<1xi32, #tpu.memory_space<vmem>>
      %dma_start3A_193 = arith.constant 0 : i32
      %dma_start3A_194 = tpu.memref_slice %empty_ref3A_6[%dma_start3A_193] : memref<16xi32, #tpu.memory_space<vmem>> -> memref<1xi32, #tpu.memory_space<vmem>>
      tpu.enqueue_dma source(%arg11 : memref<1xi32, #tpu.memory_space<hbm>>) target(%dma_start3A_194 : memref<1xi32, #tpu.memory_space<vmem>>) target_semaphore(%run_scoped3A : memref<!tpu.dma_semaphore, #tpu.memory_space<semaphore_mem>>)
      %dma_start3A_195 = arith.constant 0 : i32
      %dma_start3A_196 = tpu.memref_slice %empty_ref3A_7[%dma_start3A_195] : memref<16xi32, #tpu.memory_space<vmem>> -> memref<1xi32, #tpu.memory_space<vmem>>
      %dma_start3A_197 = arith.constant 0 : i32
      %dma_start3A_198 = tpu.memref_slice %empty_ref3A_7[%dma_start3A_197] : memref<16xi32, #tpu.memory_space<vmem>> -> memref<1xi32, #tpu.memory_space<vmem>>
      tpu.enqueue_dma source(%arg12 : memref<1xi32, #tpu.memory_space<hbm>>) target(%dma_start3A_198 : memref<1xi32, #tpu.memory_space<vmem>>) target_semaphore(%run_scoped3A : memref<!tpu.dma_semaphore, #tpu.memory_space<semaphore_mem>>)
      %dma_start3A_199 = arith.constant 0 : i32
      %dma_start3A_200 = tpu.memref_slice %empty_ref3A_8[%dma_start3A_199] : memref<16xi32, #tpu.memory_space<vmem>> -> memref<1xi32, #tpu.memory_space<vmem>>
      %dma_start3A_201 = arith.constant 0 : i32
      %dma_start3A_202 = tpu.memref_slice %empty_ref3A_8[%dma_start3A_201] : memref<16xi32, #tpu.memory_space<vmem>> -> memref<1xi32, #tpu.memory_space<vmem>>
      tpu.enqueue_dma source(%arg13 : memref<1xi32, #tpu.memory_space<hbm>>) target(%dma_start3A_202 : memref<1xi32, #tpu.memory_space<vmem>>) target_semaphore(%run_scoped3A : memref<!tpu.dma_semaphore, #tpu.memory_space<semaphore_mem>>)
      %dma_start3A_203 = arith.constant 0 : i32
      %dma_start3A_204 = tpu.memref_slice %empty_ref3A_9[%dma_start3A_203] : memref<16xi32, #tpu.memory_space<vmem>> -> memref<1xi32, #tpu.memory_space<vmem>>
      %dma_start3A_205 = arith.constant 0 : i32
      %dma_start3A_206 = tpu.memref_slice %empty_ref3A_9[%dma_start3A_205] : memref<16xi32, #tpu.memory_space<vmem>> -> memref<1xi32, #tpu.memory_space<vmem>>
      tpu.enqueue_dma source(%arg14 : memref<1xi32, #tpu.memory_space<hbm>>) target(%dma_start3A_206 : memref<1xi32, #tpu.memory_space<vmem>>) target_semaphore(%run_scoped3A : memref<!tpu.dma_semaphore, #tpu.memory_space<semaphore_mem>>)
      %dma_start3A_207 = arith.constant 0 : i32
      %dma_start3A_208 = tpu.memref_slice %empty_ref3A_10[%dma_start3A_207] : memref<16xi32, #tpu.memory_space<vmem>> -> memref<1xi32, #tpu.memory_space<vmem>>
      %dma_start3A_209 = arith.constant 0 : i32
      %dma_start3A_210 = tpu.memref_slice %empty_ref3A_10[%dma_start3A_209] : memref<16xi32, #tpu.memory_space<vmem>> -> memref<1xi32, #tpu.memory_space<vmem>>
      tpu.enqueue_dma source(%arg15 : memref<1xi32, #tpu.memory_space<hbm>>) target(%dma_start3A_210 : memref<1xi32, #tpu.memory_space<vmem>>) target_semaphore(%run_scoped3A : memref<!tpu.dma_semaphore, #tpu.memory_space<semaphore_mem>>)
      %dma_start3A_211 = arith.constant 0 : i32
      %dma_start3A_212 = tpu.memref_slice %empty_ref3A_11[%dma_start3A_211] : memref<16xi32, #tpu.memory_space<vmem>> -> memref<1xi32, #tpu.memory_space<vmem>>
      %dma_start3A_213 = arith.constant 0 : i32
      %dma_start3A_214 = tpu.memref_slice %empty_ref3A_11[%dma_start3A_213] : memref<16xi32, #tpu.memory_space<vmem>> -> memref<1xi32, #tpu.memory_space<vmem>>
      tpu.enqueue_dma source(%arg16 : memref<1xi32, #tpu.memory_space<hbm>>) target(%dma_start3A_214 : memref<1xi32, #tpu.memory_space<vmem>>) target_semaphore(%run_scoped3A : memref<!tpu.dma_semaphore, #tpu.memory_space<semaphore_mem>>)
      %dma_start3A_215 = arith.constant 0 : i32
      %dma_start3A_216 = tpu.memref_slice %empty_ref3A_12[%dma_start3A_215] : memref<16xi32, #tpu.memory_space<vmem>> -> memref<1xi32, #tpu.memory_space<vmem>>
      %dma_start3A_217 = arith.constant 0 : i32
      %dma_start3A_218 = tpu.memref_slice %empty_ref3A_12[%dma_start3A_217] : memref<16xi32, #tpu.memory_space<vmem>> -> memref<1xi32, #tpu.memory_space<vmem>>
      tpu.enqueue_dma source(%arg17 : memref<1xi32, #tpu.memory_space<hbm>>) target(%dma_start3A_218 : memref<1xi32, #tpu.memory_space<vmem>>) target_semaphore(%run_scoped3A : memref<!tpu.dma_semaphore, #tpu.memory_space<semaphore_mem>>)
      %dma_start3A_219 = arith.constant 0 : i32
      %dma_start3A_220 = tpu.memref_slice %empty_ref3A_13[%dma_start3A_219] : memref<16xi32, #tpu.memory_space<vmem>> -> memref<1xi32, #tpu.memory_space<vmem>>
      %dma_start3A_221 = arith.constant 0 : i32
      %dma_start3A_222 = tpu.memref_slice %empty_ref3A_13[%dma_start3A_221] : memref<16xi32, #tpu.memory_space<vmem>> -> memref<1xi32, #tpu.memory_space<vmem>>
      tpu.enqueue_dma source(%arg18 : memref<1xi32, #tpu.memory_space<hbm>>) target(%dma_start3A_222 : memref<1xi32, #tpu.memory_space<vmem>>) target_semaphore(%run_scoped3A : memref<!tpu.dma_semaphore, #tpu.memory_space<semaphore_mem>>)
      %dma_start3A_223 = arith.constant 0 : i32
      %dma_start3A_224 = tpu.memref_slice %empty_ref3A_14[%dma_start3A_223] : memref<16xi32, #tpu.memory_space<vmem>> -> memref<1xi32, #tpu.memory_space<vmem>>
      %dma_start3A_225 = arith.constant 0 : i32
      %dma_start3A_226 = tpu.memref_slice %empty_ref3A_14[%dma_start3A_225] : memref<16xi32, #tpu.memory_space<vmem>> -> memref<1xi32, #tpu.memory_space<vmem>>
      tpu.enqueue_dma source(%arg19 : memref<1xi32, #tpu.memory_space<hbm>>) target(%dma_start3A_226 : memref<1xi32, #tpu.memory_space<vmem>>) target_semaphore(%run_scoped3A : memref<!tpu.dma_semaphore, #tpu.memory_space<semaphore_mem>>)
      %dma_start3A_227 = arith.constant 0 : i32
      %dma_start3A_228 = tpu.memref_slice %empty_ref3A_15[%dma_start3A_227] : memref<16xi32, #tpu.memory_space<vmem>> -> memref<1xi32, #tpu.memory_space<vmem>>
      %dma_start3A_229 = arith.constant 0 : i32
      %dma_start3A_230 = tpu.memref_slice %empty_ref3A_15[%dma_start3A_229] : memref<16xi32, #tpu.memory_space<vmem>> -> memref<1xi32, #tpu.memory_space<vmem>>
      tpu.enqueue_dma source(%arg20 : memref<1xi32, #tpu.memory_space<hbm>>) target(%dma_start3A_230 : memref<1xi32, #tpu.memory_space<vmem>>) target_semaphore(%run_scoped3A : memref<!tpu.dma_semaphore, #tpu.memory_space<semaphore_mem>>)
      %dma_start3A_231 = arith.constant 0 : i32
      %dma_start3A_232 = tpu.memref_slice %empty_ref3A_16[%dma_start3A_231] : memref<16xi32, #tpu.memory_space<vmem>> -> memref<1xi32, #tpu.memory_space<vmem>>
      %dma_start3A_233 = arith.constant 0 : i32
      %dma_start3A_234 = tpu.memref_slice %empty_ref3A_16[%dma_start3A_233] : memref<16xi32, #tpu.memory_space<vmem>> -> memref<1xi32, #tpu.memory_space<vmem>>
      tpu.enqueue_dma source(%arg21 : memref<1xi32, #tpu.memory_space<hbm>>) target(%dma_start3A_234 : memref<1xi32, #tpu.memory_space<vmem>>) target_semaphore(%run_scoped3A : memref<!tpu.dma_semaphore, #tpu.memory_space<semaphore_mem>>)
      %dma_start3A_235 = arith.constant 0 : i32
      %dma_start3A_236 = tpu.memref_slice %empty_ref3A_17[%dma_start3A_235] : memref<16xi32, #tpu.memory_space<vmem>> -> memref<1xi32, #tpu.memory_space<vmem>>
      %dma_start3A_237 = arith.constant 0 : i32
      %dma_start3A_238 = tpu.memref_slice %empty_ref3A_17[%dma_start3A_237] : memref<16xi32, #tpu.memory_space<vmem>> -> memref<1xi32, #tpu.memory_space<vmem>>
      tpu.enqueue_dma source(%arg22 : memref<1xi32, #tpu.memory_space<hbm>>) target(%dma_start3A_238 : memref<1xi32, #tpu.memory_space<vmem>>) target_semaphore(%run_scoped3A : memref<!tpu.dma_semaphore, #tpu.memory_space<semaphore_mem>>)
      %dma_start3A_239 = arith.constant 0 : i32
      %dma_start3A_240 = tpu.memref_slice %empty_ref3A_18[%dma_start3A_239] : memref<16xi32, #tpu.memory_space<vmem>> -> memref<1xi32, #tpu.memory_space<vmem>>
      %dma_start3A_241 = arith.constant 0 : i32
      %dma_start3A_242 = tpu.memref_slice %empty_ref3A_18[%dma_start3A_241] : memref<16xi32, #tpu.memory_space<vmem>> -> memref<1xi32, #tpu.memory_space<vmem>>
      tpu.enqueue_dma source(%arg23 : memref<1xi32, #tpu.memory_space<hbm>>) target(%dma_start3A_242 : memref<1xi32, #tpu.memory_space<vmem>>) target_semaphore(%run_scoped3A : memref<!tpu.dma_semaphore, #tpu.memory_space<semaphore_mem>>)
      %dma_wait3A_243 = arith.constant 0 : i32
      %dma_wait3A_244 = tpu.memref_slice %empty_ref3A[%dma_wait3A_243] : memref<16xi32, #tpu.memory_space<vmem>> -> memref<1xi32, #tpu.memory_space<vmem>>
      %dma_wait3A_245 = arith.constant 0 : i32
      %dma_wait3A_246 = tpu.memref_slice %empty_ref3A[%dma_wait3A_245] : memref<16xi32, #tpu.memory_space<vmem>> -> memref<1xi32, #tpu.memory_space<vmem>>
      tpu.wait_dma2 semaphore(%run_scoped3A : memref<!tpu.dma_semaphore, #tpu.memory_space<semaphore_mem>>) src(%arg4 : memref<1xi32, #tpu.memory_space<hbm>>) dst(%dma_wait3A_246 : memref<1xi32, #tpu.memory_space<vmem>>)
      %dma_wait3A_247 = arith.constant 0 : i32
      %dma_wait3A_248 = tpu.memref_slice %empty_ref3A_0[%dma_wait3A_247] : memref<16xi32, #tpu.memory_space<vmem>> -> memref<1xi32, #tpu.memory_space<vmem>>
      %dma_wait3A_249 = arith.constant 0 : i32
      %dma_wait3A_250 = tpu.memref_slice %empty_ref3A_0[%dma_wait3A_249] : memref<16xi32, #tpu.memory_space<vmem>> -> memref<1xi32, #tpu.memory_space<vmem>>
      tpu.wait_dma2 semaphore(%run_scoped3A : memref<!tpu.dma_semaphore, #tpu.memory_space<semaphore_mem>>) src(%arg5 : memref<1xi32, #tpu.memory_space<hbm>>) dst(%dma_wait3A_250 : memref<1xi32, #tpu.memory_space<vmem>>)
      %dma_wait3A_251 = arith.constant 0 : i32
      %dma_wait3A_252 = tpu.memref_slice %empty_ref3A_1[%dma_wait3A_251] : memref<16xi32, #tpu.memory_space<vmem>> -> memref<1xi32, #tpu.memory_space<vmem>>
      %dma_wait3A_253 = arith.constant 0 : i32
      %dma_wait3A_254 = tpu.memref_slice %empty_ref3A_1[%dma_wait3A_253] : memref<16xi32, #tpu.memory_space<vmem>> -> memref<1xi32, #tpu.memory_space<vmem>>
      tpu.wait_dma2 semaphore(%run_scoped3A : memref<!tpu.dma_semaphore, #tpu.memory_space<semaphore_mem>>) src(%arg6 : memref<1xi32, #tpu.memory_space<hbm>>) dst(%dma_wait3A_254 : memref<1xi32, #tpu.memory_space<vmem>>)
      %dma_wait3A_255 = arith.constant 0 : i32
      %dma_wait3A_256 = tpu.memref_slice %empty_ref3A_2[%dma_wait3A_255] : memref<16xi32, #tpu.memory_space<vmem>> -> memref<1xi32, #tpu.memory_space<vmem>>
      %dma_wait3A_257 = arith.constant 0 : i32
      %dma_wait3A_258 = tpu.memref_slice %empty_ref3A_2[%dma_wait3A_257] : memref<16xi32, #tpu.memory_space<vmem>> -> memref<1xi32, #tpu.memory_space<vmem>>
      tpu.wait_dma2 semaphore(%run_scoped3A : memref<!tpu.dma_semaphore, #tpu.memory_space<semaphore_mem>>) src(%arg7 : memref<1xi32, #tpu.memory_space<hbm>>) dst(%dma_wait3A_258 : memref<1xi32, #tpu.memory_space<vmem>>)
      %dma_wait3A_259 = arith.constant 0 : i32
      %dma_wait3A_260 = tpu.memref_slice %empty_ref3A_3[%dma_wait3A_259] : memref<16xi32, #tpu.memory_space<vmem>> -> memref<1xi32, #tpu.memory_space<vmem>>
      %dma_wait3A_261 = arith.constant 0 : i32
      %dma_wait3A_262 = tpu.memref_slice %empty_ref3A_3[%dma_wait3A_261] : memref<16xi32, #tpu.memory_space<vmem>> -> memref<1xi32, #tpu.memory_space<vmem>>
      tpu.wait_dma2 semaphore(%run_scoped3A : memref<!tpu.dma_semaphore, #tpu.memory_space<semaphore_mem>>) src(%arg8 : memref<1xi32, #tpu.memory_space<hbm>>) dst(%dma_wait3A_262 : memref<1xi32, #tpu.memory_space<vmem>>)
      %dma_wait3A_263 = arith.constant 0 : i32
      %dma_wait3A_264 = tpu.memref_slice %empty_ref3A_4[%dma_wait3A_263] : memref<16xi32, #tpu.memory_space<vmem>> -> memref<1xi32, #tpu.memory_space<vmem>>
      %dma_wait3A_265 = arith.constant 0 : i32
      %dma_wait3A_266 = tpu.memref_slice %empty_ref3A_4[%dma_wait3A_265] : memref<16xi32, #tpu.memory_space<vmem>> -> memref<1xi32, #tpu.memory_space<vmem>>
      tpu.wait_dma2 semaphore(%run_scoped3A : memref<!tpu.dma_semaphore, #tpu.memory_space<semaphore_mem>>) src(%arg9 : memref<1xi32, #tpu.memory_space<hbm>>) dst(%dma_wait3A_266 : memref<1xi32, #tpu.memory_space<vmem>>)
      %dma_wait3A_267 = arith.constant 0 : i32
      %dma_wait3A_268 = tpu.memref_slice %empty_ref3A_5[%dma_wait3A_267] : memref<16xi32, #tpu.memory_space<vmem>> -> memref<1xi32, #tpu.memory_space<vmem>>
      %dma_wait3A_269 = arith.constant 0 : i32
      %dma_wait3A_270 = tpu.memref_slice %empty_ref3A_5[%dma_wait3A_269] : memref<16xi32, #tpu.memory_space<vmem>> -> memref<1xi32, #tpu.memory_space<vmem>>
      tpu.wait_dma2 semaphore(%run_scoped3A : memref<!tpu.dma_semaphore, #tpu.memory_space<semaphore_mem>>) src(%arg10 : memref<1xi32, #tpu.memory_space<hbm>>) dst(%dma_wait3A_270 : memref<1xi32, #tpu.memory_space<vmem>>)
      %dma_wait3A_271 = arith.constant 0 : i32
      %dma_wait3A_272 = tpu.memref_slice %empty_ref3A_6[%dma_wait3A_271] : memref<16xi32, #tpu.memory_space<vmem>> -> memref<1xi32, #tpu.memory_space<vmem>>
      %dma_wait3A_273 = arith.constant 0 : i32
      %dma_wait3A_274 = tpu.memref_slice %empty_ref3A_6[%dma_wait3A_273] : memref<16xi32, #tpu.memory_space<vmem>> -> memref<1xi32, #tpu.memory_space<vmem>>
      tpu.wait_dma2 semaphore(%run_scoped3A : memref<!tpu.dma_semaphore, #tpu.memory_space<semaphore_mem>>) src(%arg11 : memref<1xi32, #tpu.memory_space<hbm>>) dst(%dma_wait3A_274 : memref<1xi32, #tpu.memory_space<vmem>>)
      %dma_wait3A_275 = arith.constant 0 : i32
      %dma_wait3A_276 = tpu.memref_slice %empty_ref3A_7[%dma_wait3A_275] : memref<16xi32, #tpu.memory_space<vmem>> -> memref<1xi32, #tpu.memory_space<vmem>>
      %dma_wait3A_277 = arith.constant 0 : i32
      %dma_wait3A_278 = tpu.memref_slice %empty_ref3A_7[%dma_wait3A_277] : memref<16xi32, #tpu.memory_space<vmem>> -> memref<1xi32, #tpu.memory_space<vmem>>
      tpu.wait_dma2 semaphore(%run_scoped3A : memref<!tpu.dma_semaphore, #tpu.memory_space<semaphore_mem>>) src(%arg12 : memref<1xi32, #tpu.memory_space<hbm>>) dst(%dma_wait3A_278 : memref<1xi32, #tpu.memory_space<vmem>>)
      %dma_wait3A_279 = arith.constant 0 : i32
      %dma_wait3A_280 = tpu.memref_slice %empty_ref3A_8[%dma_wait3A_279] : memref<16xi32, #tpu.memory_space<vmem>> -> memref<1xi32, #tpu.memory_space<vmem>>
      %dma_wait3A_281 = arith.constant 0 : i32
      %dma_wait3A_282 = tpu.memref_slice %empty_ref3A_8[%dma_wait3A_281] : memref<16xi32, #tpu.memory_space<vmem>> -> memref<1xi32, #tpu.memory_space<vmem>>
      tpu.wait_dma2 semaphore(%run_scoped3A : memref<!tpu.dma_semaphore, #tpu.memory_space<semaphore_mem>>) src(%arg13 : memref<1xi32, #tpu.memory_space<hbm>>) dst(%dma_wait3A_282 : memref<1xi32, #tpu.memory_space<vmem>>)
      %dma_wait3A_283 = arith.constant 0 : i32
      %dma_wait3A_284 = tpu.memref_slice %empty_ref3A_9[%dma_wait3A_283] : memref<16xi32, #tpu.memory_space<vmem>> -> memref<1xi32, #tpu.memory_space<vmem>>
      %dma_wait3A_285 = arith.constant 0 : i32
      %dma_wait3A_286 = tpu.memref_slice %empty_ref3A_9[%dma_wait3A_285] : memref<16xi32, #tpu.memory_space<vmem>> -> memref<1xi32, #tpu.memory_space<vmem>>
      tpu.wait_dma2 semaphore(%run_scoped3A : memref<!tpu.dma_semaphore, #tpu.memory_space<semaphore_mem>>) src(%arg14 : memref<1xi32, #tpu.memory_space<hbm>>) dst(%dma_wait3A_286 : memref<1xi32, #tpu.memory_space<vmem>>)
      %dma_wait3A_287 = arith.constant 0 : i32
      %dma_wait3A_288 = tpu.memref_slice %empty_ref3A_10[%dma_wait3A_287] : memref<16xi32, #tpu.memory_space<vmem>> -> memref<1xi32, #tpu.memory_space<vmem>>
      %dma_wait3A_289 = arith.constant 0 : i32
      %dma_wait3A_290 = tpu.memref_slice %empty_ref3A_10[%dma_wait3A_289] : memref<16xi32, #tpu.memory_space<vmem>> -> memref<1xi32, #tpu.memory_space<vmem>>
      tpu.wait_dma2 semaphore(%run_scoped3A : memref<!tpu.dma_semaphore, #tpu.memory_space<semaphore_mem>>) src(%arg15 : memref<1xi32, #tpu.memory_space<hbm>>) dst(%dma_wait3A_290 : memref<1xi32, #tpu.memory_space<vmem>>)
      %dma_wait3A_291 = arith.constant 0 : i32
      %dma_wait3A_292 = tpu.memref_slice %empty_ref3A_11[%dma_wait3A_291] : memref<16xi32, #tpu.memory_space<vmem>> -> memref<1xi32, #tpu.memory_space<vmem>>
      %dma_wait3A_293 = arith.constant 0 : i32
      %dma_wait3A_294 = tpu.memref_slice %empty_ref3A_11[%dma_wait3A_293] : memref<16xi32, #tpu.memory_space<vmem>> -> memref<1xi32, #tpu.memory_space<vmem>>
      tpu.wait_dma2 semaphore(%run_scoped3A : memref<!tpu.dma_semaphore, #tpu.memory_space<semaphore_mem>>) src(%arg16 : memref<1xi32, #tpu.memory_space<hbm>>) dst(%dma_wait3A_294 : memref<1xi32, #tpu.memory_space<vmem>>)
      %dma_wait3A_295 = arith.constant 0 : i32
      %dma_wait3A_296 = tpu.memref_slice %empty_ref3A_12[%dma_wait3A_295] : memref<16xi32, #tpu.memory_space<vmem>> -> memref<1xi32, #tpu.memory_space<vmem>>
      %dma_wait3A_297 = arith.constant 0 : i32
      %dma_wait3A_298 = tpu.memref_slice %empty_ref3A_12[%dma_wait3A_297] : memref<16xi32, #tpu.memory_space<vmem>> -> memref<1xi32, #tpu.memory_space<vmem>>
      tpu.wait_dma2 semaphore(%run_scoped3A : memref<!tpu.dma_semaphore, #tpu.memory_space<semaphore_mem>>) src(%arg17 : memref<1xi32, #tpu.memory_space<hbm>>) dst(%dma_wait3A_298 : memref<1xi32, #tpu.memory_space<vmem>>)
      %dma_wait3A_299 = arith.constant 0 : i32
      %dma_wait3A_300 = tpu.memref_slice %empty_ref3A_13[%dma_wait3A_299] : memref<16xi32, #tpu.memory_space<vmem>> -> memref<1xi32, #tpu.memory_space<vmem>>
      %dma_wait3A_301 = arith.constant 0 : i32
      %dma_wait3A_302 = tpu.memref_slice %empty_ref3A_13[%dma_wait3A_301] : memref<16xi32, #tpu.memory_space<vmem>> -> memref<1xi32, #tpu.memory_space<vmem>>
      tpu.wait_dma2 semaphore(%run_scoped3A : memref<!tpu.dma_semaphore, #tpu.memory_space<semaphore_mem>>) src(%arg18 : memref<1xi32, #tpu.memory_space<hbm>>) dst(%dma_wait3A_302 : memref<1xi32, #tpu.memory_space<vmem>>)
      %dma_wait3A_303 = arith.constant 0 : i32
      %dma_wait3A_304 = tpu.memref_slice %empty_ref3A_14[%dma_wait3A_303] : memref<16xi32, #tpu.memory_space<vmem>> -> memref<1xi32, #tpu.memory_space<vmem>>
      %dma_wait3A_305 = arith.constant 0 : i32
      %dma_wait3A_306 = tpu.memref_slice %empty_ref3A_14[%dma_wait3A_305] : memref<16xi32, #tpu.memory_space<vmem>> -> memref<1xi32, #tpu.memory_space<vmem>>
      tpu.wait_dma2 semaphore(%run_scoped3A : memref<!tpu.dma_semaphore, #tpu.memory_space<semaphore_mem>>) src(%arg19 : memref<1xi32, #tpu.memory_space<hbm>>) dst(%dma_wait3A_306 : memref<1xi32, #tpu.memory_space<vmem>>)
      %dma_wait3A_307 = arith.constant 0 : i32
      %dma_wait3A_308 = tpu.memref_slice %empty_ref3A_15[%dma_wait3A_307] : memref<16xi32, #tpu.memory_space<vmem>> -> memref<1xi32, #tpu.memory_space<vmem>>
      %dma_wait3A_309 = arith.constant 0 : i32
      %dma_wait3A_310 = tpu.memref_slice %empty_ref3A_15[%dma_wait3A_309] : memref<16xi32, #tpu.memory_space<vmem>> -> memref<1xi32, #tpu.memory_space<vmem>>
      tpu.wait_dma2 semaphore(%run_scoped3A : memref<!tpu.dma_semaphore, #tpu.memory_space<semaphore_mem>>) src(%arg20 : memref<1xi32, #tpu.memory_space<hbm>>) dst(%dma_wait3A_310 : memref<1xi32, #tpu.memory_space<vmem>>)
      %dma_wait3A_311 = arith.constant 0 : i32
      %dma_wait3A_312 = tpu.memref_slice %empty_ref3A_16[%dma_wait3A_311] : memref<16xi32, #tpu.memory_space<vmem>> -> memref<1xi32, #tpu.memory_space<vmem>>
      %dma_wait3A_313 = arith.constant 0 : i32
      %dma_wait3A_314 = tpu.memref_slice %empty_ref3A_16[%dma_wait3A_313] : memref<16xi32, #tpu.memory_space<vmem>> -> memref<1xi32, #tpu.memory_space<vmem>>
      tpu.wait_dma2 semaphore(%run_scoped3A : memref<!tpu.dma_semaphore, #tpu.memory_space<semaphore_mem>>) src(%arg21 : memref<1xi32, #tpu.memory_space<hbm>>) dst(%dma_wait3A_314 : memref<1xi32, #tpu.memory_space<vmem>>)
      %dma_wait3A_315 = arith.constant 0 : i32
      %dma_wait3A_316 = tpu.memref_slice %empty_ref3A_17[%dma_wait3A_315] : memref<16xi32, #tpu.memory_space<vmem>> -> memref<1xi32, #tpu.memory_space<vmem>>
      %dma_wait3A_317 = arith.constant 0 : i32
      %dma_wait3A_318 = tpu.memref_slice %empty_ref3A_17[%dma_wait3A_317] : memref<16xi32, #tpu.memory_space<vmem>> -> memref<1xi32, #tpu.memory_space<vmem>>
      tpu.wait_dma2 semaphore(%run_scoped3A : memref<!tpu.dma_semaphore, #tpu.memory_space<semaphore_mem>>) src(%arg22 : memref<1xi32, #tpu.memory_space<hbm>>) dst(%dma_wait3A_318 : memref<1xi32, #tpu.memory_space<vmem>>)
      %dma_wait3A_319 = arith.constant 0 : i32
      %dma_wait3A_320 = tpu.memref_slice %empty_ref3A_18[%dma_wait3A_319] : memref<16xi32, #tpu.memory_space<vmem>> -> memref<1xi32, #tpu.memory_space<vmem>>
      %dma_wait3A_321 = arith.constant 0 : i32
      %dma_wait3A_322 = tpu.memref_slice %empty_ref3A_18[%dma_wait3A_321] : memref<16xi32, #tpu.memory_space<vmem>> -> memref<1xi32, #tpu.memory_space<vmem>>
      tpu.wait_dma2 semaphore(%run_scoped3A : memref<!tpu.dma_semaphore, #tpu.memory_space<semaphore_mem>>) src(%arg23 : memref<1xi32, #tpu.memory_space<hbm>>) dst(%dma_wait3A_322 : memref<1xi32, #tpu.memory_space<vmem>>)
      tpu.yield
    }) : () -> ()
    %get3A = arith.constant 0 : index
    %get3A_19 = tpu.vector_load %empty_ref3A[%get3A] {strides = array<i32>} : memref<16xi32, #tpu.memory_space<vmem>>, vector<16xi32>,
    %get3A_20 = vector.shape_cast %get3A_19 : vector<16xi32> to vector<16xi32>
    %slice3A = vector.extract_strided_slice %get3A_20 {offsets = [0], sizes = [1], strides = [1]} : vector<16xi32> to vector<1xi32>
    %squeeze3A = vector.extract %slice3A[0] : i32 from vector<1xi32>
    %get3A_21 = arith.constant 0 : index
    %get3A_22 = tpu.vector_load %empty_ref3A_0[%get3A_21] {strides = array<i32>} : memref<16xi32, #tpu.memory_space<vmem>>, vector<16xi32>,
    %get3A_23 = vector.shape_cast %get3A_22 : vector<16xi32> to vector<16xi32>
    %slice3A_24 = vector.extract_strided_slice %get3A_23 {offsets = [0], sizes = [1], strides = [1]} : vector<16xi32> to vector<1xi32>
    %squeeze3A_25 = vector.extract %slice3A_24[0] : i32 from vector<1xi32>
    %get3A_26 = arith.constant 0 : index
    %get3A_27 = tpu.vector_load %empty_ref3A_1[%get3A_26] {strides = array<i32>} : memref<16xi32, #tpu.memory_space<vmem>>, vector<16xi32>,
    %get3A_28 = vector.shape_cast %get3A_27 : vector<16xi32> to vector<16xi32>
    %slice3A_29 = vector.extract_strided_slice %get3A_28 {offsets = [0], sizes = [1], strides = [1]} : vector<16xi32> to vector<1xi32>
    %squeeze3A_30 = vector.extract %slice3A_29[0] : i32 from vector<1xi32>
    %get3A_31 = arith.constant 0 : index
    %get3A_32 = tpu.vector_load %empty_ref3A_2[%get3A_31] {strides = array<i32>} : memref<16xi32, #tpu.memory_space<vmem>>, vector<16xi32>,
    %get3A_33 = vector.shape_cast %get3A_32 : vector<16xi32> to vector<16xi32>
    %slice3A_34 = vector.extract_strided_slice %get3A_33 {offsets = [0], sizes = [1], strides = [1]} : vector<16xi32> to vector<1xi32>
    %squeeze3A_35 = vector.extract %slice3A_34[0] : i32 from vector<1xi32>
    %get3A_36 = arith.constant 0 : index
    %get3A_37 = tpu.vector_load %empty_ref3A_3[%get3A_36] {strides = array<i32>} : memref<16xi32, #tpu.memory_space<vmem>>, vector<16xi32>,
    %get3A_38 = vector.shape_cast %get3A_37 : vector<16xi32> to vector<16xi32>
    %slice3A_39 = vector.extract_strided_slice %get3A_38 {offsets = [0], sizes = [1], strides = [1]} : vector<16xi32> to vector<1xi32>
    %squeeze3A_40 = vector.extract %slice3A_39[0] : i32 from vector<1xi32>
    %get3A_41 = arith.constant 0 : index
    %get3A_42 = tpu.vector_load %empty_ref3A_4[%get3A_41] {strides = array<i32>} : memref<16xi32, #tpu.memory_space<vmem>>, vector<16xi32>,
    %get3A_43 = vector.shape_cast %get3A_42 : vector<16xi32> to vector<16xi32>
    %slice3A_44 = vector.extract_strided_slice %get3A_43 {offsets = [0], sizes = [1], strides = [1]} : vector<16xi32> to vector<1xi32>
    %squeeze3A_45 = vector.extract %slice3A_44[0] : i32 from vector<1xi32>
    %get3A_46 = arith.constant 0 : index
    %get3A_47 = tpu.vector_load %empty_ref3A_5[%get3A_46] {strides = array<i32>} : memref<16xi32, #tpu.memory_space<vmem>>, vector<16xi32>,
    %get3A_48 = vector.shape_cast %get3A_47 : vector<16xi32> to vector<16xi32>
    %slice3A_49 = vector.extract_strided_slice %get3A_48 {offsets = [0], sizes = [1], strides = [1]} : vector<16xi32> to vector<1xi32>
    %squeeze3A_50 = vector.extract %slice3A_49[0] : i32 from vector<1xi32>
    %get3A_51 = arith.constant 0 : index
    %get3A_52 = tpu.vector_load %empty_ref3A_6[%get3A_51] {strides = array<i32>} : memref<16xi32, #tpu.memory_space<vmem>>, vector<16xi32>,
    %get3A_53 = vector.shape_cast %get3A_52 : vector<16xi32> to vector<16xi32>
    %slice3A_54 = vector.extract_strided_slice %get3A_53 {offsets = [0], sizes = [1], strides = [1]} : vector<16xi32> to vector<1xi32>
    %squeeze3A_55 = vector.extract %slice3A_54[0] : i32 from vector<1xi32>
    %get3A_56 = arith.constant 0 : index
    %get3A_57 = tpu.vector_load %empty_ref3A_7[%get3A_56] {strides = array<i32>} : memref<16xi32, #tpu.memory_space<vmem>>, vector<16xi32>,
    %get3A_58 = vector.shape_cast %get3A_57 : vector<16xi32> to vector<16xi32>
    %slice3A_59 = vector.extract_strided_slice %get3A_58 {offsets = [0], sizes = [1], strides = [1]} : vector<16xi32> to vector<1xi32>
    %squeeze3A_60 = vector.extract %slice3A_59[0] : i32 from vector<1xi32>
    %get3A_61 = arith.constant 0 : index
    %get3A_62 = tpu.vector_load %empty_ref3A_8[%get3A_61] {strides = array<i32>} : memref<16xi32, #tpu.memory_space<vmem>>, vector<16xi32>,
    %get3A_63 = vector.shape_cast %get3A_62 : vector<16xi32> to vector<16xi32>
    %slice3A_64 = vector.extract_strided_slice %get3A_63 {offsets = [0], sizes = [1], strides = [1]} : vector<16xi32> to vector<1xi32>
    %squeeze3A_65 = vector.extract %slice3A_64[0] : i32 from vector<1xi32>
    %get3A_66 = arith.constant 0 : index
    %get3A_67 = tpu.vector_load %empty_ref3A_9[%get3A_66] {strides = array<i32>} : memref<16xi32, #tpu.memory_space<vmem>>, vector<16xi32>,
    %get3A_68 = vector.shape_cast %get3A_67 : vector<16xi32> to vector<16xi32>
    %slice3A_69 = vector.extract_strided_slice %get3A_68 {offsets = [0], sizes = [1], strides = [1]} : vector<16xi32> to vector<1xi32>
    %squeeze3A_70 = vector.extract %slice3A_69[0] : i32 from vector<1xi32>
    %get3A_71 = arith.constant 0 : index
    %get3A_72 = tpu.vector_load %empty_ref3A_10[%get3A_71] {strides = array<i32>} : memref<16xi32, #tpu.memory_space<vmem>>, vector<16xi32>,
    %get3A_73 = vector.shape_cast %get3A_72 : vector<16xi32> to vector<16xi32>
    %slice3A_74 = vector.extract_strided_slice %get3A_73 {offsets = [0], sizes = [1], strides = [1]} : vector<16xi32> to vector<1xi32>
    %squeeze3A_75 = vector.extract %slice3A_74[0] : i32 from vector<1xi32>
    %get3A_76 = arith.constant 0 : index
    %get3A_77 = tpu.vector_load %empty_ref3A_11[%get3A_76] {strides = array<i32>} : memref<16xi32, #tpu.memory_space<vmem>>, vector<16xi32>,
    %get3A_78 = vector.shape_cast %get3A_77 : vector<16xi32> to vector<16xi32>
    %slice3A_79 = vector.extract_strided_slice %get3A_78 {offsets = [0], sizes = [1], strides = [1]} : vector<16xi32> to vector<1xi32>
    %squeeze3A_80 = vector.extract %slice3A_79[0] : i32 from vector<1xi32>
    %get3A_81 = arith.constant 0 : index
    %get3A_82 = tpu.vector_load %empty_ref3A_12[%get3A_81] {strides = array<i32>} : memref<16xi32, #tpu.memory_space<vmem>>, vector<16xi32>,
    %get3A_83 = vector.shape_cast %get3A_82 : vector<16xi32> to vector<16xi32>
    %slice3A_84 = vector.extract_strided_slice %get3A_83 {offsets = [0], sizes = [1], strides = [1]} : vector<16xi32> to vector<1xi32>
    %squeeze3A_85 = vector.extract %slice3A_84[0] : i32 from vector<1xi32>
    %get3A_86 = arith.constant 0 : index
    %get3A_87 = tpu.vector_load %empty_ref3A_13[%get3A_86] {strides = array<i32>} : memref<16xi32, #tpu.memory_space<vmem>>, vector<16xi32>,
    %get3A_88 = vector.shape_cast %get3A_87 : vector<16xi32> to vector<16xi32>
    %slice3A_89 = vector.extract_strided_slice %get3A_88 {offsets = [0], sizes = [1], strides = [1]} : vector<16xi32> to vector<1xi32>
    %squeeze3A_90 = vector.extract %slice3A_89[0] : i32 from vector<1xi32>
    %get3A_91 = arith.constant 0 : index
    %get3A_92 = tpu.vector_load %empty_ref3A_14[%get3A_91] {strides = array<i32>} : memref<16xi32, #tpu.memory_space<vmem>>, vector<16xi32>,
    %get3A_93 = vector.shape_cast %get3A_92 : vector<16xi32> to vector<16xi32>
    %slice3A_94 = vector.extract_strided_slice %get3A_93 {offsets = [0], sizes = [1], strides = [1]} : vector<16xi32> to vector<1xi32>
    %squeeze3A_95 = vector.extract %slice3A_94[0] : i32 from vector<1xi32>
    %get3A_96 = arith.constant 0 : index
    %get3A_97 = tpu.vector_load %empty_ref3A_15[%get3A_96] {strides = array<i32>} : memref<16xi32, #tpu.memory_space<vmem>>, vector<16xi32>,
    %get3A_98 = vector.shape_cast %get3A_97 : vector<16xi32> to vector<16xi32>
    %slice3A_99 = vector.extract_strided_slice %get3A_98 {offsets = [0], sizes = [1], strides = [1]} : vector<16xi32> to vector<1xi32>
    %squeeze3A_100 = vector.extract %slice3A_99[0] : i32 from vector<1xi32>
    %get3A_101 = arith.constant 0 : index
    %get3A_102 = tpu.vector_load %empty_ref3A_16[%get3A_101] {strides = array<i32>} : memref<16xi32, #tpu.memory_space<vmem>>, vector<16xi32>,
    %get3A_103 = vector.shape_cast %get3A_102 : vector<16xi32> to vector<16xi32>
    %slice3A_104 = vector.extract_strided_slice %get3A_103 {offsets = [0], sizes = [1], strides = [1]} : vector<16xi32> to vector<1xi32>
    %squeeze3A_105 = vector.extract %slice3A_104[0] : i32 from vector<1xi32>
    %get3A_106 = arith.constant 0 : index
    %get3A_107 = tpu.vector_load %empty_ref3A_17[%get3A_106] {strides = array<i32>} : memref<16xi32, #tpu.memory_space<vmem>>, vector<16xi32>,
    %get3A_108 = vector.shape_cast %get3A_107 : vector<16xi32> to vector<16xi32>
    %slice3A_109 = vector.extract_strided_slice %get3A_108 {offsets = [0], sizes = [1], strides = [1]} : vector<16xi32> to vector<1xi32>
    %squeeze3A_110 = vector.extract %slice3A_109[0] : i32 from vector<1xi32>
    %get3A_111 = arith.constant 0 : index
    %get3A_112 = tpu.vector_load %empty_ref3A_18[%get3A_111] {strides = array<i32>} : memref<16xi32, #tpu.memory_space<vmem>>, vector<16xi32>,
    %get3A_113 = vector.shape_cast %get3A_112 : vector<16xi32> to vector<16xi32>
    %slice3A_114 = vector.extract_strided_slice %get3A_113 {offsets = [0], sizes = [1], strides = [1]} : vector<16xi32> to vector<1xi32>
    %squeeze3A_115 = vector.extract %slice3A_114[0] : i32 from vector<1xi32>
    %broadcast_in_dim3A = arith.constant 0.000000e+00 : f32
    %broadcast_in_dim3A_116 = vector.broadcast %broadcast_in_dim3A : f32 to vector<16xf32>
    %broadcast_in_dim3A_117 = arith.constant 1.000000e+00 : f32
    %broadcast_in_dim3A_118 = vector.broadcast %broadcast_in_dim3A_117 : f32 to vector<16xf32>
    %scan3A = arith.constant 0 : i32
    %scan3A_119 = arith.constant 125 : i32
    %scan3A_120 = arith.addi %scan3A, %scan3A_119 : i32
    %scan3A_121 = arith.constant 1 : i32
    scf.for %scan3A_163 = %scan3A to %scan3A_120 step %scan3A_121  : i32 {
      %mul3A_164 = arith.constant 1 : i32
      %mul3A_165 = arith.muli %scan3A_163, %mul3A_164 : i32
      %add3A_166 = arith.constant 0 : i32
      %add3A_167 = arith.addi %add3A_166, %mul3A_165 : i32
      %swap3A = arith.index_cast %add3A_167 : i32 to index
      %swap3A_168 = arith.constant 0 : index
      %swap3A_169 = tpu.vector_load %arg34[%swap3A, %swap3A_168] {strides = array<i32>} : memref<125x16xf32, #tpu.memory_space<vmem>>, vector<1x16xf32>,
      %swap3A_170 = vector.shape_cast %swap3A_169 : vector<1x16xf32> to vector<16xf32>
      %swap3A_171 = vector.shape_cast %broadcast_in_dim3A_118 : vector<16xf32> to vector<1x16xf32>
      tpu.vector_store %arg34[%swap3A, %swap3A_168], %swap3A_171 {strides = array<i32>} : memref<125x16xf32, #tpu.memory_space<vmem>>, vector<1x16xf32>,
      %swap3A_172 = arith.index_cast %add3A_167 : i32 to index
      %swap3A_173 = arith.constant 0 : index
      %swap3A_174 = tpu.vector_load %arg35[%swap3A_172, %swap3A_173] {strides = array<i32>} : memref<125x16xf32, #tpu.memory_space<vmem>>, vector<1x16xf32>,
      %swap3A_175 = vector.shape_cast %swap3A_174 : vector<1x16xf32> to vector<16xf32>
      %swap3A_176 = vector.shape_cast %broadcast_in_dim3A_116 : vector<16xf32> to vector<1x16xf32>
      tpu.vector_store %arg35[%swap3A_172, %swap3A_173], %swap3A_176 {strides = array<i32>} : memref<125x16xf32, #tpu.memory_space<vmem>>, vector<1x16xf32>,
      %scan3A_177 = arith.constant 0 : i32
      %scan3A_178 = arith.constant 4 : i32
      %scan3A_179 = arith.addi %scan3A_177, %scan3A_178 : i32
      %scan3A_180 = arith.constant 1 : i32
      scf.for %scan3A_182 = %scan3A_177 to %scan3A_179 step %scan3A_180  : i32 {
        %mul3A_183 = arith.constant 16 : i32
        %mul3A_184 = arith.muli %scan3A_182, %mul3A_183 : i32
        %add3A_185 = arith.constant 0 : i32
        %add3A_186 = arith.addi %add3A_185, %mul3A_184 : i32
        %swap3A_187 = arith.index_cast %add3A_167 : i32 to index
        %swap3A_188 = arith.index_cast %add3A_186 : i32 to index
        %swap3A_189 = tpu.vector_load %arg30[%swap3A_187, %swap3A_188] {strides = array<i32>} : memref<125x64xf32, #tpu.memory_space<vmem>>, vector<1x16xf32>,
        %swap3A_190 = vector.shape_cast %swap3A_189 : vector<1x16xf32> to vector<16xf32>
        %swap3A_191 = vector.shape_cast %broadcast_in_dim3A_116 : vector<16xf32> to vector<1x16xf32>
        tpu.vector_store %arg30[%swap3A_187, %swap3A_188], %swap3A_191 {strides = array<i32>} : memref<125x64xf32, #tpu.memory_space<vmem>>, vector<1x16xf32>,
      }
      %scan3A_181 = arith.constant 4 : i32
    }
    %scan3A_122 = arith.constant 125 : i32
    %scan3A_123 = arith.constant 0 : i32
    %scan3A_124 = arith.constant 5 : i32
    %scan3A_125 = arith.addi %scan3A_123, %scan3A_124 : i32
    %scan3A_126 = arith.constant 1 : i32
    scf.for %scan3A_163 = %scan3A_123 to %scan3A_125 step %scan3A_126  : i32 {
      %mul3A_164 = arith.constant 1 : i32
      %mul3A_165 = arith.muli %scan3A_163, %mul3A_164 : i32
      %add3A_166 = arith.constant 0 : i32
      %add3A_167 = arith.addi %add3A_166, %mul3A_165 : i32
      %mul3A_168 = arith.constant 625 : i32
      %mul3A_169 = arith.muli %arg1, %mul3A_168 : i32
      %mul3A_170 = arith.constant 125 : i32
      %mul3A_171 = arith.muli %add3A_167, %mul3A_170 : i32
      %add3A_172 = arith.addi %mul3A_169, %mul3A_171 : i32
      "tpu.region"() ({
        %run_scoped3A = tpu.sem_alloc : memref<!tpu.dma_semaphore, #tpu.memory_space<semaphore_mem>>
        %dma_start3A_173 = arith.constant 0 : i32
        %dma_start3A_174 = arith.constant 0 : i32
        %dma_start3A_175 = tpu.memref_slice %arg30[%dma_start3A_173, %dma_start3A_174] : memref<125x64xf32, #tpu.memory_space<vmem>> -> memref<125x64xf32, #tpu.memory_space<vmem>>
        %dma_start3A_176 = arith.constant 0 : i32
        %dma_start3A_177 = tpu.memref_slice %arg36[%add3A_172, %dma_start3A_176] : memref<10000x64xf32, #tpu.memory_space<vmem_shared>> -> memref<125x64xf32, #tpu.memory_space<vmem_shared>>
        %dma_start3A_178 = arith.constant 0 : i32
        %dma_start3A_179 = tpu.memref_slice %arg36[%add3A_172, %dma_start3A_178] : memref<10000x64xf32, #tpu.memory_space<vmem_shared>> -> memref<125x64xf32, #tpu.memory_space<vmem_shared>>
        %dma_start3A_180 = arith.constant 0 : i32
        %dma_start3A_181 = arith.constant 0 : i32
        %dma_start3A_182 = tpu.memref_slice %arg30[%dma_start3A_180, %dma_start3A_181] : memref<125x64xf32, #tpu.memory_space<vmem>> -> memref<125x64xf32, #tpu.memory_space<vmem>>
        tpu.enqueue_dma source(%dma_start3A_182 : memref<125x64xf32, #tpu.memory_space<vmem>>) target(%dma_start3A_179 : memref<125x64xf32, #tpu.memory_space<vmem_shared>>) target_semaphore(%run_scoped3A : memref<!tpu.dma_semaphore, #tpu.memory_space<semaphore_mem>>)
        %dma_wait3A_183 = arith.constant 0 : i32
        %dma_wait3A_184 = arith.constant 0 : i32
        %dma_wait3A_185 = tpu.memref_slice %arg30[%dma_wait3A_183, %dma_wait3A_184] : memref<125x64xf32, #tpu.memory_space<vmem>> -> memref<125x64xf32, #tpu.memory_space<vmem>>
        %dma_wait3A_186 = arith.constant 0 : i32
        %dma_wait3A_187 = tpu.memref_slice %arg36[%add3A_172, %dma_wait3A_186] : memref<10000x64xf32, #tpu.memory_space<vmem_shared>> -> memref<125x64xf32, #tpu.memory_space<vmem_shared>>
        %dma_wait3A_188 = arith.constant 0 : i32
        %dma_wait3A_189 = tpu.memref_slice %arg36[%add3A_172, %dma_wait3A_188] : memref<10000x64xf32, #tpu.memory_space<vmem_shared>> -> memref<125x64xf32, #tpu.memory_space<vmem_shared>>
        %dma_wait3A_190 = arith.constant 0 : i32
        %dma_wait3A_191 = arith.constant 0 : i32
        %dma_wait3A_192 = tpu.memref_slice %arg30[%dma_wait3A_190, %dma_wait3A_191] : memref<125x64xf32, #tpu.memory_space<vmem>> -> memref<125x64xf32, #tpu.memory_space<vmem>>
        tpu.wait_dma2 semaphore(%run_scoped3A : memref<!tpu.dma_semaphore, #tpu.memory_space<semaphore_mem>>) src(%dma_wait3A_192 : memref<125x64xf32, #tpu.memory_space<vmem>>) dst(%dma_wait3A_189 : memref<125x64xf32, #tpu.memory_space<vmem_shared>>)
        tpu.yield
      }) : () -> ()
      "tpu.region"() ({
        %run_scoped3A = tpu.sem_alloc : memref<!tpu.dma_semaphore, #tpu.memory_space<semaphore_mem>>
        %dma_start3A_173 = arith.constant 0 : i32
        %dma_start3A_174 = arith.constant 0 : i32
        %dma_start3A_175 = tpu.memref_slice %arg35[%dma_start3A_173, %dma_start3A_174] : memref<125x16xf32, #tpu.memory_space<vmem>> -> memref<125x16xf32, #tpu.memory_space<vmem>>
        %dma_start3A_176 = arith.constant 0 : i32
        %dma_start3A_177 = tpu.memref_slice %arg37[%add3A_172, %dma_start3A_176] : memref<10000x16xf32, #tpu.memory_space<vmem_shared>> -> memref<125x16xf32, #tpu.memory_space<vmem_shared>>
        %dma_start3A_178 = arith.constant 0 : i32
        %dma_start3A_179 = tpu.memref_slice %arg37[%add3A_172, %dma_start3A_178] : memref<10000x16xf32, #tpu.memory_space<vmem_shared>> -> memref<125x16xf32, #tpu.memory_space<vmem_shared>>
        %dma_start3A_180 = arith.constant 0 : i32
        %dma_start3A_181 = arith.constant 0 : i32
        %dma_start3A_182 = tpu.memref_slice %arg35[%dma_start3A_180, %dma_start3A_181] : memref<125x16xf32, #tpu.memory_space<vmem>> -> memref<125x16xf32, #tpu.memory_space<vmem>>
        tpu.enqueue_dma source(%dma_start3A_182 : memref<125x16xf32, #tpu.memory_space<vmem>>) target(%dma_start3A_179 : memref<125x16xf32, #tpu.memory_space<vmem_shared>>) target_semaphore(%run_scoped3A : memref<!tpu.dma_semaphore, #tpu.memory_space<semaphore_mem>>)
        %dma_wait3A_183 = arith.constant 0 : i32
        %dma_wait3A_184 = arith.constant 0 : i32
        %dma_wait3A_185 = tpu.memref_slice %arg35[%dma_wait3A_183, %dma_wait3A_184] : memref<125x16xf32, #tpu.memory_space<vmem>> -> memref<125x16xf32, #tpu.memory_space<vmem>>
        %dma_wait3A_186 = arith.constant 0 : i32
        %dma_wait3A_187 = tpu.memref_slice %arg37[%add3A_172, %dma_wait3A_186] : memref<10000x16xf32, #tpu.memory_space<vmem_shared>> -> memref<125x16xf32, #tpu.memory_space<vmem_shared>>
        %dma_wait3A_188 = arith.constant 0 : i32
        %dma_wait3A_189 = tpu.memref_slice %arg37[%add3A_172, %dma_wait3A_188] : memref<10000x16xf32, #tpu.memory_space<vmem_shared>> -> memref<125x16xf32, #tpu.memory_space<vmem_shared>>
        %dma_wait3A_190 = arith.constant 0 : i32
        %dma_wait3A_191 = arith.constant 0 : i32
        %dma_wait3A_192 = tpu.memref_slice %arg35[%dma_wait3A_190, %dma_wait3A_191] : memref<125x16xf32, #tpu.memory_space<vmem>> -> memref<125x16xf32, #tpu.memory_space<vmem>>
        tpu.wait_dma2 semaphore(%run_scoped3A : memref<!tpu.dma_semaphore, #tpu.memory_space<semaphore_mem>>) src(%dma_wait3A_192 : memref<125x16xf32, #tpu.memory_space<vmem>>) dst(%dma_wait3A_189 : memref<125x16xf32, #tpu.memory_space<vmem_shared>>)
        tpu.yield
      }) : () -> ()
    }
    %scan3A_127 = arith.constant 5 : i32
    %barrier3A = arith.constant 0 : index
    tpu.barrier barrier_id(%barrier3A)
    %mul3A = arith.constant 160 : i32
    %mul3A_128 = arith.muli %arg1, %mul3A : i32
    %add3A = arith.constant 150 : i32
    %add3A_129 = arith.addi %mul3A_128, %add3A : i32
    %dma_start3A = arith.constant 0 : i32
    %dma_start3A_130 = arith.constant 0 : i32
    %dma_start3A_131 = tpu.memref_slice %arg3[%dma_start3A, %mul3A_128, %dma_start3A_130] : memref<2x2560x125xi32, #tpu.memory_space<hbm>> -> memref<1x10x125xi32, #tpu.memory_space<hbm>>
    %dma_start3A_132 = tpu.memref_squeeze %dma_start3A_131 : memref<1x10x125xi32, #tpu.memory_space<hbm>> -> memref<10x125xi32, #tpu.memory_space<hbm>>
    %dma_start3A_133 = arith.constant 0 : i32
    %dma_start3A_134 = tpu.memref_slice %arg3[%dma_start3A, %mul3A_128, %dma_start3A_133] : memref<2x2560x125xi32, #tpu.memory_space<hbm>> -> memref<1x10x125xi32, #tpu.memory_space<hbm>>
    %dma_start3A_135 = tpu.memref_squeeze %dma_start3A_134 : memref<1x10x125xi32, #tpu.memory_space<hbm>> -> memref<10x125xi32, #tpu.memory_space<hbm>>
    tpu.enqueue_dma source(%dma_start3A_135 : memref<10x125xi32, #tpu.memory_space<hbm>>) target(%arg26 : memref<10x125xi32, #tpu.memory_space<vmem>>) target_semaphore(%arg47 : memref<!tpu.dma_semaphore, #tpu.memory_space<semaphore_mem>>)
    %dma_start3A_136 = arith.constant 1 : i32
    %dma_start3A_137 = arith.constant 0 : i32
    %dma_start3A_138 = tpu.memref_slice %arg3[%dma_start3A_136, %mul3A_128, %dma_start3A_137] : memref<2x2560x125xi32, #tpu.memory_space<hbm>> -> memref<1x10x125xi32, #tpu.memory_space<hbm>>
    %dma_start3A_139 = tpu.memref_squeeze %dma_start3A_138 : memref<1x10x125xi32, #tpu.memory_space<hbm>> -> memref<10x125xi32, #tpu.memory_space<hbm>>
    %dma_start3A_140 = arith.constant 0 : i32
    %dma_start3A_141 = tpu.memref_slice %arg3[%dma_start3A_136, %mul3A_128, %dma_start3A_140] : memref<2x2560x125xi32, #tpu.memory_space<hbm>> -> memref<1x10x125xi32, #tpu.memory_space<hbm>>
    %dma_start3A_142 = tpu.memref_squeeze %dma_start3A_141 : memref<1x10x125xi32, #tpu.memory_space<hbm>> -> memref<10x125xi32, #tpu.memory_space<hbm>>
    tpu.enqueue_dma source(%dma_start3A_142 : memref<10x125xi32, #tpu.memory_space<hbm>>) target(%arg27 : memref<10x125xi32, #tpu.memory_space<vmem>>) target_semaphore(%arg47 : memref<!tpu.dma_semaphore, #tpu.memory_space<semaphore_mem>>)
    %scan3A_143 = arith.constant 0 : i32
    %scan3A_144 = arith.constant 8 : i32
    %scan3A_145 = arith.addi %scan3A_143, %scan3A_144 : i32
    %scan3A_146 = arith.constant 1 : i32
    scf.for %scan3A_163 = %scan3A_143 to %scan3A_145 step %scan3A_146  : i32 {
      %mul3A_164 = arith.constant 1 : i32
      %mul3A_165 = arith.muli %scan3A_163, %mul3A_164 : i32
      %add3A_166 = arith.constant 0 : i32
      %add3A_167 = arith.addi %add3A_166, %mul3A_165 : i32
      %dma_wait3A_168 = arith.constant 0 : i32
      %dma_wait3A_169 = arith.constant 0 : i32
      %dma_wait3A_170 = tpu.memref_slice %arg3[%dma_wait3A_168, %mul3A_128, %dma_wait3A_169] : memref<2x2560x125xi32, #tpu.memory_space<hbm>> -> memref<1x10x125xi32, #tpu.memory_space<hbm>>
      %dma_wait3A_171 = tpu.memref_squeeze %dma_wait3A_170 : memref<1x10x125xi32, #tpu.memory_space<hbm>> -> memref<10x125xi32, #tpu.memory_space<hbm>>
      %dma_wait3A_172 = arith.constant 0 : i32
      %dma_wait3A_173 = tpu.memref_slice %arg3[%dma_wait3A_168, %mul3A_128, %dma_wait3A_172] : memref<2x2560x125xi32, #tpu.memory_space<hbm>> -> memref<1x10x125xi32, #tpu.memory_space<hbm>>
      %dma_wait3A_174 = tpu.memref_squeeze %dma_wait3A_173 : memref<1x10x125xi32, #tpu.memory_space<hbm>> -> memref<10x125xi32, #tpu.memory_space<hbm>>
      tpu.wait_dma2 semaphore(%arg47 : memref<!tpu.dma_semaphore, #tpu.memory_space<semaphore_mem>>) src(%dma_wait3A_174 : memref<10x125xi32, #tpu.memory_space<hbm>>) dst(%arg26 : memref<10x125xi32, #tpu.memory_space<vmem>>)
      %dma_wait3A_175 = arith.constant 1 : i32
      %dma_wait3A_176 = arith.constant 0 : i32
      %dma_wait3A_177 = tpu.memref_slice %arg3[%dma_wait3A_175, %mul3A_128, %dma_wait3A_176] : memref<2x2560x125xi32, #tpu.memory_space<hbm>> -> memref<1x10x125xi32, #tpu.memory_space<hbm>>
      %dma_wait3A_178 = tpu.memref_squeeze %dma_wait3A_177 : memref<1x10x125xi32, #tpu.memory_space<hbm>> -> memref<10x125xi32, #tpu.memory_space<hbm>>
      %dma_wait3A_179 = arith.constant 0 : i32
      %dma_wait3A_180 = tpu.memref_slice %arg3[%dma_wait3A_175, %mul3A_128, %dma_wait3A_179] : memref<2x2560x125xi32, #tpu.memory_space<hbm>> -> memref<1x10x125xi32, #tpu.memory_space<hbm>>
      %dma_wait3A_181 = tpu.memref_squeeze %dma_wait3A_180 : memref<1x10x125xi32, #tpu.memory_space<hbm>> -> memref<10x125xi32, #tpu.memory_space<hbm>>
      tpu.wait_dma2 semaphore(%arg47 : memref<!tpu.dma_semaphore, #tpu.memory_space<semaphore_mem>>) src(%dma_wait3A_181 : memref<10x125xi32, #tpu.memory_space<hbm>>) dst(%arg27 : memref<10x125xi32, #tpu.memory_space<vmem>>)
      %mul3A_182 = arith.constant 2 : i32
      %mul3A_183 = arith.muli %mul3A_182, %add3A_167 : i32
      %add3A_184 = arith.constant 0 : i32
      %add3A_185 = arith.addi %mul3A_183, %add3A_184 : i32
      %add3A_186 = arith.constant 1 : i32
      %add3A_187 = arith.addi %add3A_185, %add3A_186 : i32
      %mul3A_188 = arith.constant 10 : i32
      %mul3A_189 = arith.muli %add3A_187, %mul3A_188 : i32
      %add3A_190 = arith.addi %mul3A_128, %mul3A_189 : i32
      %min3A = arith.minsi %add3A_190, %add3A_129 : i32
      %dma_start3A_191 = arith.constant 0 : i32
      %dma_start3A_192 = arith.constant 0 : i32
      %dma_start3A_193 = tpu.memref_slice %arg3[%dma_start3A_191, %min3A, %dma_start3A_192] : memref<2x2560x125xi32, #tpu.memory_space<hbm>> -> memref<1x10x125xi32, #tpu.memory_space<hbm>>
      %dma_start3A_194 = tpu.memref_squeeze %dma_start3A_193 : memref<1x10x125xi32, #tpu.memory_space<hbm>> -> memref<10x125xi32, #tpu.memory_space<hbm>>
      %dma_start3A_195 = arith.constant 0 : i32
      %dma_start3A_196 = tpu.memref_slice %arg3[%dma_start3A_191, %min3A, %dma_start3A_195] : memref<2x2560x125xi32, #tpu.memory_space<hbm>> -> memref<1x10x125xi32, #tpu.memory_space<hbm>>
      %dma_start3A_197 = tpu.memref_squeeze %dma_start3A_196 : memref<1x10x125xi32, #tpu.memory_space<hbm>> -> memref<10x125xi32, #tpu.memory_space<hbm>>
      tpu.enqueue_dma source(%dma_start3A_197 : memref<10x125xi32, #tpu.memory_space<hbm>>) target(%arg28 : memref<10x125xi32, #tpu.memory_space<vmem>>) target_semaphore(%arg48 : memref<!tpu.dma_semaphore, #tpu.memory_space<semaphore_mem>>)
      %dma_start3A_198 = arith.constant 1 : i32
      %dma_start3A_199 = arith.constant 0 : i32
      %dma_start3A_200 = tpu.memref_slice %arg3[%dma_start3A_198, %min3A, %dma_start3A_199] : memref<2x2560x125xi32, #tpu.memory_space<hbm>> -> memref<1x10x125xi32, #tpu.memory_space<hbm>>
      %dma_start3A_201 = tpu.memref_squeeze %dma_start3A_200 : memref<1x10x125xi32, #tpu.memory_space<hbm>> -> memref<10x125xi32, #tpu.memory_space<hbm>>
      %dma_start3A_202 = arith.constant 0 : i32
      %dma_start3A_203 = tpu.memref_slice %arg3[%dma_start3A_198, %min3A, %dma_start3A_202] : memref<2x2560x125xi32, #tpu.memory_space<hbm>> -> memref<1x10x125xi32, #tpu.memory_space<hbm>>
      %dma_start3A_204 = tpu.memref_squeeze %dma_start3A_203 : memref<1x10x125xi32, #tpu.memory_space<hbm>> -> memref<10x125xi32, #tpu.memory_space<hbm>>
      tpu.enqueue_dma source(%dma_start3A_204 : memref<10x125xi32, #tpu.memory_space<hbm>>) target(%arg29 : memref<10x125xi32, #tpu.memory_space<vmem>>) target_semaphore(%arg48 : memref<!tpu.dma_semaphore, #tpu.memory_space<semaphore_mem>>)
      %dma_start3A_205 = arith.constant 0 : i32
      %dma_start3A_206 = arith.constant 0 : i32
      %dma_start3A_207 = tpu.memref_slice %arg26[%dma_start3A_205, %dma_start3A_206] : memref<10x125xi32, #tpu.memory_space<vmem>> -> memref<1x125xi32, #tpu.memory_space<vmem>>
      %dma_start3A_208 = tpu.memref_squeeze %dma_start3A_207 : memref<1x125xi32, #tpu.memory_space<vmem>> -> memref<125xi32, #tpu.memory_space<vmem>>
      %dma_start3A_209 = arith.constant 0 : i32
      %dma_start3A_210 = arith.constant 0 : i32
      %dma_start3A_211 = tpu.memref_slice %arg2[%arg0, %dma_start3A_209, %dma_start3A_210] : memref<2x10000x64xf32, #tpu.memory_space<hbm>> -> memref<1x10000x64xf32, #tpu.memory_space<hbm>>
      %dma_start3A_212 = tpu.memref_squeeze %dma_start3A_211 : memref<1x10000x64xf32, #tpu.memory_space<hbm>> -> memref<10000x64xf32, #tpu.memory_space<hbm>>
      %dma_start3A_213 = arith.constant 0 : i32
      %dma_start3A_214 = arith.constant 0 : i32
      %dma_start3A_215 = tpu.memref_slice %dma_start3A_212[%dma_start3A_213, %dma_start3A_214] : memref<10000x64xf32, #tpu.memory_space<hbm>> -> memref<10000x64xf32, #tpu.memory_space<hbm>>
      tpu.enqueue_indirect_dma source(%dma_start3A_215 : memref<10000x64xf32, #tpu.memory_space<hbm>>) target(%arg30 : memref<125x64xf32, #tpu.memory_space<vmem>>) offsets(%dma_start3A_208 : memref<125xi32, #tpu.memory_space<vmem>>) semaphore(%arg38 : memref<!tpu.dma_semaphore, #tpu.memory_space<semaphore_mem>>)
      %dma_start3A_216 = arith.constant 1 : i32
      %dma_start3A_217 = arith.constant 0 : i32
      %dma_start3A_218 = tpu.memref_slice %arg26[%dma_start3A_216, %dma_start3A_217] : memref<10x125xi32, #tpu.memory_space<vmem>> -> memref<1x125xi32, #tpu.memory_space<vmem>>
      %dma_start3A_219 = tpu.memref_squeeze %dma_start3A_218 : memref<1x125xi32, #tpu.memory_space<vmem>> -> memref<125xi32, #tpu.memory_space<vmem>>
      %dma_start3A_220 = arith.constant 0 : i32
      %dma_start3A_221 = arith.constant 0 : i32
      %dma_start3A_222 = tpu.memref_slice %arg2[%arg0, %dma_start3A_220, %dma_start3A_221] : memref<2x10000x64xf32, #tpu.memory_space<hbm>> -> memref<1x10000x64xf32, #tpu.memory_space<hbm>>
      %dma_start3A_223 = tpu.memref_squeeze %dma_start3A_222 : memref<1x10000x64xf32, #tpu.memory_space<hbm>> -> memref<10000x64xf32, #tpu.memory_space<hbm>>
      %dma_start3A_224 = arith.constant 0 : i32
      %dma_start3A_225 = arith.constant 0 : i32
      %dma_start3A_226 = tpu.memref_slice %dma_start3A_223[%dma_start3A_224, %dma_start3A_225] : memref<10000x64xf32, #tpu.memory_space<hbm>> -> memref<10000x64xf32, #tpu.memory_space<hbm>>
      tpu.enqueue_indirect_dma source(%dma_start3A_226 : memref<10000x64xf32, #tpu.memory_space<hbm>>) target(%arg31 : memref<125x64xf32, #tpu.memory_space<vmem>>) offsets(%dma_start3A_219 : memref<125xi32, #tpu.memory_space<vmem>>) semaphore(%arg39 : memref<!tpu.dma_semaphore, #tpu.memory_space<semaphore_mem>>)
      %dma_start3A_227 = arith.constant 2 : i32
      %dma_start3A_228 = arith.constant 0 : i32
      %dma_start3A_229 = tpu.memref_slice %arg26[%dma_start3A_227, %dma_start3A_228] : memref<10x125xi32, #tpu.memory_space<vmem>> -> memref<1x125xi32, #tpu.memory_space<vmem>>
      %dma_start3A_230 = tpu.memref_squeeze %dma_start3A_229 : memref<1x125xi32, #tpu.memory_space<vmem>> -> memref<125xi32, #tpu.memory_space<vmem>>
      %dma_start3A_231 = arith.constant 0 : i32
      %dma_start3A_232 = arith.constant 0 : i32
      %dma_start3A_233 = tpu.memref_slice %arg2[%arg0, %dma_start3A_231, %dma_start3A_232] : memref<2x10000x64xf32, #tpu.memory_space<hbm>> -> memref<1x10000x64xf32, #tpu.memory_space<hbm>>
      %dma_start3A_234 = tpu.memref_squeeze %dma_start3A_233 : memref<1x10000x64xf32, #tpu.memory_space<hbm>> -> memref<10000x64xf32, #tpu.memory_space<hbm>>
      %dma_start3A_235 = arith.constant 0 : i32
      %dma_start3A_236 = arith.constant 0 : i32
      %dma_start3A_237 = tpu.memref_slice %dma_start3A_234[%dma_start3A_235, %dma_start3A_236] : memref<10000x64xf32, #tpu.memory_space<hbm>> -> memref<10000x64xf32, #tpu.memory_space<hbm>>
      tpu.enqueue_indirect_dma source(%dma_start3A_237 : memref<10000x64xf32, #tpu.memory_space<hbm>>) target(%arg32 : memref<125x64xf32, #tpu.memory_space<vmem>>) offsets(%dma_start3A_230 : memref<125xi32, #tpu.memory_space<vmem>>) semaphore(%arg40 : memref<!tpu.dma_semaphore, #tpu.memory_space<semaphore_mem>>)
      %dma_wait3A_238 = arith.constant 0 : i32
      %dma_wait3A_239 = arith.constant 0 : i32
      %dma_wait3A_240 = tpu.memref_slice %arg26[%dma_wait3A_238, %dma_wait3A_239] : memref<10x125xi32, #tpu.memory_space<vmem>> -> memref<1x125xi32, #tpu.memory_space<vmem>>
      %dma_wait3A_241 = tpu.memref_squeeze %dma_wait3A_240 : memref<1x125xi32, #tpu.memory_space<vmem>> -> memref<125xi32, #tpu.memory_space<vmem>>
      %dma_wait3A_242 = arith.constant 0 : i32
      %dma_wait3A_243 = arith.constant 0 : i32
      %dma_wait3A_244 = tpu.memref_slice %arg2[%arg0, %dma_wait3A_242, %dma_wait3A_243] : memref<2x10000x64xf32, #tpu.memory_space<hbm>> -> memref<1x10000x64xf32, #tpu.memory_space<hbm>>
      %dma_wait3A_245 = tpu.memref_squeeze %dma_wait3A_244 : memref<1x10000x64xf32, #tpu.memory_space<hbm>> -> memref<10000x64xf32, #tpu.memory_space<hbm>>
      %dma_wait3A_246 = arith.constant 0 : i32
      %dma_wait3A_247 = arith.constant 0 : i32
      %dma_wait3A_248 = tpu.memref_slice %dma_wait3A_245[%dma_wait3A_246, %dma_wait3A_247] : memref<10000x64xf32, #tpu.memory_space<hbm>> -> memref<10000x64xf32, #tpu.memory_space<hbm>>
      tpu.wait_indirect_dma semaphore(%arg38 : memref<!tpu.dma_semaphore, #tpu.memory_space<semaphore_mem>>) src(%dma_wait3A_248 : memref<10000x64xf32, #tpu.memory_space<hbm>>) dst(%arg30 : memref<125x64xf32, #tpu.memory_space<vmem>>)
      %dma_start3A_249 = arith.constant 3 : i32
      %dma_start3A_250 = arith.constant 0 : i32
      %dma_start3A_251 = tpu.memref_slice %arg26[%dma_start3A_249, %dma_start3A_250] : memref<10x125xi32, #tpu.memory_space<vmem>> -> memref<1x125xi32, #tpu.memory_space<vmem>>
      %dma_start3A_252 = tpu.memref_squeeze %dma_start3A_251 : memref<1x125xi32, #tpu.memory_space<vmem>> -> memref<125xi32, #tpu.memory_space<vmem>>
      %dma_start3A_253 = arith.constant 0 : i32
      %dma_start3A_254 = arith.constant 0 : i32
      %dma_start3A_255 = tpu.memref_slice %arg2[%arg0, %dma_start3A_253, %dma_start3A_254] : memref<2x10000x64xf32, #tpu.memory_space<hbm>> -> memref<1x10000x64xf32, #tpu.memory_space<hbm>>
      %dma_start3A_256 = tpu.memref_squeeze %dma_start3A_255 : memref<1x10000x64xf32, #tpu.memory_space<hbm>> -> memref<10000x64xf32, #tpu.memory_space<hbm>>
      %dma_start3A_257 = arith.constant 0 : i32
      %dma_start3A_258 = arith.constant 0 : i32
      %dma_start3A_259 = tpu.memref_slice %dma_start3A_256[%dma_start3A_257, %dma_start3A_258] : memref<10000x64xf32, #tpu.memory_space<hbm>> -> memref<10000x64xf32, #tpu.memory_space<hbm>>
      tpu.enqueue_indirect_dma source(%dma_start3A_259 : memref<10000x64xf32, #tpu.memory_space<hbm>>) target(%arg33 : memref<125x64xf32, #tpu.memory_space<vmem>>) offsets(%dma_start3A_252 : memref<125xi32, #tpu.memory_space<vmem>>) semaphore(%arg41 : memref<!tpu.dma_semaphore, #tpu.memory_space<semaphore_mem>>)
      %dma_start3A_260 = arith.constant 0 : i32
      %dma_start3A_261 = arith.constant 0 : i32
      %dma_start3A_262 = tpu.memref_slice %arg27[%dma_start3A_260, %dma_start3A_261] : memref<10x125xi32, #tpu.memory_space<vmem>> -> memref<1x125xi32, #tpu.memory_space<vmem>>
      %dma_start3A_263 = tpu.memref_squeeze %dma_start3A_262 : memref<1x125xi32, #tpu.memory_space<vmem>> -> memref<125xi32, #tpu.memory_space<vmem>>
      %dma_start3A_264 = arith.constant 0 : i32
      %dma_start3A_265 = arith.constant 0 : i32
      %dma_start3A_266 = tpu.memref_slice %arg36[%dma_start3A_264, %dma_start3A_265] : memref<10000x64xf32, #tpu.memory_space<vmem_shared>> -> memref<10000x64xf32, #tpu.memory_space<vmem_shared>>
      tpu.enqueue_indirect_dma source(%arg30 : memref<125x64xf32, #tpu.memory_space<vmem>>) target(%dma_start3A_266 : memref<10000x64xf32, #tpu.memory_space<vmem_shared>>) offsets(%dma_start3A_263 : memref<125xi32, #tpu.memory_space<vmem>>) semaphore(%arg42 : memref<!tpu.dma_semaphore, #tpu.memory_space<semaphore_mem>>) {add = true}
      %eq3A = arith.constant 0 : i32
      %eq3A_267 = arith.cmpi eq, %arg0, %eq3A : i32
      %convert_element_type3A = arith.extui %eq3A_267 : i1 to i32
      %cond3A = arith.constant 0 : i32
      %cond3A_268 = arith.cmpi ne, %convert_element_type3A, %cond3A : i32
      scf.if %cond3A_268 {
        %dma_start3A_1080 = arith.constant 0 : i32
        %dma_start3A_1081 = arith.constant 0 : i32
        %dma_start3A_1082 = tpu.memref_slice %arg27[%dma_start3A_1080, %dma_start3A_1081] : memref<10x125xi32, #tpu.memory_space<vmem>> -> memref<1x125xi32, #tpu.memory_space<vmem>>
        %dma_start3A_1083 = tpu.memref_squeeze %dma_start3A_1082 : memref<1x125xi32, #tpu.memory_space<vmem>> -> memref<125xi32, #tpu.memory_space<vmem>>
        %dma_start3A_1084 = arith.constant 0 : i32
        %dma_start3A_1085 = arith.constant 0 : i32
        %dma_start3A_1086 = tpu.memref_slice %arg37[%dma_start3A_1084, %dma_start3A_1085] : memref<10000x16xf32, #tpu.memory_space<vmem_shared>> -> memref<10000x16xf32, #tpu.memory_space<vmem_shared>>
        tpu.enqueue_indirect_dma source(%arg34 : memref<125x16xf32, #tpu.memory_space<vmem>>) target(%dma_start3A_1086 : memref<10000x16xf32, #tpu.memory_space<vmem_shared>>) offsets(%dma_start3A_1083 : memref<125xi32, #tpu.memory_space<vmem>>) semaphore(%arg46 : memref<!tpu.dma_semaphore, #tpu.memory_space<semaphore_mem>>) {add = true}
      } else {
      }
      %dma_wait3A_269 = arith.constant 1 : i32
      %dma_wait3A_270 = arith.constant 0 : i32
      %dma_wait3A_271 = tpu.memref_slice %arg26[%dma_wait3A_269, %dma_wait3A_270] : memref<10x125xi32, #tpu.memory_space<vmem>> -> memref<1x125xi32, #tpu.memory_space<vmem>>
      %dma_wait3A_272 = tpu.memref_squeeze %dma_wait3A_271 : memref<1x125xi32, #tpu.memory_space<vmem>> -> memref<125xi32, #tpu.memory_space<vmem>>
      %dma_wait3A_273 = arith.constant 0 : i32
      %dma_wait3A_274 = arith.constant 0 : i32
      %dma_wait3A_275 = tpu.memref_slice %arg2[%arg0, %dma_wait3A_273, %dma_wait3A_274] : memref<2x10000x64xf32, #tpu.memory_space<hbm>> -> memref<1x10000x64xf32, #tpu.memory_space<hbm>>
      %dma_wait3A_276 = tpu.memref_squeeze %dma_wait3A_275 : memref<1x10000x64xf32, #tpu.memory_space<hbm>> -> memref<10000x64xf32, #tpu.memory_space<hbm>>
      %dma_wait3A_277 = arith.constant 0 : i32
      %dma_wait3A_278 = arith.constant 0 : i32
      %dma_wait3A_279 = tpu.memref_slice %dma_wait3A_276[%dma_wait3A_277, %dma_wait3A_278] : memref<10000x64xf32, #tpu.memory_space<hbm>> -> memref<10000x64xf32, #tpu.memory_space<hbm>>
      tpu.wait_indirect_dma semaphore(%arg39 : memref<!tpu.dma_semaphore, #tpu.memory_space<semaphore_mem>>) src(%dma_wait3A_279 : memref<10000x64xf32, #tpu.memory_space<hbm>>) dst(%arg31 : memref<125x64xf32, #tpu.memory_space<vmem>>)
      %dma_wait3A_280 = arith.constant 0 : i32
      %dma_wait3A_281 = arith.constant 0 : i32
      %dma_wait3A_282 = tpu.memref_slice %arg27[%dma_wait3A_280, %dma_wait3A_281] : memref<10x125xi32, #tpu.memory_space<vmem>> -> memref<1x125xi32, #tpu.memory_space<vmem>>
      %dma_wait3A_283 = tpu.memref_squeeze %dma_wait3A_282 : memref<1x125xi32, #tpu.memory_space<vmem>> -> memref<125xi32, #tpu.memory_space<vmem>>
      %dma_wait3A_284 = arith.constant 0 : i32
      %dma_wait3A_285 = arith.constant 0 : i32
      %dma_wait3A_286 = tpu.memref_slice %arg36[%dma_wait3A_284, %dma_wait3A_285] : memref<10000x64xf32, #tpu.memory_space<vmem_shared>> -> memref<10000x64xf32, #tpu.memory_space<vmem_shared>>
      tpu.wait_indirect_dma semaphore(%arg42 : memref<!tpu.dma_semaphore, #tpu.memory_space<semaphore_mem>>) src(%arg30 : memref<125x64xf32, #tpu.memory_space<vmem>>) dst(%dma_wait3A_286 : memref<10000x64xf32, #tpu.memory_space<vmem_shared>>)
      %dma_start3A_287 = arith.constant 4 : i32
      %dma_start3A_288 = arith.constant 0 : i32
      %dma_start3A_289 = tpu.memref_slice %arg26[%dma_start3A_287, %dma_start3A_288] : memref<10x125xi32, #tpu.memory_space<vmem>> -> memref<1x125xi32, #tpu.memory_space<vmem>>
      %dma_start3A_290 = tpu.memref_squeeze %dma_start3A_289 : memref<1x125xi32, #tpu.memory_space<vmem>> -> memref<125xi32, #tpu.memory_space<vmem>>
      %dma_start3A_291 = arith.constant 0 : i32
      %dma_start3A_292 = arith.constant 0 : i32
      %dma_start3A_293 = tpu.memref_slice %arg2[%arg0, %dma_start3A_291, %dma_start3A_292] : memref<2x10000x64xf32, #tpu.memory_space<hbm>> -> memref<1x10000x64xf32, #tpu.memory_space<hbm>>
      %dma_start3A_294 = tpu.memref_squeeze %dma_start3A_293 : memref<1x10000x64xf32, #tpu.memory_space<hbm>> -> memref<10000x64xf32, #tpu.memory_space<hbm>>
      %dma_start3A_295 = arith.constant 0 : i32
      %dma_start3A_296 = arith.constant 0 : i32
      %dma_start3A_297 = tpu.memref_slice %dma_start3A_294[%dma_start3A_295, %dma_start3A_296] : memref<10000x64xf32, #tpu.memory_space<hbm>> -> memref<10000x64xf32, #tpu.memory_space<hbm>>
      tpu.enqueue_indirect_dma source(%dma_start3A_297 : memref<10000x64xf32, #tpu.memory_space<hbm>>) target(%arg30 : memref<125x64xf32, #tpu.memory_space<vmem>>) offsets(%dma_start3A_290 : memref<125xi32, #tpu.memory_space<vmem>>) semaphore(%arg38 : memref<!tpu.dma_semaphore, #tpu.memory_space<semaphore_mem>>)
      %dma_start3A_298 = arith.constant 1 : i32
      %dma_start3A_299 = arith.constant 0 : i32
      %dma_start3A_300 = tpu.memref_slice %arg27[%dma_start3A_298, %dma_start3A_299] : memref<10x125xi32, #tpu.memory_space<vmem>> -> memref<1x125xi32, #tpu.memory_space<vmem>>
      %dma_start3A_301 = tpu.memref_squeeze %dma_start3A_300 : memref<1x125xi32, #tpu.memory_space<vmem>> -> memref<125xi32, #tpu.memory_space<vmem>>
      %dma_start3A_302 = arith.constant 0 : i32
      %dma_start3A_303 = arith.constant 0 : i32
      %dma_start3A_304 = tpu.memref_slice %arg36[%dma_start3A_302, %dma_start3A_303] : memref<10000x64xf32, #tpu.memory_space<vmem_shared>> -> memref<10000x64xf32, #tpu.memory_space<vmem_shared>>
      tpu.enqueue_indirect_dma source(%arg31 : memref<125x64xf32, #tpu.memory_space<vmem>>) target(%dma_start3A_304 : memref<10000x64xf32, #tpu.memory_space<vmem_shared>>) offsets(%dma_start3A_301 : memref<125xi32, #tpu.memory_space<vmem>>) semaphore(%arg43 : memref<!tpu.dma_semaphore, #tpu.memory_space<semaphore_mem>>) {add = true}
      %eq3A_305 = arith.constant 1 : i32
      %eq3A_306 = arith.cmpi eq, %arg0, %eq3A_305 : i32
      %convert_element_type3A_307 = arith.extui %eq3A_306 : i1 to i32
      %cond3A_308 = arith.constant 0 : i32
      %cond3A_309 = arith.cmpi ne, %convert_element_type3A_307, %cond3A_308 : i32
      scf.if %cond3A_309 {
        %dma_start3A_1080 = arith.constant 1 : i32
        %dma_start3A_1081 = arith.constant 0 : i32
        %dma_start3A_1082 = tpu.memref_slice %arg27[%dma_start3A_1080, %dma_start3A_1081] : memref<10x125xi32, #tpu.memory_space<vmem>> -> memref<1x125xi32, #tpu.memory_space<vmem>>
        %dma_start3A_1083 = tpu.memref_squeeze %dma_start3A_1082 : memref<1x125xi32, #tpu.memory_space<vmem>> -> memref<125xi32, #tpu.memory_space<vmem>>
        %dma_start3A_1084 = arith.constant 0 : i32
        %dma_start3A_1085 = arith.constant 0 : i32
        %dma_start3A_1086 = tpu.memref_slice %arg37[%dma_start3A_1084, %dma_start3A_1085] : memref<10000x16xf32, #tpu.memory_space<vmem_shared>> -> memref<10000x16xf32, #tpu.memory_space<vmem_shared>>
        tpu.enqueue_indirect_dma source(%arg34 : memref<125x16xf32, #tpu.memory_space<vmem>>) target(%dma_start3A_1086 : memref<10000x16xf32, #tpu.memory_space<vmem_shared>>) offsets(%dma_start3A_1083 : memref<125xi32, #tpu.memory_space<vmem>>) semaphore(%arg46 : memref<!tpu.dma_semaphore, #tpu.memory_space<semaphore_mem>>) {add = true}
      } else {
      }
      %dma_wait3A_310 = arith.constant 2 : i32
      %dma_wait3A_311 = arith.constant 0 : i32
      %dma_wait3A_312 = tpu.memref_slice %arg26[%dma_wait3A_310, %dma_wait3A_311] : memref<10x125xi32, #tpu.memory_space<vmem>> -> memref<1x125xi32, #tpu.memory_space<vmem>>
      %dma_wait3A_313 = tpu.memref_squeeze %dma_wait3A_312 : memref<1x125xi32, #tpu.memory_space<vmem>> -> memref<125xi32, #tpu.memory_space<vmem>>
      %dma_wait3A_314 = arith.constant 0 : i32
      %dma_wait3A_315 = arith.constant 0 : i32
      %dma_wait3A_316 = tpu.memref_slice %arg2[%arg0, %dma_wait3A_314, %dma_wait3A_315] : memref<2x10000x64xf32, #tpu.memory_space<hbm>> -> memref<1x10000x64xf32, #tpu.memory_space<hbm>>
      %dma_wait3A_317 = tpu.memref_squeeze %dma_wait3A_316 : memref<1x10000x64xf32, #tpu.memory_space<hbm>> -> memref<10000x64xf32, #tpu.memory_space<hbm>>
      %dma_wait3A_318 = arith.constant 0 : i32
      %dma_wait3A_319 = arith.constant 0 : i32
      %dma_wait3A_320 = tpu.memref_slice %dma_wait3A_317[%dma_wait3A_318, %dma_wait3A_319] : memref<10000x64xf32, #tpu.memory_space<hbm>> -> memref<10000x64xf32, #tpu.memory_space<hbm>>
      tpu.wait_indirect_dma semaphore(%arg40 : memref<!tpu.dma_semaphore, #tpu.memory_space<semaphore_mem>>) src(%dma_wait3A_320 : memref<10000x64xf32, #tpu.memory_space<hbm>>) dst(%arg32 : memref<125x64xf32, #tpu.memory_space<vmem>>)
      %dma_wait3A_321 = arith.constant 1 : i32
      %dma_wait3A_322 = arith.constant 0 : i32
      %dma_wait3A_323 = tpu.memref_slice %arg27[%dma_wait3A_321, %dma_wait3A_322] : memref<10x125xi32, #tpu.memory_space<vmem>> -> memref<1x125xi32, #tpu.memory_space<vmem>>
      %dma_wait3A_324 = tpu.memref_squeeze %dma_wait3A_323 : memref<1x125xi32, #tpu.memory_space<vmem>> -> memref<125xi32, #tpu.memory_space<vmem>>
      %dma_wait3A_325 = arith.constant 0 : i32
      %dma_wait3A_326 = arith.constant 0 : i32
      %dma_wait3A_327 = tpu.memref_slice %arg36[%dma_wait3A_325, %dma_wait3A_326] : memref<10000x64xf32, #tpu.memory_space<vmem_shared>> -> memref<10000x64xf32, #tpu.memory_space<vmem_shared>>
      tpu.wait_indirect_dma semaphore(%arg43 : memref<!tpu.dma_semaphore, #tpu.memory_space<semaphore_mem>>) src(%arg31 : memref<125x64xf32, #tpu.memory_space<vmem>>) dst(%dma_wait3A_327 : memref<10000x64xf32, #tpu.memory_space<vmem_shared>>)
      %dma_start3A_328 = arith.constant 5 : i32
      %dma_start3A_329 = arith.constant 0 : i32
      %dma_start3A_330 = tpu.memref_slice %arg26[%dma_start3A_328, %dma_start3A_329] : memref<10x125xi32, #tpu.memory_space<vmem>> -> memref<1x125xi32, #tpu.memory_space<vmem>>
      %dma_start3A_331 = tpu.memref_squeeze %dma_start3A_330 : memref<1x125xi32, #tpu.memory_space<vmem>> -> memref<125xi32, #tpu.memory_space<vmem>>
      %dma_start3A_332 = arith.constant 0 : i32
      %dma_start3A_333 = arith.constant 0 : i32
      %dma_start3A_334 = tpu.memref_slice %arg2[%arg0, %dma_start3A_332, %dma_start3A_333] : memref<2x10000x64xf32, #tpu.memory_space<hbm>> -> memref<1x10000x64xf32, #tpu.memory_space<hbm>>
      %dma_start3A_335 = tpu.memref_squeeze %dma_start3A_334 : memref<1x10000x64xf32, #tpu.memory_space<hbm>> -> memref<10000x64xf32, #tpu.memory_space<hbm>>
      %dma_start3A_336 = arith.constant 0 : i32
      %dma_start3A_337 = arith.constant 0 : i32
      %dma_start3A_338 = tpu.memref_slice %dma_start3A_335[%dma_start3A_336, %dma_start3A_337] : memref<10000x64xf32, #tpu.memory_space<hbm>> -> memref<10000x64xf32, #tpu.memory_space<hbm>>
      tpu.enqueue_indirect_dma source(%dma_start3A_338 : memref<10000x64xf32, #tpu.memory_space<hbm>>) target(%arg31 : memref<125x64xf32, #tpu.memory_space<vmem>>) offsets(%dma_start3A_331 : memref<125xi32, #tpu.memory_space<vmem>>) semaphore(%arg39 : memref<!tpu.dma_semaphore, #tpu.memory_space<semaphore_mem>>)
      %dma_start3A_339 = arith.constant 2 : i32
      %dma_start3A_340 = arith.constant 0 : i32
      %dma_start3A_341 = tpu.memref_slice %arg27[%dma_start3A_339, %dma_start3A_340] : memref<10x125xi32, #tpu.memory_space<vmem>> -> memref<1x125xi32, #tpu.memory_space<vmem>>
      %dma_start3A_342 = tpu.memref_squeeze %dma_start3A_341 : memref<1x125xi32, #tpu.memory_space<vmem>> -> memref<125xi32, #tpu.memory_space<vmem>>
      %dma_start3A_343 = arith.constant 0 : i32
      %dma_start3A_344 = arith.constant 0 : i32
      %dma_start3A_345 = tpu.memref_slice %arg36[%dma_start3A_343, %dma_start3A_344] : memref<10000x64xf32, #tpu.memory_space<vmem_shared>> -> memref<10000x64xf32, #tpu.memory_space<vmem_shared>>
      tpu.enqueue_indirect_dma source(%arg32 : memref<125x64xf32, #tpu.memory_space<vmem>>) target(%dma_start3A_345 : memref<10000x64xf32, #tpu.memory_space<vmem_shared>>) offsets(%dma_start3A_342 : memref<125xi32, #tpu.memory_space<vmem>>) semaphore(%arg44 : memref<!tpu.dma_semaphore, #tpu.memory_space<semaphore_mem>>) {add = true}
      %eq3A_346 = arith.constant 0 : i32
      %eq3A_347 = arith.cmpi eq, %arg0, %eq3A_346 : i32
      %convert_element_type3A_348 = arith.extui %eq3A_347 : i1 to i32
      %cond3A_349 = arith.constant 0 : i32
      %cond3A_350 = arith.cmpi ne, %convert_element_type3A_348, %cond3A_349 : i32
      scf.if %cond3A_350 {
        %dma_start3A_1080 = arith.constant 2 : i32
        %dma_start3A_1081 = arith.constant 0 : i32
        %dma_start3A_1082 = tpu.memref_slice %arg27[%dma_start3A_1080, %dma_start3A_1081] : memref<10x125xi32, #tpu.memory_space<vmem>> -> memref<1x125xi32, #tpu.memory_space<vmem>>
        %dma_start3A_1083 = tpu.memref_squeeze %dma_start3A_1082 : memref<1x125xi32, #tpu.memory_space<vmem>> -> memref<125xi32, #tpu.memory_space<vmem>>
        %dma_start3A_1084 = arith.constant 0 : i32
        %dma_start3A_1085 = arith.constant 0 : i32
        %dma_start3A_1086 = tpu.memref_slice %arg37[%dma_start3A_1084, %dma_start3A_1085] : memref<10000x16xf32, #tpu.memory_space<vmem_shared>> -> memref<10000x16xf32, #tpu.memory_space<vmem_shared>>
        tpu.enqueue_indirect_dma source(%arg34 : memref<125x16xf32, #tpu.memory_space<vmem>>) target(%dma_start3A_1086 : memref<10000x16xf32, #tpu.memory_space<vmem_shared>>) offsets(%dma_start3A_1083 : memref<125xi32, #tpu.memory_space<vmem>>) semaphore(%arg46 : memref<!tpu.dma_semaphore, #tpu.memory_space<semaphore_mem>>) {add = true}
      } else {
      }
      %dma_wait3A_351 = arith.constant 3 : i32
      %dma_wait3A_352 = arith.constant 0 : i32
      %dma_wait3A_353 = tpu.memref_slice %arg26[%dma_wait3A_351, %dma_wait3A_352] : memref<10x125xi32, #tpu.memory_space<vmem>> -> memref<1x125xi32, #tpu.memory_space<vmem>>
      %dma_wait3A_354 = tpu.memref_squeeze %dma_wait3A_353 : memref<1x125xi32, #tpu.memory_space<vmem>> -> memref<125xi32, #tpu.memory_space<vmem>>
      %dma_wait3A_355 = arith.constant 0 : i32
      %dma_wait3A_356 = arith.constant 0 : i32
      %dma_wait3A_357 = tpu.memref_slice %arg2[%arg0, %dma_wait3A_355, %dma_wait3A_356] : memref<2x10000x64xf32, #tpu.memory_space<hbm>> -> memref<1x10000x64xf32, #tpu.memory_space<hbm>>
      %dma_wait3A_358 = tpu.memref_squeeze %dma_wait3A_357 : memref<1x10000x64xf32, #tpu.memory_space<hbm>> -> memref<10000x64xf32, #tpu.memory_space<hbm>>
      %dma_wait3A_359 = arith.constant 0 : i32
      %dma_wait3A_360 = arith.constant 0 : i32
      %dma_wait3A_361 = tpu.memref_slice %dma_wait3A_358[%dma_wait3A_359, %dma_wait3A_360] : memref<10000x64xf32, #tpu.memory_space<hbm>> -> memref<10000x64xf32, #tpu.memory_space<hbm>>
      tpu.wait_indirect_dma semaphore(%arg41 : memref<!tpu.dma_semaphore, #tpu.memory_space<semaphore_mem>>) src(%dma_wait3A_361 : memref<10000x64xf32, #tpu.memory_space<hbm>>) dst(%arg33 : memref<125x64xf32, #tpu.memory_space<vmem>>)
      %dma_wait3A_362 = arith.constant 2 : i32
      %dma_wait3A_363 = arith.constant 0 : i32
      %dma_wait3A_364 = tpu.memref_slice %arg27[%dma_wait3A_362, %dma_wait3A_363] : memref<10x125xi32, #tpu.memory_space<vmem>> -> memref<1x125xi32, #tpu.memory_space<vmem>>
      %dma_wait3A_365 = tpu.memref_squeeze %dma_wait3A_364 : memref<1x125xi32, #tpu.memory_space<vmem>> -> memref<125xi32, #tpu.memory_space<vmem>>
      %dma_wait3A_366 = arith.constant 0 : i32
      %dma_wait3A_367 = arith.constant 0 : i32
      %dma_wait3A_368 = tpu.memref_slice %arg36[%dma_wait3A_366, %dma_wait3A_367] : memref<10000x64xf32, #tpu.memory_space<vmem_shared>> -> memref<10000x64xf32, #tpu.memory_space<vmem_shared>>
      tpu.wait_indirect_dma semaphore(%arg44 : memref<!tpu.dma_semaphore, #tpu.memory_space<semaphore_mem>>) src(%arg32 : memref<125x64xf32, #tpu.memory_space<vmem>>) dst(%dma_wait3A_368 : memref<10000x64xf32, #tpu.memory_space<vmem_shared>>)
      %dma_start3A_369 = arith.constant 6 : i32
      %dma_start3A_370 = arith.constant 0 : i32
      %dma_start3A_371 = tpu.memref_slice %arg26[%dma_start3A_369, %dma_start3A_370] : memref<10x125xi32, #tpu.memory_space<vmem>> -> memref<1x125xi32, #tpu.memory_space<vmem>>
      %dma_start3A_372 = tpu.memref_squeeze %dma_start3A_371 : memref<1x125xi32, #tpu.memory_space<vmem>> -> memref<125xi32, #tpu.memory_space<vmem>>
      %dma_start3A_373 = arith.constant 0 : i32
      %dma_start3A_374 = arith.constant 0 : i32
      %dma_start3A_375 = tpu.memref_slice %arg2[%arg0, %dma_start3A_373, %dma_start3A_374] : memref<2x10000x64xf32, #tpu.memory_space<hbm>> -> memref<1x10000x64xf32, #tpu.memory_space<hbm>>
      %dma_start3A_376 = tpu.memref_squeeze %dma_start3A_375 : memref<1x10000x64xf32, #tpu.memory_space<hbm>> -> memref<10000x64xf32, #tpu.memory_space<hbm>>
      %dma_start3A_377 = arith.constant 0 : i32
      %dma_start3A_378 = arith.constant 0 : i32
      %dma_start3A_379 = tpu.memref_slice %dma_start3A_376[%dma_start3A_377, %dma_start3A_378] : memref<10000x64xf32, #tpu.memory_space<hbm>> -> memref<10000x64xf32, #tpu.memory_space<hbm>>
      tpu.enqueue_indirect_dma source(%dma_start3A_379 : memref<10000x64xf32, #tpu.memory_space<hbm>>) target(%arg32 : memref<125x64xf32, #tpu.memory_space<vmem>>) offsets(%dma_start3A_372 : memref<125xi32, #tpu.memory_space<vmem>>) semaphore(%arg40 : memref<!tpu.dma_semaphore, #tpu.memory_space<semaphore_mem>>)
      %dma_start3A_380 = arith.constant 3 : i32
      %dma_start3A_381 = arith.constant 0 : i32
      %dma_start3A_382 = tpu.memref_slice %arg27[%dma_start3A_380, %dma_start3A_381] : memref<10x125xi32, #tpu.memory_space<vmem>> -> memref<1x125xi32, #tpu.memory_space<vmem>>
      %dma_start3A_383 = tpu.memref_squeeze %dma_start3A_382 : memref<1x125xi32, #tpu.memory_space<vmem>> -> memref<125xi32, #tpu.memory_space<vmem>>
      %dma_start3A_384 = arith.constant 0 : i32
      %dma_start3A_385 = arith.constant 0 : i32
      %dma_start3A_386 = tpu.memref_slice %arg36[%dma_start3A_384, %dma_start3A_385] : memref<10000x64xf32, #tpu.memory_space<vmem_shared>> -> memref<10000x64xf32, #tpu.memory_space<vmem_shared>>
      tpu.enqueue_indirect_dma source(%arg33 : memref<125x64xf32, #tpu.memory_space<vmem>>) target(%dma_start3A_386 : memref<10000x64xf32, #tpu.memory_space<vmem_shared>>) offsets(%dma_start3A_383 : memref<125xi32, #tpu.memory_space<vmem>>) semaphore(%arg45 : memref<!tpu.dma_semaphore, #tpu.memory_space<semaphore_mem>>) {add = true}
      %eq3A_387 = arith.constant 1 : i32
      %eq3A_388 = arith.cmpi eq, %arg0, %eq3A_387 : i32
      %convert_element_type3A_389 = arith.extui %eq3A_388 : i1 to i32
      %cond3A_390 = arith.constant 0 : i32
      %cond3A_391 = arith.cmpi ne, %convert_element_type3A_389, %cond3A_390 : i32
      scf.if %cond3A_391 {
        %dma_start3A_1080 = arith.constant 3 : i32
        %dma_start3A_1081 = arith.constant 0 : i32
        %dma_start3A_1082 = tpu.memref_slice %arg27[%dma_start3A_1080, %dma_start3A_1081] : memref<10x125xi32, #tpu.memory_space<vmem>> -> memref<1x125xi32, #tpu.memory_space<vmem>>
        %dma_start3A_1083 = tpu.memref_squeeze %dma_start3A_1082 : memref<1x125xi32, #tpu.memory_space<vmem>> -> memref<125xi32, #tpu.memory_space<vmem>>
        %dma_start3A_1084 = arith.constant 0 : i32
        %dma_start3A_1085 = arith.constant 0 : i32
        %dma_start3A_1086 = tpu.memref_slice %arg37[%dma_start3A_1084, %dma_start3A_1085] : memref<10000x16xf32, #tpu.memory_space<vmem_shared>> -> memref<10000x16xf32, #tpu.memory_space<vmem_shared>>
        tpu.enqueue_indirect_dma source(%arg34 : memref<125x16xf32, #tpu.memory_space<vmem>>) target(%dma_start3A_1086 : memref<10000x16xf32, #tpu.memory_space<vmem_shared>>) offsets(%dma_start3A_1083 : memref<125xi32, #tpu.memory_space<vmem>>) semaphore(%arg46 : memref<!tpu.dma_semaphore, #tpu.memory_space<semaphore_mem>>) {add = true}
      } else {
      }
      %dma_wait3A_392 = arith.constant 4 : i32
      %dma_wait3A_393 = arith.constant 0 : i32
      %dma_wait3A_394 = tpu.memref_slice %arg26[%dma_wait3A_392, %dma_wait3A_393] : memref<10x125xi32, #tpu.memory_space<vmem>> -> memref<1x125xi32, #tpu.memory_space<vmem>>
      %dma_wait3A_395 = tpu.memref_squeeze %dma_wait3A_394 : memref<1x125xi32, #tpu.memory_space<vmem>> -> memref<125xi32, #tpu.memory_space<vmem>>
      %dma_wait3A_396 = arith.constant 0 : i32
      %dma_wait3A_397 = arith.constant 0 : i32
      %dma_wait3A_398 = tpu.memref_slice %arg2[%arg0, %dma_wait3A_396, %dma_wait3A_397] : memref<2x10000x64xf32, #tpu.memory_space<hbm>> -> memref<1x10000x64xf32, #tpu.memory_space<hbm>>
      %dma_wait3A_399 = tpu.memref_squeeze %dma_wait3A_398 : memref<1x10000x64xf32, #tpu.memory_space<hbm>> -> memref<10000x64xf32, #tpu.memory_space<hbm>>
      %dma_wait3A_400 = arith.constant 0 : i32
      %dma_wait3A_401 = arith.constant 0 : i32
      %dma_wait3A_402 = tpu.memref_slice %dma_wait3A_399[%dma_wait3A_400, %dma_wait3A_401] : memref<10000x64xf32, #tpu.memory_space<hbm>> -> memref<10000x64xf32, #tpu.memory_space<hbm>>
      tpu.wait_indirect_dma semaphore(%arg38 : memref<!tpu.dma_semaphore, #tpu.memory_space<semaphore_mem>>) src(%dma_wait3A_402 : memref<10000x64xf32, #tpu.memory_space<hbm>>) dst(%arg30 : memref<125x64xf32, #tpu.memory_space<vmem>>)
      %dma_wait3A_403 = arith.constant 3 : i32
      %dma_wait3A_404 = arith.constant 0 : i32
      %dma_wait3A_405 = tpu.memref_slice %arg27[%dma_wait3A_403, %dma_wait3A_404] : memref<10x125xi32, #tpu.memory_space<vmem>> -> memref<1x125xi32, #tpu.memory_space<vmem>>
      %dma_wait3A_406 = tpu.memref_squeeze %dma_wait3A_405 : memref<1x125xi32, #tpu.memory_space<vmem>> -> memref<125xi32, #tpu.memory_space<vmem>>
      %dma_wait3A_407 = arith.constant 0 : i32
      %dma_wait3A_408 = arith.constant 0 : i32
      %dma_wait3A_409 = tpu.memref_slice %arg36[%dma_wait3A_407, %dma_wait3A_408] : memref<10000x64xf32, #tpu.memory_space<vmem_shared>> -> memref<10000x64xf32, #tpu.memory_space<vmem_shared>>
      tpu.wait_indirect_dma semaphore(%arg45 : memref<!tpu.dma_semaphore, #tpu.memory_space<semaphore_mem>>) src(%arg33 : memref<125x64xf32, #tpu.memory_space<vmem>>) dst(%dma_wait3A_409 : memref<10000x64xf32, #tpu.memory_space<vmem_shared>>)
      %dma_start3A_410 = arith.constant 7 : i32
      %dma_start3A_411 = arith.constant 0 : i32
      %dma_start3A_412 = tpu.memref_slice %arg26[%dma_start3A_410, %dma_start3A_411] : memref<10x125xi32, #tpu.memory_space<vmem>> -> memref<1x125xi32, #tpu.memory_space<vmem>>
      %dma_start3A_413 = tpu.memref_squeeze %dma_start3A_412 : memref<1x125xi32, #tpu.memory_space<vmem>> -> memref<125xi32, #tpu.memory_space<vmem>>
      %dma_start3A_414 = arith.constant 0 : i32
      %dma_start3A_415 = arith.constant 0 : i32
      %dma_start3A_416 = tpu.memref_slice %arg2[%arg0, %dma_start3A_414, %dma_start3A_415] : memref<2x10000x64xf32, #tpu.memory_space<hbm>> -> memref<1x10000x64xf32, #tpu.memory_space<hbm>>
      %dma_start3A_417 = tpu.memref_squeeze %dma_start3A_416 : memref<1x10000x64xf32, #tpu.memory_space<hbm>> -> memref<10000x64xf32, #tpu.memory_space<hbm>>
      %dma_start3A_418 = arith.constant 0 : i32
      %dma_start3A_419 = arith.constant 0 : i32
      %dma_start3A_420 = tpu.memref_slice %dma_start3A_417[%dma_start3A_418, %dma_start3A_419] : memref<10000x64xf32, #tpu.memory_space<hbm>> -> memref<10000x64xf32, #tpu.memory_space<hbm>>
      tpu.enqueue_indirect_dma source(%dma_start3A_420 : memref<10000x64xf32, #tpu.memory_space<hbm>>) target(%arg33 : memref<125x64xf32, #tpu.memory_space<vmem>>) offsets(%dma_start3A_413 : memref<125xi32, #tpu.memory_space<vmem>>) semaphore(%arg41 : memref<!tpu.dma_semaphore, #tpu.memory_space<semaphore_mem>>)
      %dma_start3A_421 = arith.constant 4 : i32
      %dma_start3A_422 = arith.constant 0 : i32
      %dma_start3A_423 = tpu.memref_slice %arg27[%dma_start3A_421, %dma_start3A_422] : memref<10x125xi32, #tpu.memory_space<vmem>> -> memref<1x125xi32, #tpu.memory_space<vmem>>
      %dma_start3A_424 = tpu.memref_squeeze %dma_start3A_423 : memref<1x125xi32, #tpu.memory_space<vmem>> -> memref<125xi32, #tpu.memory_space<vmem>>
      %dma_start3A_425 = arith.constant 0 : i32
      %dma_start3A_426 = arith.constant 0 : i32
      %dma_start3A_427 = tpu.memref_slice %arg36[%dma_start3A_425, %dma_start3A_426] : memref<10000x64xf32, #tpu.memory_space<vmem_shared>> -> memref<10000x64xf32, #tpu.memory_space<vmem_shared>>
      tpu.enqueue_indirect_dma source(%arg30 : memref<125x64xf32, #tpu.memory_space<vmem>>) target(%dma_start3A_427 : memref<10000x64xf32, #tpu.memory_space<vmem_shared>>) offsets(%dma_start3A_424 : memref<125xi32, #tpu.memory_space<vmem>>) semaphore(%arg42 : memref<!tpu.dma_semaphore, #tpu.memory_space<semaphore_mem>>) {add = true}
      %eq3A_428 = arith.constant 0 : i32
      %eq3A_429 = arith.cmpi eq, %arg0, %eq3A_428 : i32
      %convert_element_type3A_430 = arith.extui %eq3A_429 : i1 to i32
      %cond3A_431 = arith.constant 0 : i32
      %cond3A_432 = arith.cmpi ne, %convert_element_type3A_430, %cond3A_431 : i32
      scf.if %cond3A_432 {
        %dma_start3A_1080 = arith.constant 4 : i32
        %dma_start3A_1081 = arith.constant 0 : i32
        %dma_start3A_1082 = tpu.memref_slice %arg27[%dma_start3A_1080, %dma_start3A_1081] : memref<10x125xi32, #tpu.memory_space<vmem>> -> memref<1x125xi32, #tpu.memory_space<vmem>>
        %dma_start3A_1083 = tpu.memref_squeeze %dma_start3A_1082 : memref<1x125xi32, #tpu.memory_space<vmem>> -> memref<125xi32, #tpu.memory_space<vmem>>
        %dma_start3A_1084 = arith.constant 0 : i32
        %dma_start3A_1085 = arith.constant 0 : i32
        %dma_start3A_1086 = tpu.memref_slice %arg37[%dma_start3A_1084, %dma_start3A_1085] : memref<10000x16xf32, #tpu.memory_space<vmem_shared>> -> memref<10000x16xf32, #tpu.memory_space<vmem_shared>>
        tpu.enqueue_indirect_dma source(%arg34 : memref<125x16xf32, #tpu.memory_space<vmem>>) target(%dma_start3A_1086 : memref<10000x16xf32, #tpu.memory_space<vmem_shared>>) offsets(%dma_start3A_1083 : memref<125xi32, #tpu.memory_space<vmem>>) semaphore(%arg46 : memref<!tpu.dma_semaphore, #tpu.memory_space<semaphore_mem>>) {add = true}
      } else {
      }
      %dma_wait3A_433 = arith.constant 5 : i32
      %dma_wait3A_434 = arith.constant 0 : i32
      %dma_wait3A_435 = tpu.memref_slice %arg26[%dma_wait3A_433, %dma_wait3A_434] : memref<10x125xi32, #tpu.memory_space<vmem>> -> memref<1x125xi32, #tpu.memory_space<vmem>>
      %dma_wait3A_436 = tpu.memref_squeeze %dma_wait3A_435 : memref<1x125xi32, #tpu.memory_space<vmem>> -> memref<125xi32, #tpu.memory_space<vmem>>
      %dma_wait3A_437 = arith.constant 0 : i32
      %dma_wait3A_438 = arith.constant 0 : i32
      %dma_wait3A_439 = tpu.memref_slice %arg2[%arg0, %dma_wait3A_437, %dma_wait3A_438] : memref<2x10000x64xf32, #tpu.memory_space<hbm>> -> memref<1x10000x64xf32, #tpu.memory_space<hbm>>
      %dma_wait3A_440 = tpu.memref_squeeze %dma_wait3A_439 : memref<1x10000x64xf32, #tpu.memory_space<hbm>> -> memref<10000x64xf32, #tpu.memory_space<hbm>>
      %dma_wait3A_441 = arith.constant 0 : i32
      %dma_wait3A_442 = arith.constant 0 : i32
      %dma_wait3A_443 = tpu.memref_slice %dma_wait3A_440[%dma_wait3A_441, %dma_wait3A_442] : memref<10000x64xf32, #tpu.memory_space<hbm>> -> memref<10000x64xf32, #tpu.memory_space<hbm>>
      tpu.wait_indirect_dma semaphore(%arg39 : memref<!tpu.dma_semaphore, #tpu.memory_space<semaphore_mem>>) src(%dma_wait3A_443 : memref<10000x64xf32, #tpu.memory_space<hbm>>) dst(%arg31 : memref<125x64xf32, #tpu.memory_space<vmem>>)
      %dma_wait3A_444 = arith.constant 4 : i32
      %dma_wait3A_445 = arith.constant 0 : i32
      %dma_wait3A_446 = tpu.memref_slice %arg27[%dma_wait3A_444, %dma_wait3A_445] : memref<10x125xi32, #tpu.memory_space<vmem>> -> memref<1x125xi32, #tpu.memory_space<vmem>>
      %dma_wait3A_447 = tpu.memref_squeeze %dma_wait3A_446 : memref<1x125xi32, #tpu.memory_space<vmem>> -> memref<125xi32, #tpu.memory_space<vmem>>
      %dma_wait3A_448 = arith.constant 0 : i32
      %dma_wait3A_449 = arith.constant 0 : i32
      %dma_wait3A_450 = tpu.memref_slice %arg36[%dma_wait3A_448, %dma_wait3A_449] : memref<10000x64xf32, #tpu.memory_space<vmem_shared>> -> memref<10000x64xf32, #tpu.memory_space<vmem_shared>>
      tpu.wait_indirect_dma semaphore(%arg42 : memref<!tpu.dma_semaphore, #tpu.memory_space<semaphore_mem>>) src(%arg30 : memref<125x64xf32, #tpu.memory_space<vmem>>) dst(%dma_wait3A_450 : memref<10000x64xf32, #tpu.memory_space<vmem_shared>>)
      %dma_start3A_451 = arith.constant 8 : i32
      %dma_start3A_452 = arith.constant 0 : i32
      %dma_start3A_453 = tpu.memref_slice %arg26[%dma_start3A_451, %dma_start3A_452] : memref<10x125xi32, #tpu.memory_space<vmem>> -> memref<1x125xi32, #tpu.memory_space<vmem>>
      %dma_start3A_454 = tpu.memref_squeeze %dma_start3A_453 : memref<1x125xi32, #tpu.memory_space<vmem>> -> memref<125xi32, #tpu.memory_space<vmem>>
      %dma_start3A_455 = arith.constant 0 : i32
      %dma_start3A_456 = arith.constant 0 : i32
      %dma_start3A_457 = tpu.memref_slice %arg2[%arg0, %dma_start3A_455, %dma_start3A_456] : memref<2x10000x64xf32, #tpu.memory_space<hbm>> -> memref<1x10000x64xf32, #tpu.memory_space<hbm>>
      %dma_start3A_458 = tpu.memref_squeeze %dma_start3A_457 : memref<1x10000x64xf32, #tpu.memory_space<hbm>> -> memref<10000x64xf32, #tpu.memory_space<hbm>>
      %dma_start3A_459 = arith.constant 0 : i32
      %dma_start3A_460 = arith.constant 0 : i32
      %dma_start3A_461 = tpu.memref_slice %dma_start3A_458[%dma_start3A_459, %dma_start3A_460] : memref<10000x64xf32, #tpu.memory_space<hbm>> -> memref<10000x64xf32, #tpu.memory_space<hbm>>
      tpu.enqueue_indirect_dma source(%dma_start3A_461 : memref<10000x64xf32, #tpu.memory_space<hbm>>) target(%arg30 : memref<125x64xf32, #tpu.memory_space<vmem>>) offsets(%dma_start3A_454 : memref<125xi32, #tpu.memory_space<vmem>>) semaphore(%arg38 : memref<!tpu.dma_semaphore, #tpu.memory_space<semaphore_mem>>)
      %dma_start3A_462 = arith.constant 5 : i32
      %dma_start3A_463 = arith.constant 0 : i32
      %dma_start3A_464 = tpu.memref_slice %arg27[%dma_start3A_462, %dma_start3A_463] : memref<10x125xi32, #tpu.memory_space<vmem>> -> memref<1x125xi32, #tpu.memory_space<vmem>>
      %dma_start3A_465 = tpu.memref_squeeze %dma_start3A_464 : memref<1x125xi32, #tpu.memory_space<vmem>> -> memref<125xi32, #tpu.memory_space<vmem>>
      %dma_start3A_466 = arith.constant 0 : i32
      %dma_start3A_467 = arith.constant 0 : i32
      %dma_start3A_468 = tpu.memref_slice %arg36[%dma_start3A_466, %dma_start3A_467] : memref<10000x64xf32, #tpu.memory_space<vmem_shared>> -> memref<10000x64xf32, #tpu.memory_space<vmem_shared>>
      tpu.enqueue_indirect_dma source(%arg31 : memref<125x64xf32, #tpu.memory_space<vmem>>) target(%dma_start3A_468 : memref<10000x64xf32, #tpu.memory_space<vmem_shared>>) offsets(%dma_start3A_465 : memref<125xi32, #tpu.memory_space<vmem>>) semaphore(%arg43 : memref<!tpu.dma_semaphore, #tpu.memory_space<semaphore_mem>>) {add = true}
      %eq3A_469 = arith.constant 1 : i32
      %eq3A_470 = arith.cmpi eq, %arg0, %eq3A_469 : i32
      %convert_element_type3A_471 = arith.extui %eq3A_470 : i1 to i32
      %cond3A_472 = arith.constant 0 : i32
      %cond3A_473 = arith.cmpi ne, %convert_element_type3A_471, %cond3A_472 : i32
      scf.if %cond3A_473 {
        %dma_start3A_1080 = arith.constant 5 : i32
        %dma_start3A_1081 = arith.constant 0 : i32
        %dma_start3A_1082 = tpu.memref_slice %arg27[%dma_start3A_1080, %dma_start3A_1081] : memref<10x125xi32, #tpu.memory_space<vmem>> -> memref<1x125xi32, #tpu.memory_space<vmem>>
        %dma_start3A_1083 = tpu.memref_squeeze %dma_start3A_1082 : memref<1x125xi32, #tpu.memory_space<vmem>> -> memref<125xi32, #tpu.memory_space<vmem>>
        %dma_start3A_1084 = arith.constant 0 : i32
        %dma_start3A_1085 = arith.constant 0 : i32
        %dma_start3A_1086 = tpu.memref_slice %arg37[%dma_start3A_1084, %dma_start3A_1085] : memref<10000x16xf32, #tpu.memory_space<vmem_shared>> -> memref<10000x16xf32, #tpu.memory_space<vmem_shared>>
        tpu.enqueue_indirect_dma source(%arg34 : memref<125x16xf32, #tpu.memory_space<vmem>>) target(%dma_start3A_1086 : memref<10000x16xf32, #tpu.memory_space<vmem_shared>>) offsets(%dma_start3A_1083 : memref<125xi32, #tpu.memory_space<vmem>>) semaphore(%arg46 : memref<!tpu.dma_semaphore, #tpu.memory_space<semaphore_mem>>) {add = true}
      } else {
      }
      %dma_wait3A_474 = arith.constant 6 : i32
      %dma_wait3A_475 = arith.constant 0 : i32
      %dma_wait3A_476 = tpu.memref_slice %arg26[%dma_wait3A_474, %dma_wait3A_475] : memref<10x125xi32, #tpu.memory_space<vmem>> -> memref<1x125xi32, #tpu.memory_space<vmem>>
      %dma_wait3A_477 = tpu.memref_squeeze %dma_wait3A_476 : memref<1x125xi32, #tpu.memory_space<vmem>> -> memref<125xi32, #tpu.memory_space<vmem>>
      %dma_wait3A_478 = arith.constant 0 : i32
      %dma_wait3A_479 = arith.constant 0 : i32
      %dma_wait3A_480 = tpu.memref_slice %arg2[%arg0, %dma_wait3A_478, %dma_wait3A_479] : memref<2x10000x64xf32, #tpu.memory_space<hbm>> -> memref<1x10000x64xf32, #tpu.memory_space<hbm>>
      %dma_wait3A_481 = tpu.memref_squeeze %dma_wait3A_480 : memref<1x10000x64xf32, #tpu.memory_space<hbm>> -> memref<10000x64xf32, #tpu.memory_space<hbm>>
      %dma_wait3A_482 = arith.constant 0 : i32
      %dma_wait3A_483 = arith.constant 0 : i32
      %dma_wait3A_484 = tpu.memref_slice %dma_wait3A_481[%dma_wait3A_482, %dma_wait3A_483] : memref<10000x64xf32, #tpu.memory_space<hbm>> -> memref<10000x64xf32, #tpu.memory_space<hbm>>
      tpu.wait_indirect_dma semaphore(%arg40 : memref<!tpu.dma_semaphore, #tpu.memory_space<semaphore_mem>>) src(%dma_wait3A_484 : memref<10000x64xf32, #tpu.memory_space<hbm>>) dst(%arg32 : memref<125x64xf32, #tpu.memory_space<vmem>>)
      %dma_wait3A_485 = arith.constant 5 : i32
      %dma_wait3A_486 = arith.constant 0 : i32
      %dma_wait3A_487 = tpu.memref_slice %arg27[%dma_wait3A_485, %dma_wait3A_486] : memref<10x125xi32, #tpu.memory_space<vmem>> -> memref<1x125xi32, #tpu.memory_space<vmem>>
      %dma_wait3A_488 = tpu.memref_squeeze %dma_wait3A_487 : memref<1x125xi32, #tpu.memory_space<vmem>> -> memref<125xi32, #tpu.memory_space<vmem>>
      %dma_wait3A_489 = arith.constant 0 : i32
      %dma_wait3A_490 = arith.constant 0 : i32
      %dma_wait3A_491 = tpu.memref_slice %arg36[%dma_wait3A_489, %dma_wait3A_490] : memref<10000x64xf32, #tpu.memory_space<vmem_shared>> -> memref<10000x64xf32, #tpu.memory_space<vmem_shared>>
      tpu.wait_indirect_dma semaphore(%arg43 : memref<!tpu.dma_semaphore, #tpu.memory_space<semaphore_mem>>) src(%arg31 : memref<125x64xf32, #tpu.memory_space<vmem>>) dst(%dma_wait3A_491 : memref<10000x64xf32, #tpu.memory_space<vmem_shared>>)
      %dma_start3A_492 = arith.constant 9 : i32
      %dma_start3A_493 = arith.constant 0 : i32
      %dma_start3A_494 = tpu.memref_slice %arg26[%dma_start3A_492, %dma_start3A_493] : memref<10x125xi32, #tpu.memory_space<vmem>> -> memref<1x125xi32, #tpu.memory_space<vmem>>
      %dma_start3A_495 = tpu.memref_squeeze %dma_start3A_494 : memref<1x125xi32, #tpu.memory_space<vmem>> -> memref<125xi32, #tpu.memory_space<vmem>>
      %dma_start3A_496 = arith.constant 0 : i32
      %dma_start3A_497 = arith.constant 0 : i32
      %dma_start3A_498 = tpu.memref_slice %arg2[%arg0, %dma_start3A_496, %dma_start3A_497] : memref<2x10000x64xf32, #tpu.memory_space<hbm>> -> memref<1x10000x64xf32, #tpu.memory_space<hbm>>
      %dma_start3A_499 = tpu.memref_squeeze %dma_start3A_498 : memref<1x10000x64xf32, #tpu.memory_space<hbm>> -> memref<10000x64xf32, #tpu.memory_space<hbm>>
      %dma_start3A_500 = arith.constant 0 : i32
      %dma_start3A_501 = arith.constant 0 : i32
      %dma_start3A_502 = tpu.memref_slice %dma_start3A_499[%dma_start3A_500, %dma_start3A_501] : memref<10000x64xf32, #tpu.memory_space<hbm>> -> memref<10000x64xf32, #tpu.memory_space<hbm>>
      tpu.enqueue_indirect_dma source(%dma_start3A_502 : memref<10000x64xf32, #tpu.memory_space<hbm>>) target(%arg31 : memref<125x64xf32, #tpu.memory_space<vmem>>) offsets(%dma_start3A_495 : memref<125xi32, #tpu.memory_space<vmem>>) semaphore(%arg39 : memref<!tpu.dma_semaphore, #tpu.memory_space<semaphore_mem>>)
      %dma_start3A_503 = arith.constant 6 : i32
      %dma_start3A_504 = arith.constant 0 : i32
      %dma_start3A_505 = tpu.memref_slice %arg27[%dma_start3A_503, %dma_start3A_504] : memref<10x125xi32, #tpu.memory_space<vmem>> -> memref<1x125xi32, #tpu.memory_space<vmem>>
      %dma_start3A_506 = tpu.memref_squeeze %dma_start3A_505 : memref<1x125xi32, #tpu.memory_space<vmem>> -> memref<125xi32, #tpu.memory_space<vmem>>
      %dma_start3A_507 = arith.constant 0 : i32
      %dma_start3A_508 = arith.constant 0 : i32
      %dma_start3A_509 = tpu.memref_slice %arg36[%dma_start3A_507, %dma_start3A_508] : memref<10000x64xf32, #tpu.memory_space<vmem_shared>> -> memref<10000x64xf32, #tpu.memory_space<vmem_shared>>
      tpu.enqueue_indirect_dma source(%arg32 : memref<125x64xf32, #tpu.memory_space<vmem>>) target(%dma_start3A_509 : memref<10000x64xf32, #tpu.memory_space<vmem_shared>>) offsets(%dma_start3A_506 : memref<125xi32, #tpu.memory_space<vmem>>) semaphore(%arg44 : memref<!tpu.dma_semaphore, #tpu.memory_space<semaphore_mem>>) {add = true}
      %eq3A_510 = arith.constant 0 : i32
      %eq3A_511 = arith.cmpi eq, %arg0, %eq3A_510 : i32
      %convert_element_type3A_512 = arith.extui %eq3A_511 : i1 to i32
      %cond3A_513 = arith.constant 0 : i32
      %cond3A_514 = arith.cmpi ne, %convert_element_type3A_512, %cond3A_513 : i32
      scf.if %cond3A_514 {
        %dma_start3A_1080 = arith.constant 6 : i32
        %dma_start3A_1081 = arith.constant 0 : i32
        %dma_start3A_1082 = tpu.memref_slice %arg27[%dma_start3A_1080, %dma_start3A_1081] : memref<10x125xi32, #tpu.memory_space<vmem>> -> memref<1x125xi32, #tpu.memory_space<vmem>>
        %dma_start3A_1083 = tpu.memref_squeeze %dma_start3A_1082 : memref<1x125xi32, #tpu.memory_space<vmem>> -> memref<125xi32, #tpu.memory_space<vmem>>
        %dma_start3A_1084 = arith.constant 0 : i32
        %dma_start3A_1085 = arith.constant 0 : i32
        %dma_start3A_1086 = tpu.memref_slice %arg37[%dma_start3A_1084, %dma_start3A_1085] : memref<10000x16xf32, #tpu.memory_space<vmem_shared>> -> memref<10000x16xf32, #tpu.memory_space<vmem_shared>>
        tpu.enqueue_indirect_dma source(%arg34 : memref<125x16xf32, #tpu.memory_space<vmem>>) target(%dma_start3A_1086 : memref<10000x16xf32, #tpu.memory_space<vmem_shared>>) offsets(%dma_start3A_1083 : memref<125xi32, #tpu.memory_space<vmem>>) semaphore(%arg46 : memref<!tpu.dma_semaphore, #tpu.memory_space<semaphore_mem>>) {add = true}
      } else {
      }
      %dma_wait3A_515 = arith.constant 7 : i32
      %dma_wait3A_516 = arith.constant 0 : i32
      %dma_wait3A_517 = tpu.memref_slice %arg26[%dma_wait3A_515, %dma_wait3A_516] : memref<10x125xi32, #tpu.memory_space<vmem>> -> memref<1x125xi32, #tpu.memory_space<vmem>>
      %dma_wait3A_518 = tpu.memref_squeeze %dma_wait3A_517 : memref<1x125xi32, #tpu.memory_space<vmem>> -> memref<125xi32, #tpu.memory_space<vmem>>
      %dma_wait3A_519 = arith.constant 0 : i32
      %dma_wait3A_520 = arith.constant 0 : i32
      %dma_wait3A_521 = tpu.memref_slice %arg2[%arg0, %dma_wait3A_519, %dma_wait3A_520] : memref<2x10000x64xf32, #tpu.memory_space<hbm>> -> memref<1x10000x64xf32, #tpu.memory_space<hbm>>
      %dma_wait3A_522 = tpu.memref_squeeze %dma_wait3A_521 : memref<1x10000x64xf32, #tpu.memory_space<hbm>> -> memref<10000x64xf32, #tpu.memory_space<hbm>>
      %dma_wait3A_523 = arith.constant 0 : i32
      %dma_wait3A_524 = arith.constant 0 : i32
      %dma_wait3A_525 = tpu.memref_slice %dma_wait3A_522[%dma_wait3A_523, %dma_wait3A_524] : memref<10000x64xf32, #tpu.memory_space<hbm>> -> memref<10000x64xf32, #tpu.memory_space<hbm>>
      tpu.wait_indirect_dma semaphore(%arg41 : memref<!tpu.dma_semaphore, #tpu.memory_space<semaphore_mem>>) src(%dma_wait3A_525 : memref<10000x64xf32, #tpu.memory_space<hbm>>) dst(%arg33 : memref<125x64xf32, #tpu.memory_space<vmem>>)
      %dma_start3A_526 = arith.constant 7 : i32
      %dma_start3A_527 = arith.constant 0 : i32
      %dma_start3A_528 = tpu.memref_slice %arg27[%dma_start3A_526, %dma_start3A_527] : memref<10x125xi32, #tpu.memory_space<vmem>> -> memref<1x125xi32, #tpu.memory_space<vmem>>
      %dma_start3A_529 = tpu.memref_squeeze %dma_start3A_528 : memref<1x125xi32, #tpu.memory_space<vmem>> -> memref<125xi32, #tpu.memory_space<vmem>>
      %dma_start3A_530 = arith.constant 0 : i32
      %dma_start3A_531 = arith.constant 0 : i32
      %dma_start3A_532 = tpu.memref_slice %arg36[%dma_start3A_530, %dma_start3A_531] : memref<10000x64xf32, #tpu.memory_space<vmem_shared>> -> memref<10000x64xf32, #tpu.memory_space<vmem_shared>>
      tpu.enqueue_indirect_dma source(%arg33 : memref<125x64xf32, #tpu.memory_space<vmem>>) target(%dma_start3A_532 : memref<10000x64xf32, #tpu.memory_space<vmem_shared>>) offsets(%dma_start3A_529 : memref<125xi32, #tpu.memory_space<vmem>>) semaphore(%arg45 : memref<!tpu.dma_semaphore, #tpu.memory_space<semaphore_mem>>) {add = true}
      %eq3A_533 = arith.constant 1 : i32
      %eq3A_534 = arith.cmpi eq, %arg0, %eq3A_533 : i32
      %convert_element_type3A_535 = arith.extui %eq3A_534 : i1 to i32
      %cond3A_536 = arith.constant 0 : i32
      %cond3A_537 = arith.cmpi ne, %convert_element_type3A_535, %cond3A_536 : i32
      scf.if %cond3A_537 {
        %dma_start3A_1080 = arith.constant 7 : i32
        %dma_start3A_1081 = arith.constant 0 : i32
        %dma_start3A_1082 = tpu.memref_slice %arg27[%dma_start3A_1080, %dma_start3A_1081] : memref<10x125xi32, #tpu.memory_space<vmem>> -> memref<1x125xi32, #tpu.memory_space<vmem>>
        %dma_start3A_1083 = tpu.memref_squeeze %dma_start3A_1082 : memref<1x125xi32, #tpu.memory_space<vmem>> -> memref<125xi32, #tpu.memory_space<vmem>>
        %dma_start3A_1084 = arith.constant 0 : i32
        %dma_start3A_1085 = arith.constant 0 : i32
        %dma_start3A_1086 = tpu.memref_slice %arg37[%dma_start3A_1084, %dma_start3A_1085] : memref<10000x16xf32, #tpu.memory_space<vmem_shared>> -> memref<10000x16xf32, #tpu.memory_space<vmem_shared>>
        tpu.enqueue_indirect_dma source(%arg34 : memref<125x16xf32, #tpu.memory_space<vmem>>) target(%dma_start3A_1086 : memref<10000x16xf32, #tpu.memory_space<vmem_shared>>) offsets(%dma_start3A_1083 : memref<125xi32, #tpu.memory_space<vmem>>) semaphore(%arg46 : memref<!tpu.dma_semaphore, #tpu.memory_space<semaphore_mem>>) {add = true}
      } else {
      }
      %dma_wait3A_538 = arith.constant 8 : i32
      %dma_wait3A_539 = arith.constant 0 : i32
      %dma_wait3A_540 = tpu.memref_slice %arg26[%dma_wait3A_538, %dma_wait3A_539] : memref<10x125xi32, #tpu.memory_space<vmem>> -> memref<1x125xi32, #tpu.memory_space<vmem>>
      %dma_wait3A_541 = tpu.memref_squeeze %dma_wait3A_540 : memref<1x125xi32, #tpu.memory_space<vmem>> -> memref<125xi32, #tpu.memory_space<vmem>>
      %dma_wait3A_542 = arith.constant 0 : i32
      %dma_wait3A_543 = arith.constant 0 : i32
      %dma_wait3A_544 = tpu.memref_slice %arg2[%arg0, %dma_wait3A_542, %dma_wait3A_543] : memref<2x10000x64xf32, #tpu.memory_space<hbm>> -> memref<1x10000x64xf32, #tpu.memory_space<hbm>>
      %dma_wait3A_545 = tpu.memref_squeeze %dma_wait3A_544 : memref<1x10000x64xf32, #tpu.memory_space<hbm>> -> memref<10000x64xf32, #tpu.memory_space<hbm>>
      %dma_wait3A_546 = arith.constant 0 : i32
      %dma_wait3A_547 = arith.constant 0 : i32
      %dma_wait3A_548 = tpu.memref_slice %dma_wait3A_545[%dma_wait3A_546, %dma_wait3A_547] : memref<10000x64xf32, #tpu.memory_space<hbm>> -> memref<10000x64xf32, #tpu.memory_space<hbm>>
      tpu.wait_indirect_dma semaphore(%arg38 : memref<!tpu.dma_semaphore, #tpu.memory_space<semaphore_mem>>) src(%dma_wait3A_548 : memref<10000x64xf32, #tpu.memory_space<hbm>>) dst(%arg30 : memref<125x64xf32, #tpu.memory_space<vmem>>)
      %dma_start3A_549 = arith.constant 8 : i32
      %dma_start3A_550 = arith.constant 0 : i32
      %dma_start3A_551 = tpu.memref_slice %arg27[%dma_start3A_549, %dma_start3A_550] : memref<10x125xi32, #tpu.memory_space<vmem>> -> memref<1x125xi32, #tpu.memory_space<vmem>>
      %dma_start3A_552 = tpu.memref_squeeze %dma_start3A_551 : memref<1x125xi32, #tpu.memory_space<vmem>> -> memref<125xi32, #tpu.memory_space<vmem>>
      %dma_start3A_553 = arith.constant 0 : i32
      %dma_start3A_554 = arith.constant 0 : i32
      %dma_start3A_555 = tpu.memref_slice %arg36[%dma_start3A_553, %dma_start3A_554] : memref<10000x64xf32, #tpu.memory_space<vmem_shared>> -> memref<10000x64xf32, #tpu.memory_space<vmem_shared>>
      tpu.enqueue_indirect_dma source(%arg30 : memref<125x64xf32, #tpu.memory_space<vmem>>) target(%dma_start3A_555 : memref<10000x64xf32, #tpu.memory_space<vmem_shared>>) offsets(%dma_start3A_552 : memref<125xi32, #tpu.memory_space<vmem>>) semaphore(%arg42 : memref<!tpu.dma_semaphore, #tpu.memory_space<semaphore_mem>>) {add = true}
      %eq3A_556 = arith.constant 0 : i32
      %eq3A_557 = arith.cmpi eq, %arg0, %eq3A_556 : i32
      %convert_element_type3A_558 = arith.extui %eq3A_557 : i1 to i32
      %cond3A_559 = arith.constant 0 : i32
      %cond3A_560 = arith.cmpi ne, %convert_element_type3A_558, %cond3A_559 : i32
      scf.if %cond3A_560 {
        %dma_start3A_1080 = arith.constant 8 : i32
        %dma_start3A_1081 = arith.constant 0 : i32
        %dma_start3A_1082 = tpu.memref_slice %arg27[%dma_start3A_1080, %dma_start3A_1081] : memref<10x125xi32, #tpu.memory_space<vmem>> -> memref<1x125xi32, #tpu.memory_space<vmem>>
        %dma_start3A_1083 = tpu.memref_squeeze %dma_start3A_1082 : memref<1x125xi32, #tpu.memory_space<vmem>> -> memref<125xi32, #tpu.memory_space<vmem>>
        %dma_start3A_1084 = arith.constant 0 : i32
        %dma_start3A_1085 = arith.constant 0 : i32
        %dma_start3A_1086 = tpu.memref_slice %arg37[%dma_start3A_1084, %dma_start3A_1085] : memref<10000x16xf32, #tpu.memory_space<vmem_shared>> -> memref<10000x16xf32, #tpu.memory_space<vmem_shared>>
        tpu.enqueue_indirect_dma source(%arg34 : memref<125x16xf32, #tpu.memory_space<vmem>>) target(%dma_start3A_1086 : memref<10000x16xf32, #tpu.memory_space<vmem_shared>>) offsets(%dma_start3A_1083 : memref<125xi32, #tpu.memory_space<vmem>>) semaphore(%arg46 : memref<!tpu.dma_semaphore, #tpu.memory_space<semaphore_mem>>) {add = true}
      } else {
      }
      %dma_wait3A_561 = arith.constant 9 : i32
      %dma_wait3A_562 = arith.constant 0 : i32
      %dma_wait3A_563 = tpu.memref_slice %arg26[%dma_wait3A_561, %dma_wait3A_562] : memref<10x125xi32, #tpu.memory_space<vmem>> -> memref<1x125xi32, #tpu.memory_space<vmem>>
      %dma_wait3A_564 = tpu.memref_squeeze %dma_wait3A_563 : memref<1x125xi32, #tpu.memory_space<vmem>> -> memref<125xi32, #tpu.memory_space<vmem>>
      %dma_wait3A_565 = arith.constant 0 : i32
      %dma_wait3A_566 = arith.constant 0 : i32
      %dma_wait3A_567 = tpu.memref_slice %arg2[%arg0, %dma_wait3A_565, %dma_wait3A_566] : memref<2x10000x64xf32, #tpu.memory_space<hbm>> -> memref<1x10000x64xf32, #tpu.memory_space<hbm>>
      %dma_wait3A_568 = tpu.memref_squeeze %dma_wait3A_567 : memref<1x10000x64xf32, #tpu.memory_space<hbm>> -> memref<10000x64xf32, #tpu.memory_space<hbm>>
      %dma_wait3A_569 = arith.constant 0 : i32
      %dma_wait3A_570 = arith.constant 0 : i32
      %dma_wait3A_571 = tpu.memref_slice %dma_wait3A_568[%dma_wait3A_569, %dma_wait3A_570] : memref<10000x64xf32, #tpu.memory_space<hbm>> -> memref<10000x64xf32, #tpu.memory_space<hbm>>
      tpu.wait_indirect_dma semaphore(%arg39 : memref<!tpu.dma_semaphore, #tpu.memory_space<semaphore_mem>>) src(%dma_wait3A_571 : memref<10000x64xf32, #tpu.memory_space<hbm>>) dst(%arg31 : memref<125x64xf32, #tpu.memory_space<vmem>>)
      %dma_start3A_572 = arith.constant 9 : i32
      %dma_start3A_573 = arith.constant 0 : i32
      %dma_start3A_574 = tpu.memref_slice %arg27[%dma_start3A_572, %dma_start3A_573] : memref<10x125xi32, #tpu.memory_space<vmem>> -> memref<1x125xi32, #tpu.memory_space<vmem>>
      %dma_start3A_575 = tpu.memref_squeeze %dma_start3A_574 : memref<1x125xi32, #tpu.memory_space<vmem>> -> memref<125xi32, #tpu.memory_space<vmem>>
      %dma_start3A_576 = arith.constant 0 : i32
      %dma_start3A_577 = arith.constant 0 : i32
      %dma_start3A_578 = tpu.memref_slice %arg36[%dma_start3A_576, %dma_start3A_577] : memref<10000x64xf32, #tpu.memory_space<vmem_shared>> -> memref<10000x64xf32, #tpu.memory_space<vmem_shared>>
      tpu.enqueue_indirect_dma source(%arg31 : memref<125x64xf32, #tpu.memory_space<vmem>>) target(%dma_start3A_578 : memref<10000x64xf32, #tpu.memory_space<vmem_shared>>) offsets(%dma_start3A_575 : memref<125xi32, #tpu.memory_space<vmem>>) semaphore(%arg43 : memref<!tpu.dma_semaphore, #tpu.memory_space<semaphore_mem>>) {add = true}
      %eq3A_579 = arith.constant 1 : i32
      %eq3A_580 = arith.cmpi eq, %arg0, %eq3A_579 : i32
      %convert_element_type3A_581 = arith.extui %eq3A_580 : i1 to i32
      %cond3A_582 = arith.constant 0 : i32
      %cond3A_583 = arith.cmpi ne, %convert_element_type3A_581, %cond3A_582 : i32
      scf.if %cond3A_583 {
        %dma_start3A_1080 = arith.constant 9 : i32
        %dma_start3A_1081 = arith.constant 0 : i32
        %dma_start3A_1082 = tpu.memref_slice %arg27[%dma_start3A_1080, %dma_start3A_1081] : memref<10x125xi32, #tpu.memory_space<vmem>> -> memref<1x125xi32, #tpu.memory_space<vmem>>
        %dma_start3A_1083 = tpu.memref_squeeze %dma_start3A_1082 : memref<1x125xi32, #tpu.memory_space<vmem>> -> memref<125xi32, #tpu.memory_space<vmem>>
        %dma_start3A_1084 = arith.constant 0 : i32
        %dma_start3A_1085 = arith.constant 0 : i32
        %dma_start3A_1086 = tpu.memref_slice %arg37[%dma_start3A_1084, %dma_start3A_1085] : memref<10000x16xf32, #tpu.memory_space<vmem_shared>> -> memref<10000x16xf32, #tpu.memory_space<vmem_shared>>
        tpu.enqueue_indirect_dma source(%arg34 : memref<125x16xf32, #tpu.memory_space<vmem>>) target(%dma_start3A_1086 : memref<10000x16xf32, #tpu.memory_space<vmem_shared>>) offsets(%dma_start3A_1083 : memref<125xi32, #tpu.memory_space<vmem>>) semaphore(%arg46 : memref<!tpu.dma_semaphore, #tpu.memory_space<semaphore_mem>>) {add = true}
      } else {
      }
      %dma_wait3A_584 = arith.constant 8 : i32
      %dma_wait3A_585 = arith.constant 0 : i32
      %dma_wait3A_586 = tpu.memref_slice %arg27[%dma_wait3A_584, %dma_wait3A_585] : memref<10x125xi32, #tpu.memory_space<vmem>> -> memref<1x125xi32, #tpu.memory_space<vmem>>
      %dma_wait3A_587 = tpu.memref_squeeze %dma_wait3A_586 : memref<1x125xi32, #tpu.memory_space<vmem>> -> memref<125xi32, #tpu.memory_space<vmem>>
      %dma_wait3A_588 = arith.constant 0 : i32
      %dma_wait3A_589 = arith.constant 0 : i32
      %dma_wait3A_590 = tpu.memref_slice %arg36[%dma_wait3A_588, %dma_wait3A_589] : memref<10000x64xf32, #tpu.memory_space<vmem_shared>> -> memref<10000x64xf32, #tpu.memory_space<vmem_shared>>
      tpu.wait_indirect_dma semaphore(%arg42 : memref<!tpu.dma_semaphore, #tpu.memory_space<semaphore_mem>>) src(%arg30 : memref<125x64xf32, #tpu.memory_space<vmem>>) dst(%dma_wait3A_590 : memref<10000x64xf32, #tpu.memory_space<vmem_shared>>)
      %dma_wait3A_591 = arith.constant 9 : i32
      %dma_wait3A_592 = arith.constant 0 : i32
      %dma_wait3A_593 = tpu.memref_slice %arg27[%dma_wait3A_591, %dma_wait3A_592] : memref<10x125xi32, #tpu.memory_space<vmem>> -> memref<1x125xi32, #tpu.memory_space<vmem>>
      %dma_wait3A_594 = tpu.memref_squeeze %dma_wait3A_593 : memref<1x125xi32, #tpu.memory_space<vmem>> -> memref<125xi32, #tpu.memory_space<vmem>>
      %dma_wait3A_595 = arith.constant 0 : i32
      %dma_wait3A_596 = arith.constant 0 : i32
      %dma_wait3A_597 = tpu.memref_slice %arg36[%dma_wait3A_595, %dma_wait3A_596] : memref<10000x64xf32, #tpu.memory_space<vmem_shared>> -> memref<10000x64xf32, #tpu.memory_space<vmem_shared>>
      tpu.wait_indirect_dma semaphore(%arg43 : memref<!tpu.dma_semaphore, #tpu.memory_space<semaphore_mem>>) src(%arg31 : memref<125x64xf32, #tpu.memory_space<vmem>>) dst(%dma_wait3A_597 : memref<10000x64xf32, #tpu.memory_space<vmem_shared>>)
      %dma_wait3A_598 = arith.constant 6 : i32
      %dma_wait3A_599 = arith.constant 0 : i32
      %dma_wait3A_600 = tpu.memref_slice %arg27[%dma_wait3A_598, %dma_wait3A_599] : memref<10x125xi32, #tpu.memory_space<vmem>> -> memref<1x125xi32, #tpu.memory_space<vmem>>
      %dma_wait3A_601 = tpu.memref_squeeze %dma_wait3A_600 : memref<1x125xi32, #tpu.memory_space<vmem>> -> memref<125xi32, #tpu.memory_space<vmem>>
      %dma_wait3A_602 = arith.constant 0 : i32
      %dma_wait3A_603 = arith.constant 0 : i32
      %dma_wait3A_604 = tpu.memref_slice %arg36[%dma_wait3A_602, %dma_wait3A_603] : memref<10000x64xf32, #tpu.memory_space<vmem_shared>> -> memref<10000x64xf32, #tpu.memory_space<vmem_shared>>
      tpu.wait_indirect_dma semaphore(%arg44 : memref<!tpu.dma_semaphore, #tpu.memory_space<semaphore_mem>>) src(%arg32 : memref<125x64xf32, #tpu.memory_space<vmem>>) dst(%dma_wait3A_604 : memref<10000x64xf32, #tpu.memory_space<vmem_shared>>)
      %dma_wait3A_605 = arith.constant 7 : i32
      %dma_wait3A_606 = arith.constant 0 : i32
      %dma_wait3A_607 = tpu.memref_slice %arg27[%dma_wait3A_605, %dma_wait3A_606] : memref<10x125xi32, #tpu.memory_space<vmem>> -> memref<1x125xi32, #tpu.memory_space<vmem>>
      %dma_wait3A_608 = tpu.memref_squeeze %dma_wait3A_607 : memref<1x125xi32, #tpu.memory_space<vmem>> -> memref<125xi32, #tpu.memory_space<vmem>>
      %dma_wait3A_609 = arith.constant 0 : i32
      %dma_wait3A_610 = arith.constant 0 : i32
      %dma_wait3A_611 = tpu.memref_slice %arg36[%dma_wait3A_609, %dma_wait3A_610] : memref<10000x64xf32, #tpu.memory_space<vmem_shared>> -> memref<10000x64xf32, #tpu.memory_space<vmem_shared>>
      tpu.wait_indirect_dma semaphore(%arg45 : memref<!tpu.dma_semaphore, #tpu.memory_space<semaphore_mem>>) src(%arg33 : memref<125x64xf32, #tpu.memory_space<vmem>>) dst(%dma_wait3A_611 : memref<10000x64xf32, #tpu.memory_space<vmem_shared>>)
      %eq3A_612 = arith.constant 0 : i32
      %eq3A_613 = arith.cmpi eq, %arg0, %eq3A_612 : i32
      %convert_element_type3A_614 = arith.extui %eq3A_613 : i1 to i32
      %cond3A_615 = arith.constant 0 : i32
      %cond3A_616 = arith.cmpi ne, %convert_element_type3A_614, %cond3A_615 : i32
      scf.if %cond3A_616 {
        %dma_wait3A_1080 = arith.constant 0 : i32
        %dma_wait3A_1081 = tpu.memref_slice %arg27[%squeeze3A, %dma_wait3A_1080] : memref<10x125xi32, #tpu.memory_space<vmem>> -> memref<1x125xi32, #tpu.memory_space<vmem>>
        %dma_wait3A_1082 = tpu.memref_squeeze %dma_wait3A_1081 : memref<1x125xi32, #tpu.memory_space<vmem>> -> memref<125xi32, #tpu.memory_space<vmem>>
        %dma_wait3A_1083 = arith.constant 0 : i32
        %dma_wait3A_1084 = arith.constant 0 : i32
        %dma_wait3A_1085 = tpu.memref_slice %arg37[%dma_wait3A_1083, %dma_wait3A_1084] : memref<10000x16xf32, #tpu.memory_space<vmem_shared>> -> memref<10000x16xf32, #tpu.memory_space<vmem_shared>>
        tpu.wait_indirect_dma semaphore(%arg46 : memref<!tpu.dma_semaphore, #tpu.memory_space<semaphore_mem>>) src(%arg34 : memref<125x16xf32, #tpu.memory_space<vmem>>) dst(%dma_wait3A_1085 : memref<10000x16xf32, #tpu.memory_space<vmem_shared>>)
        %dma_wait3A_1086 = arith.constant 0 : i32
        %dma_wait3A_1087 = tpu.memref_slice %arg27[%squeeze3A_25, %dma_wait3A_1086] : memref<10x125xi32, #tpu.memory_space<vmem>> -> memref<1x125xi32, #tpu.memory_space<vmem>>
        %dma_wait3A_1088 = tpu.memref_squeeze %dma_wait3A_1087 : memref<1x125xi32, #tpu.memory_space<vmem>> -> memref<125xi32, #tpu.memory_space<vmem>>
        %dma_wait3A_1089 = arith.constant 0 : i32
        %dma_wait3A_1090 = arith.constant 0 : i32
        %dma_wait3A_1091 = tpu.memref_slice %arg37[%dma_wait3A_1089, %dma_wait3A_1090] : memref<10000x16xf32, #tpu.memory_space<vmem_shared>> -> memref<10000x16xf32, #tpu.memory_space<vmem_shared>>
        tpu.wait_indirect_dma semaphore(%arg46 : memref<!tpu.dma_semaphore, #tpu.memory_space<semaphore_mem>>) src(%arg34 : memref<125x16xf32, #tpu.memory_space<vmem>>) dst(%dma_wait3A_1091 : memref<10000x16xf32, #tpu.memory_space<vmem_shared>>)
        %dma_wait3A_1092 = arith.constant 0 : i32
        %dma_wait3A_1093 = tpu.memref_slice %arg27[%squeeze3A_30, %dma_wait3A_1092] : memref<10x125xi32, #tpu.memory_space<vmem>> -> memref<1x125xi32, #tpu.memory_space<vmem>>
        %dma_wait3A_1094 = tpu.memref_squeeze %dma_wait3A_1093 : memref<1x125xi32, #tpu.memory_space<vmem>> -> memref<125xi32, #tpu.memory_space<vmem>>
        %dma_wait3A_1095 = arith.constant 0 : i32
        %dma_wait3A_1096 = arith.constant 0 : i32
        %dma_wait3A_1097 = tpu.memref_slice %arg37[%dma_wait3A_1095, %dma_wait3A_1096] : memref<10000x16xf32, #tpu.memory_space<vmem_shared>> -> memref<10000x16xf32, #tpu.memory_space<vmem_shared>>
        tpu.wait_indirect_dma semaphore(%arg46 : memref<!tpu.dma_semaphore, #tpu.memory_space<semaphore_mem>>) src(%arg34 : memref<125x16xf32, #tpu.memory_space<vmem>>) dst(%dma_wait3A_1097 : memref<10000x16xf32, #tpu.memory_space<vmem_shared>>)
        %dma_wait3A_1098 = arith.constant 0 : i32
        %dma_wait3A_1099 = tpu.memref_slice %arg27[%squeeze3A_35, %dma_wait3A_1098] : memref<10x125xi32, #tpu.memory_space<vmem>> -> memref<1x125xi32, #tpu.memory_space<vmem>>
        %dma_wait3A_1100 = tpu.memref_squeeze %dma_wait3A_1099 : memref<1x125xi32, #tpu.memory_space<vmem>> -> memref<125xi32, #tpu.memory_space<vmem>>
        %dma_wait3A_1101 = arith.constant 0 : i32
        %dma_wait3A_1102 = arith.constant 0 : i32
        %dma_wait3A_1103 = tpu.memref_slice %arg37[%dma_wait3A_1101, %dma_wait3A_1102] : memref<10000x16xf32, #tpu.memory_space<vmem_shared>> -> memref<10000x16xf32, #tpu.memory_space<vmem_shared>>
        tpu.wait_indirect_dma semaphore(%arg46 : memref<!tpu.dma_semaphore, #tpu.memory_space<semaphore_mem>>) src(%arg34 : memref<125x16xf32, #tpu.memory_space<vmem>>) dst(%dma_wait3A_1103 : memref<10000x16xf32, #tpu.memory_space<vmem_shared>>)
        %dma_wait3A_1104 = arith.constant 0 : i32
        %dma_wait3A_1105 = tpu.memref_slice %arg27[%squeeze3A_40, %dma_wait3A_1104] : memref<10x125xi32, #tpu.memory_space<vmem>> -> memref<1x125xi32, #tpu.memory_space<vmem>>
        %dma_wait3A_1106 = tpu.memref_squeeze %dma_wait3A_1105 : memref<1x125xi32, #tpu.memory_space<vmem>> -> memref<125xi32, #tpu.memory_space<vmem>>
        %dma_wait3A_1107 = arith.constant 0 : i32
        %dma_wait3A_1108 = arith.constant 0 : i32
        %dma_wait3A_1109 = tpu.memref_slice %arg37[%dma_wait3A_1107, %dma_wait3A_1108] : memref<10000x16xf32, #tpu.memory_space<vmem_shared>> -> memref<10000x16xf32, #tpu.memory_space<vmem_shared>>
        tpu.wait_indirect_dma semaphore(%arg46 : memref<!tpu.dma_semaphore, #tpu.memory_space<semaphore_mem>>) src(%arg34 : memref<125x16xf32, #tpu.memory_space<vmem>>) dst(%dma_wait3A_1109 : memref<10000x16xf32, #tpu.memory_space<vmem_shared>>)
      } else {
      }
      %eq3A_617 = arith.constant 1 : i32
      %eq3A_618 = arith.cmpi eq, %arg0, %eq3A_617 : i32
      %convert_element_type3A_619 = arith.extui %eq3A_618 : i1 to i32
      %cond3A_620 = arith.constant 0 : i32
      %cond3A_621 = arith.cmpi ne, %convert_element_type3A_619, %cond3A_620 : i32
      scf.if %cond3A_621 {
        %dma_wait3A_1080 = arith.constant 0 : i32
        %dma_wait3A_1081 = tpu.memref_slice %arg27[%squeeze3A_45, %dma_wait3A_1080] : memref<10x125xi32, #tpu.memory_space<vmem>> -> memref<1x125xi32, #tpu.memory_space<vmem>>
        %dma_wait3A_1082 = tpu.memref_squeeze %dma_wait3A_1081 : memref<1x125xi32, #tpu.memory_space<vmem>> -> memref<125xi32, #tpu.memory_space<vmem>>
        %dma_wait3A_1083 = arith.constant 0 : i32
        %dma_wait3A_1084 = arith.constant 0 : i32
        %dma_wait3A_1085 = tpu.memref_slice %arg37[%dma_wait3A_1083, %dma_wait3A_1084] : memref<10000x16xf32, #tpu.memory_space<vmem_shared>> -> memref<10000x16xf32, #tpu.memory_space<vmem_shared>>
        tpu.wait_indirect_dma semaphore(%arg46 : memref<!tpu.dma_semaphore, #tpu.memory_space<semaphore_mem>>) src(%arg34 : memref<125x16xf32, #tpu.memory_space<vmem>>) dst(%dma_wait3A_1085 : memref<10000x16xf32, #tpu.memory_space<vmem_shared>>)
        %dma_wait3A_1086 = arith.constant 0 : i32
        %dma_wait3A_1087 = tpu.memref_slice %arg27[%squeeze3A_50, %dma_wait3A_1086] : memref<10x125xi32, #tpu.memory_space<vmem>> -> memref<1x125xi32, #tpu.memory_space<vmem>>
        %dma_wait3A_1088 = tpu.memref_squeeze %dma_wait3A_1087 : memref<1x125xi32, #tpu.memory_space<vmem>> -> memref<125xi32, #tpu.memory_space<vmem>>
        %dma_wait3A_1089 = arith.constant 0 : i32
        %dma_wait3A_1090 = arith.constant 0 : i32
        %dma_wait3A_1091 = tpu.memref_slice %arg37[%dma_wait3A_1089, %dma_wait3A_1090] : memref<10000x16xf32, #tpu.memory_space<vmem_shared>> -> memref<10000x16xf32, #tpu.memory_space<vmem_shared>>
        tpu.wait_indirect_dma semaphore(%arg46 : memref<!tpu.dma_semaphore, #tpu.memory_space<semaphore_mem>>) src(%arg34 : memref<125x16xf32, #tpu.memory_space<vmem>>) dst(%dma_wait3A_1091 : memref<10000x16xf32, #tpu.memory_space<vmem_shared>>)
        %dma_wait3A_1092 = arith.constant 0 : i32
        %dma_wait3A_1093 = tpu.memref_slice %arg27[%squeeze3A_55, %dma_wait3A_1092] : memref<10x125xi32, #tpu.memory_space<vmem>> -> memref<1x125xi32, #tpu.memory_space<vmem>>
        %dma_wait3A_1094 = tpu.memref_squeeze %dma_wait3A_1093 : memref<1x125xi32, #tpu.memory_space<vmem>> -> memref<125xi32, #tpu.memory_space<vmem>>
        %dma_wait3A_1095 = arith.constant 0 : i32
        %dma_wait3A_1096 = arith.constant 0 : i32
        %dma_wait3A_1097 = tpu.memref_slice %arg37[%dma_wait3A_1095, %dma_wait3A_1096] : memref<10000x16xf32, #tpu.memory_space<vmem_shared>> -> memref<10000x16xf32, #tpu.memory_space<vmem_shared>>
        tpu.wait_indirect_dma semaphore(%arg46 : memref<!tpu.dma_semaphore, #tpu.memory_space<semaphore_mem>>) src(%arg34 : memref<125x16xf32, #tpu.memory_space<vmem>>) dst(%dma_wait3A_1097 : memref<10000x16xf32, #tpu.memory_space<vmem_shared>>)
        %dma_wait3A_1098 = arith.constant 0 : i32
        %dma_wait3A_1099 = tpu.memref_slice %arg27[%squeeze3A_60, %dma_wait3A_1098] : memref<10x125xi32, #tpu.memory_space<vmem>> -> memref<1x125xi32, #tpu.memory_space<vmem>>
        %dma_wait3A_1100 = tpu.memref_squeeze %dma_wait3A_1099 : memref<1x125xi32, #tpu.memory_space<vmem>> -> memref<125xi32, #tpu.memory_space<vmem>>
        %dma_wait3A_1101 = arith.constant 0 : i32
        %dma_wait3A_1102 = arith.constant 0 : i32
        %dma_wait3A_1103 = tpu.memref_slice %arg37[%dma_wait3A_1101, %dma_wait3A_1102] : memref<10000x16xf32, #tpu.memory_space<vmem_shared>> -> memref<10000x16xf32, #tpu.memory_space<vmem_shared>>
        tpu.wait_indirect_dma semaphore(%arg46 : memref<!tpu.dma_semaphore, #tpu.memory_space<semaphore_mem>>) src(%arg34 : memref<125x16xf32, #tpu.memory_space<vmem>>) dst(%dma_wait3A_1103 : memref<10000x16xf32, #tpu.memory_space<vmem_shared>>)
        %dma_wait3A_1104 = arith.constant 0 : i32
        %dma_wait3A_1105 = tpu.memref_slice %arg27[%squeeze3A_65, %dma_wait3A_1104] : memref<10x125xi32, #tpu.memory_space<vmem>> -> memref<1x125xi32, #tpu.memory_space<vmem>>
        %dma_wait3A_1106 = tpu.memref_squeeze %dma_wait3A_1105 : memref<1x125xi32, #tpu.memory_space<vmem>> -> memref<125xi32, #tpu.memory_space<vmem>>
        %dma_wait3A_1107 = arith.constant 0 : i32
        %dma_wait3A_1108 = arith.constant 0 : i32
        %dma_wait3A_1109 = tpu.memref_slice %arg37[%dma_wait3A_1107, %dma_wait3A_1108] : memref<10000x16xf32, #tpu.memory_space<vmem_shared>> -> memref<10000x16xf32, #tpu.memory_space<vmem_shared>>
        tpu.wait_indirect_dma semaphore(%arg46 : memref<!tpu.dma_semaphore, #tpu.memory_space<semaphore_mem>>) src(%arg34 : memref<125x16xf32, #tpu.memory_space<vmem>>) dst(%dma_wait3A_1109 : memref<10000x16xf32, #tpu.memory_space<vmem_shared>>)
      } else {
      }
      %dma_wait3A_622 = arith.constant 0 : i32
      %dma_wait3A_623 = arith.constant 0 : i32
      %dma_wait3A_624 = tpu.memref_slice %arg3[%dma_wait3A_622, %mul3A_128, %dma_wait3A_623] : memref<2x2560x125xi32, #tpu.memory_space<hbm>> -> memref<1x10x125xi32, #tpu.memory_space<hbm>>
      %dma_wait3A_625 = tpu.memref_squeeze %dma_wait3A_624 : memref<1x10x125xi32, #tpu.memory_space<hbm>> -> memref<10x125xi32, #tpu.memory_space<hbm>>
      %dma_wait3A_626 = arith.constant 0 : i32
      %dma_wait3A_627 = tpu.memref_slice %arg3[%dma_wait3A_622, %mul3A_128, %dma_wait3A_626] : memref<2x2560x125xi32, #tpu.memory_space<hbm>> -> memref<1x10x125xi32, #tpu.memory_space<hbm>>
      %dma_wait3A_628 = tpu.memref_squeeze %dma_wait3A_627 : memref<1x10x125xi32, #tpu.memory_space<hbm>> -> memref<10x125xi32, #tpu.memory_space<hbm>>
      tpu.wait_dma2 semaphore(%arg48 : memref<!tpu.dma_semaphore, #tpu.memory_space<semaphore_mem>>) src(%dma_wait3A_628 : memref<10x125xi32, #tpu.memory_space<hbm>>) dst(%arg28 : memref<10x125xi32, #tpu.memory_space<vmem>>)
      %dma_wait3A_629 = arith.constant 1 : i32
      %dma_wait3A_630 = arith.constant 0 : i32
      %dma_wait3A_631 = tpu.memref_slice %arg3[%dma_wait3A_629, %mul3A_128, %dma_wait3A_630] : memref<2x2560x125xi32, #tpu.memory_space<hbm>> -> memref<1x10x125xi32, #tpu.memory_space<hbm>>
      %dma_wait3A_632 = tpu.memref_squeeze %dma_wait3A_631 : memref<1x10x125xi32, #tpu.memory_space<hbm>> -> memref<10x125xi32, #tpu.memory_space<hbm>>
      %dma_wait3A_633 = arith.constant 0 : i32
      %dma_wait3A_634 = tpu.memref_slice %arg3[%dma_wait3A_629, %mul3A_128, %dma_wait3A_633] : memref<2x2560x125xi32, #tpu.memory_space<hbm>> -> memref<1x10x125xi32, #tpu.memory_space<hbm>>
      %dma_wait3A_635 = tpu.memref_squeeze %dma_wait3A_634 : memref<1x10x125xi32, #tpu.memory_space<hbm>> -> memref<10x125xi32, #tpu.memory_space<hbm>>
      tpu.wait_dma2 semaphore(%arg48 : memref<!tpu.dma_semaphore, #tpu.memory_space<semaphore_mem>>) src(%dma_wait3A_635 : memref<10x125xi32, #tpu.memory_space<hbm>>) dst(%arg29 : memref<10x125xi32, #tpu.memory_space<vmem>>)
      %mul3A_636 = arith.constant 2 : i32
      %mul3A_637 = arith.muli %mul3A_636, %add3A_167 : i32
      %add3A_638 = arith.constant 1 : i32
      %add3A_639 = arith.addi %mul3A_637, %add3A_638 : i32
      %add3A_640 = arith.constant 1 : i32
      %add3A_641 = arith.addi %add3A_639, %add3A_640 : i32
      %mul3A_642 = arith.constant 10 : i32
      %mul3A_643 = arith.muli %add3A_641, %mul3A_642 : i32
      %add3A_644 = arith.addi %mul3A_128, %mul3A_643 : i32
      %min3A_645 = arith.minsi %add3A_644, %add3A_129 : i32
      %dma_start3A_646 = arith.constant 0 : i32
      %dma_start3A_647 = arith.constant 0 : i32
      %dma_start3A_648 = tpu.memref_slice %arg3[%dma_start3A_646, %min3A_645, %dma_start3A_647] : memref<2x2560x125xi32, #tpu.memory_space<hbm>> -> memref<1x10x125xi32, #tpu.memory_space<hbm>>
      %dma_start3A_649 = tpu.memref_squeeze %dma_start3A_648 : memref<1x10x125xi32, #tpu.memory_space<hbm>> -> memref<10x125xi32, #tpu.memory_space<hbm>>
      %dma_start3A_650 = arith.constant 0 : i32
      %dma_start3A_651 = tpu.memref_slice %arg3[%dma_start3A_646, %min3A_645, %dma_start3A_650] : memref<2x2560x125xi32, #tpu.memory_space<hbm>> -> memref<1x10x125xi32, #tpu.memory_space<hbm>>
      %dma_start3A_652 = tpu.memref_squeeze %dma_start3A_651 : memref<1x10x125xi32, #tpu.memory_space<hbm>> -> memref<10x125xi32, #tpu.memory_space<hbm>>
      tpu.enqueue_dma source(%dma_start3A_652 : memref<10x125xi32, #tpu.memory_space<hbm>>) target(%arg26 : memref<10x125xi32, #tpu.memory_space<vmem>>) target_semaphore(%arg47 : memref<!tpu.dma_semaphore, #tpu.memory_space<semaphore_mem>>)
      %dma_start3A_653 = arith.constant 1 : i32
      %dma_start3A_654 = arith.constant 0 : i32
      %dma_start3A_655 = tpu.memref_slice %arg3[%dma_start3A_653, %min3A_645, %dma_start3A_654] : memref<2x2560x125xi32, #tpu.memory_space<hbm>> -> memref<1x10x125xi32, #tpu.memory_space<hbm>>
      %dma_start3A_656 = tpu.memref_squeeze %dma_start3A_655 : memref<1x10x125xi32, #tpu.memory_space<hbm>> -> memref<10x125xi32, #tpu.memory_space<hbm>>
      %dma_start3A_657 = arith.constant 0 : i32
      %dma_start3A_658 = tpu.memref_slice %arg3[%dma_start3A_653, %min3A_645, %dma_start3A_657] : memref<2x2560x125xi32, #tpu.memory_space<hbm>> -> memref<1x10x125xi32, #tpu.memory_space<hbm>>
      %dma_start3A_659 = tpu.memref_squeeze %dma_start3A_658 : memref<1x10x125xi32, #tpu.memory_space<hbm>> -> memref<10x125xi32, #tpu.memory_space<hbm>>
      tpu.enqueue_dma source(%dma_start3A_659 : memref<10x125xi32, #tpu.memory_space<hbm>>) target(%arg27 : memref<10x125xi32, #tpu.memory_space<vmem>>) target_semaphore(%arg47 : memref<!tpu.dma_semaphore, #tpu.memory_space<semaphore_mem>>)
      %dma_start3A_660 = arith.constant 0 : i32
      %dma_start3A_661 = arith.constant 0 : i32
      %dma_start3A_662 = tpu.memref_slice %arg28[%dma_start3A_660, %dma_start3A_661] : memref<10x125xi32, #tpu.memory_space<vmem>> -> memref<1x125xi32, #tpu.memory_space<vmem>>
      %dma_start3A_663 = tpu.memref_squeeze %dma_start3A_662 : memref<1x125xi32, #tpu.memory_space<vmem>> -> memref<125xi32, #tpu.memory_space<vmem>>
      %dma_start3A_664 = arith.constant 0 : i32
      %dma_start3A_665 = arith.constant 0 : i32
      %dma_start3A_666 = tpu.memref_slice %arg2[%arg0, %dma_start3A_664, %dma_start3A_665] : memref<2x10000x64xf32, #tpu.memory_space<hbm>> -> memref<1x10000x64xf32, #tpu.memory_space<hbm>>
      %dma_start3A_667 = tpu.memref_squeeze %dma_start3A_666 : memref<1x10000x64xf32, #tpu.memory_space<hbm>> -> memref<10000x64xf32, #tpu.memory_space<hbm>>
      %dma_start3A_668 = arith.constant 0 : i32
      %dma_start3A_669 = arith.constant 0 : i32
      %dma_start3A_670 = tpu.memref_slice %dma_start3A_667[%dma_start3A_668, %dma_start3A_669] : memref<10000x64xf32, #tpu.memory_space<hbm>> -> memref<10000x64xf32, #tpu.memory_space<hbm>>
      tpu.enqueue_indirect_dma source(%dma_start3A_670 : memref<10000x64xf32, #tpu.memory_space<hbm>>) target(%arg30 : memref<125x64xf32, #tpu.memory_space<vmem>>) offsets(%dma_start3A_663 : memref<125xi32, #tpu.memory_space<vmem>>) semaphore(%arg38 : memref<!tpu.dma_semaphore, #tpu.memory_space<semaphore_mem>>)
      %dma_start3A_671 = arith.constant 1 : i32
      %dma_start3A_672 = arith.constant 0 : i32
      %dma_start3A_673 = tpu.memref_slice %arg28[%dma_start3A_671, %dma_start3A_672] : memref<10x125xi32, #tpu.memory_space<vmem>> -> memref<1x125xi32, #tpu.memory_space<vmem>>
      %dma_start3A_674 = tpu.memref_squeeze %dma_start3A_673 : memref<1x125xi32, #tpu.memory_space<vmem>> -> memref<125xi32, #tpu.memory_space<vmem>>
      %dma_start3A_675 = arith.constant 0 : i32
      %dma_start3A_676 = arith.constant 0 : i32
      %dma_start3A_677 = tpu.memref_slice %arg2[%arg0, %dma_start3A_675, %dma_start3A_676] : memref<2x10000x64xf32, #tpu.memory_space<hbm>> -> memref<1x10000x64xf32, #tpu.memory_space<hbm>>
      %dma_start3A_678 = tpu.memref_squeeze %dma_start3A_677 : memref<1x10000x64xf32, #tpu.memory_space<hbm>> -> memref<10000x64xf32, #tpu.memory_space<hbm>>
      %dma_start3A_679 = arith.constant 0 : i32
      %dma_start3A_680 = arith.constant 0 : i32
      %dma_start3A_681 = tpu.memref_slice %dma_start3A_678[%dma_start3A_679, %dma_start3A_680] : memref<10000x64xf32, #tpu.memory_space<hbm>> -> memref<10000x64xf32, #tpu.memory_space<hbm>>
      tpu.enqueue_indirect_dma source(%dma_start3A_681 : memref<10000x64xf32, #tpu.memory_space<hbm>>) target(%arg31 : memref<125x64xf32, #tpu.memory_space<vmem>>) offsets(%dma_start3A_674 : memref<125xi32, #tpu.memory_space<vmem>>) semaphore(%arg39 : memref<!tpu.dma_semaphore, #tpu.memory_space<semaphore_mem>>)
      %dma_start3A_682 = arith.constant 2 : i32
      %dma_start3A_683 = arith.constant 0 : i32
      %dma_start3A_684 = tpu.memref_slice %arg28[%dma_start3A_682, %dma_start3A_683] : memref<10x125xi32, #tpu.memory_space<vmem>> -> memref<1x125xi32, #tpu.memory_space<vmem>>
      %dma_start3A_685 = tpu.memref_squeeze %dma_start3A_684 : memref<1x125xi32, #tpu.memory_space<vmem>> -> memref<125xi32, #tpu.memory_space<vmem>>
      %dma_start3A_686 = arith.constant 0 : i32
      %dma_start3A_687 = arith.constant 0 : i32
      %dma_start3A_688 = tpu.memref_slice %arg2[%arg0, %dma_start3A_686, %dma_start3A_687] : memref<2x10000x64xf32, #tpu.memory_space<hbm>> -> memref<1x10000x64xf32, #tpu.memory_space<hbm>>
      %dma_start3A_689 = tpu.memref_squeeze %dma_start3A_688 : memref<1x10000x64xf32, #tpu.memory_space<hbm>> -> memref<10000x64xf32, #tpu.memory_space<hbm>>
      %dma_start3A_690 = arith.constant 0 : i32
      %dma_start3A_691 = arith.constant 0 : i32
      %dma_start3A_692 = tpu.memref_slice %dma_start3A_689[%dma_start3A_690, %dma_start3A_691] : memref<10000x64xf32, #tpu.memory_space<hbm>> -> memref<10000x64xf32, #tpu.memory_space<hbm>>
      tpu.enqueue_indirect_dma source(%dma_start3A_692 : memref<10000x64xf32, #tpu.memory_space<hbm>>) target(%arg32 : memref<125x64xf32, #tpu.memory_space<vmem>>) offsets(%dma_start3A_685 : memref<125xi32, #tpu.memory_space<vmem>>) semaphore(%arg40 : memref<!tpu.dma_semaphore, #tpu.memory_space<semaphore_mem>>)
      %dma_wait3A_693 = arith.constant 0 : i32
      %dma_wait3A_694 = arith.constant 0 : i32
      %dma_wait3A_695 = tpu.memref_slice %arg28[%dma_wait3A_693, %dma_wait3A_694] : memref<10x125xi32, #tpu.memory_space<vmem>> -> memref<1x125xi32, #tpu.memory_space<vmem>>
      %dma_wait3A_696 = tpu.memref_squeeze %dma_wait3A_695 : memref<1x125xi32, #tpu.memory_space<vmem>> -> memref<125xi32, #tpu.memory_space<vmem>>
      %dma_wait3A_697 = arith.constant 0 : i32
      %dma_wait3A_698 = arith.constant 0 : i32
      %dma_wait3A_699 = tpu.memref_slice %arg2[%arg0, %dma_wait3A_697, %dma_wait3A_698] : memref<2x10000x64xf32, #tpu.memory_space<hbm>> -> memref<1x10000x64xf32, #tpu.memory_space<hbm>>
      %dma_wait3A_700 = tpu.memref_squeeze %dma_wait3A_699 : memref<1x10000x64xf32, #tpu.memory_space<hbm>> -> memref<10000x64xf32, #tpu.memory_space<hbm>>
      %dma_wait3A_701 = arith.constant 0 : i32
      %dma_wait3A_702 = arith.constant 0 : i32
      %dma_wait3A_703 = tpu.memref_slice %dma_wait3A_700[%dma_wait3A_701, %dma_wait3A_702] : memref<10000x64xf32, #tpu.memory_space<hbm>> -> memref<10000x64xf32, #tpu.memory_space<hbm>>
      tpu.wait_indirect_dma semaphore(%arg38 : memref<!tpu.dma_semaphore, #tpu.memory_space<semaphore_mem>>) src(%dma_wait3A_703 : memref<10000x64xf32, #tpu.memory_space<hbm>>) dst(%arg30 : memref<125x64xf32, #tpu.memory_space<vmem>>)
      %dma_start3A_704 = arith.constant 3 : i32
      %dma_start3A_705 = arith.constant 0 : i32
      %dma_start3A_706 = tpu.memref_slice %arg28[%dma_start3A_704, %dma_start3A_705] : memref<10x125xi32, #tpu.memory_space<vmem>> -> memref<1x125xi32, #tpu.memory_space<vmem>>
      %dma_start3A_707 = tpu.memref_squeeze %dma_start3A_706 : memref<1x125xi32, #tpu.memory_space<vmem>> -> memref<125xi32, #tpu.memory_space<vmem>>
      %dma_start3A_708 = arith.constant 0 : i32
      %dma_start3A_709 = arith.constant 0 : i32
      %dma_start3A_710 = tpu.memref_slice %arg2[%arg0, %dma_start3A_708, %dma_start3A_709] : memref<2x10000x64xf32, #tpu.memory_space<hbm>> -> memref<1x10000x64xf32, #tpu.memory_space<hbm>>
      %dma_start3A_711 = tpu.memref_squeeze %dma_start3A_710 : memref<1x10000x64xf32, #tpu.memory_space<hbm>> -> memref<10000x64xf32, #tpu.memory_space<hbm>>
      %dma_start3A_712 = arith.constant 0 : i32
      %dma_start3A_713 = arith.constant 0 : i32
      %dma_start3A_714 = tpu.memref_slice %dma_start3A_711[%dma_start3A_712, %dma_start3A_713] : memref<10000x64xf32, #tpu.memory_space<hbm>> -> memref<10000x64xf32, #tpu.memory_space<hbm>>
      tpu.enqueue_indirect_dma source(%dma_start3A_714 : memref<10000x64xf32, #tpu.memory_space<hbm>>) target(%arg33 : memref<125x64xf32, #tpu.memory_space<vmem>>) offsets(%dma_start3A_707 : memref<125xi32, #tpu.memory_space<vmem>>) semaphore(%arg41 : memref<!tpu.dma_semaphore, #tpu.memory_space<semaphore_mem>>)
      %dma_start3A_715 = arith.constant 0 : i32
      %dma_start3A_716 = arith.constant 0 : i32
      %dma_start3A_717 = tpu.memref_slice %arg29[%dma_start3A_715, %dma_start3A_716] : memref<10x125xi32, #tpu.memory_space<vmem>> -> memref<1x125xi32, #tpu.memory_space<vmem>>
      %dma_start3A_718 = tpu.memref_squeeze %dma_start3A_717 : memref<1x125xi32, #tpu.memory_space<vmem>> -> memref<125xi32, #tpu.memory_space<vmem>>
      %dma_start3A_719 = arith.constant 0 : i32
      %dma_start3A_720 = arith.constant 0 : i32
      %dma_start3A_721 = tpu.memref_slice %arg36[%dma_start3A_719, %dma_start3A_720] : memref<10000x64xf32, #tpu.memory_space<vmem_shared>> -> memref<10000x64xf32, #tpu.memory_space<vmem_shared>>
      tpu.enqueue_indirect_dma source(%arg30 : memref<125x64xf32, #tpu.memory_space<vmem>>) target(%dma_start3A_721 : memref<10000x64xf32, #tpu.memory_space<vmem_shared>>) offsets(%dma_start3A_718 : memref<125xi32, #tpu.memory_space<vmem>>) semaphore(%arg42 : memref<!tpu.dma_semaphore, #tpu.memory_space<semaphore_mem>>) {add = true}
      %eq3A_722 = arith.constant 0 : i32
      %eq3A_723 = arith.cmpi eq, %arg0, %eq3A_722 : i32
      %convert_element_type3A_724 = arith.extui %eq3A_723 : i1 to i32
      %cond3A_725 = arith.constant 0 : i32
      %cond3A_726 = arith.cmpi ne, %convert_element_type3A_724, %cond3A_725 : i32
      scf.if %cond3A_726 {
        %dma_start3A_1080 = arith.constant 0 : i32
        %dma_start3A_1081 = arith.constant 0 : i32
        %dma_start3A_1082 = tpu.memref_slice %arg29[%dma_start3A_1080, %dma_start3A_1081] : memref<10x125xi32, #tpu.memory_space<vmem>> -> memref<1x125xi32, #tpu.memory_space<vmem>>
        %dma_start3A_1083 = tpu.memref_squeeze %dma_start3A_1082 : memref<1x125xi32, #tpu.memory_space<vmem>> -> memref<125xi32, #tpu.memory_space<vmem>>
        %dma_start3A_1084 = arith.constant 0 : i32
        %dma_start3A_1085 = arith.constant 0 : i32
        %dma_start3A_1086 = tpu.memref_slice %arg37[%dma_start3A_1084, %dma_start3A_1085] : memref<10000x16xf32, #tpu.memory_space<vmem_shared>> -> memref<10000x16xf32, #tpu.memory_space<vmem_shared>>
        tpu.enqueue_indirect_dma source(%arg34 : memref<125x16xf32, #tpu.memory_space<vmem>>) target(%dma_start3A_1086 : memref<10000x16xf32, #tpu.memory_space<vmem_shared>>) offsets(%dma_start3A_1083 : memref<125xi32, #tpu.memory_space<vmem>>) semaphore(%arg46 : memref<!tpu.dma_semaphore, #tpu.memory_space<semaphore_mem>>) {add = true}
      } else {
      }
      %dma_wait3A_727 = arith.constant 1 : i32
      %dma_wait3A_728 = arith.constant 0 : i32
      %dma_wait3A_729 = tpu.memref_slice %arg28[%dma_wait3A_727, %dma_wait3A_728] : memref<10x125xi32, #tpu.memory_space<vmem>> -> memref<1x125xi32, #tpu.memory_space<vmem>>
      %dma_wait3A_730 = tpu.memref_squeeze %dma_wait3A_729 : memref<1x125xi32, #tpu.memory_space<vmem>> -> memref<125xi32, #tpu.memory_space<vmem>>
      %dma_wait3A_731 = arith.constant 0 : i32
      %dma_wait3A_732 = arith.constant 0 : i32
      %dma_wait3A_733 = tpu.memref_slice %arg2[%arg0, %dma_wait3A_731, %dma_wait3A_732] : memref<2x10000x64xf32, #tpu.memory_space<hbm>> -> memref<1x10000x64xf32, #tpu.memory_space<hbm>>
      %dma_wait3A_734 = tpu.memref_squeeze %dma_wait3A_733 : memref<1x10000x64xf32, #tpu.memory_space<hbm>> -> memref<10000x64xf32, #tpu.memory_space<hbm>>
      %dma_wait3A_735 = arith.constant 0 : i32
      %dma_wait3A_736 = arith.constant 0 : i32
      %dma_wait3A_737 = tpu.memref_slice %dma_wait3A_734[%dma_wait3A_735, %dma_wait3A_736] : memref<10000x64xf32, #tpu.memory_space<hbm>> -> memref<10000x64xf32, #tpu.memory_space<hbm>>
      tpu.wait_indirect_dma semaphore(%arg39 : memref<!tpu.dma_semaphore, #tpu.memory_space<semaphore_mem>>) src(%dma_wait3A_737 : memref<10000x64xf32, #tpu.memory_space<hbm>>) dst(%arg31 : memref<125x64xf32, #tpu.memory_space<vmem>>)
      %dma_wait3A_738 = arith.constant 0 : i32
      %dma_wait3A_739 = arith.constant 0 : i32
      %dma_wait3A_740 = tpu.memref_slice %arg29[%dma_wait3A_738, %dma_wait3A_739] : memref<10x125xi32, #tpu.memory_space<vmem>> -> memref<1x125xi32, #tpu.memory_space<vmem>>
      %dma_wait3A_741 = tpu.memref_squeeze %dma_wait3A_740 : memref<1x125xi32, #tpu.memory_space<vmem>> -> memref<125xi32, #tpu.memory_space<vmem>>
      %dma_wait3A_742 = arith.constant 0 : i32
      %dma_wait3A_743 = arith.constant 0 : i32
      %dma_wait3A_744 = tpu.memref_slice %arg36[%dma_wait3A_742, %dma_wait3A_743] : memref<10000x64xf32, #tpu.memory_space<vmem_shared>> -> memref<10000x64xf32, #tpu.memory_space<vmem_shared>>
      tpu.wait_indirect_dma semaphore(%arg42 : memref<!tpu.dma_semaphore, #tpu.memory_space<semaphore_mem>>) src(%arg30 : memref<125x64xf32, #tpu.memory_space<vmem>>) dst(%dma_wait3A_744 : memref<10000x64xf32, #tpu.memory_space<vmem_shared>>)
      %dma_start3A_745 = arith.constant 4 : i32
      %dma_start3A_746 = arith.constant 0 : i32
      %dma_start3A_747 = tpu.memref_slice %arg28[%dma_start3A_745, %dma_start3A_746] : memref<10x125xi32, #tpu.memory_space<vmem>> -> memref<1x125xi32, #tpu.memory_space<vmem>>
      %dma_start3A_748 = tpu.memref_squeeze %dma_start3A_747 : memref<1x125xi32, #tpu.memory_space<vmem>> -> memref<125xi32, #tpu.memory_space<vmem>>
      %dma_start3A_749 = arith.constant 0 : i32
      %dma_start3A_750 = arith.constant 0 : i32
      %dma_start3A_751 = tpu.memref_slice %arg2[%arg0, %dma_start3A_749, %dma_start3A_750] : memref<2x10000x64xf32, #tpu.memory_space<hbm>> -> memref<1x10000x64xf32, #tpu.memory_space<hbm>>
      %dma_start3A_752 = tpu.memref_squeeze %dma_start3A_751 : memref<1x10000x64xf32, #tpu.memory_space<hbm>> -> memref<10000x64xf32, #tpu.memory_space<hbm>>
      %dma_start3A_753 = arith.constant 0 : i32
      %dma_start3A_754 = arith.constant 0 : i32
      %dma_start3A_755 = tpu.memref_slice %dma_start3A_752[%dma_start3A_753, %dma_start3A_754] : memref<10000x64xf32, #tpu.memory_space<hbm>> -> memref<10000x64xf32, #tpu.memory_space<hbm>>
      tpu.enqueue_indirect_dma source(%dma_start3A_755 : memref<10000x64xf32, #tpu.memory_space<hbm>>) target(%arg30 : memref<125x64xf32, #tpu.memory_space<vmem>>) offsets(%dma_start3A_748 : memref<125xi32, #tpu.memory_space<vmem>>) semaphore(%arg38 : memref<!tpu.dma_semaphore, #tpu.memory_space<semaphore_mem>>)
      %dma_start3A_756 = arith.constant 1 : i32
      %dma_start3A_757 = arith.constant 0 : i32
      %dma_start3A_758 = tpu.memref_slice %arg29[%dma_start3A_756, %dma_start3A_757] : memref<10x125xi32, #tpu.memory_space<vmem>> -> memref<1x125xi32, #tpu.memory_space<vmem>>
      %dma_start3A_759 = tpu.memref_squeeze %dma_start3A_758 : memref<1x125xi32, #tpu.memory_space<vmem>> -> memref<125xi32, #tpu.memory_space<vmem>>
      %dma_start3A_760 = arith.constant 0 : i32
      %dma_start3A_761 = arith.constant 0 : i32
      %dma_start3A_762 = tpu.memref_slice %arg36[%dma_start3A_760, %dma_start3A_761] : memref<10000x64xf32, #tpu.memory_space<vmem_shared>> -> memref<10000x64xf32, #tpu.memory_space<vmem_shared>>
      tpu.enqueue_indirect_dma source(%arg31 : memref<125x64xf32, #tpu.memory_space<vmem>>) target(%dma_start3A_762 : memref<10000x64xf32, #tpu.memory_space<vmem_shared>>) offsets(%dma_start3A_759 : memref<125xi32, #tpu.memory_space<vmem>>) semaphore(%arg43 : memref<!tpu.dma_semaphore, #tpu.memory_space<semaphore_mem>>) {add = true}
      %eq3A_763 = arith.constant 1 : i32
      %eq3A_764 = arith.cmpi eq, %arg0, %eq3A_763 : i32
      %convert_element_type3A_765 = arith.extui %eq3A_764 : i1 to i32
      %cond3A_766 = arith.constant 0 : i32
      %cond3A_767 = arith.cmpi ne, %convert_element_type3A_765, %cond3A_766 : i32
      scf.if %cond3A_767 {
        %dma_start3A_1080 = arith.constant 1 : i32
        %dma_start3A_1081 = arith.constant 0 : i32
        %dma_start3A_1082 = tpu.memref_slice %arg29[%dma_start3A_1080, %dma_start3A_1081] : memref<10x125xi32, #tpu.memory_space<vmem>> -> memref<1x125xi32, #tpu.memory_space<vmem>>
        %dma_start3A_1083 = tpu.memref_squeeze %dma_start3A_1082 : memref<1x125xi32, #tpu.memory_space<vmem>> -> memref<125xi32, #tpu.memory_space<vmem>>
        %dma_start3A_1084 = arith.constant 0 : i32
        %dma_start3A_1085 = arith.constant 0 : i32
        %dma_start3A_1086 = tpu.memref_slice %arg37[%dma_start3A_1084, %dma_start3A_1085] : memref<10000x16xf32, #tpu.memory_space<vmem_shared>> -> memref<10000x16xf32, #tpu.memory_space<vmem_shared>>
        tpu.enqueue_indirect_dma source(%arg34 : memref<125x16xf32, #tpu.memory_space<vmem>>) target(%dma_start3A_1086 : memref<10000x16xf32, #tpu.memory_space<vmem_shared>>) offsets(%dma_start3A_1083 : memref<125xi32, #tpu.memory_space<vmem>>) semaphore(%arg46 : memref<!tpu.dma_semaphore, #tpu.memory_space<semaphore_mem>>) {add = true}
      } else {
      }
      %dma_wait3A_768 = arith.constant 2 : i32
      %dma_wait3A_769 = arith.constant 0 : i32
      %dma_wait3A_770 = tpu.memref_slice %arg28[%dma_wait3A_768, %dma_wait3A_769] : memref<10x125xi32, #tpu.memory_space<vmem>> -> memref<1x125xi32, #tpu.memory_space<vmem>>
      %dma_wait3A_771 = tpu.memref_squeeze %dma_wait3A_770 : memref<1x125xi32, #tpu.memory_space<vmem>> -> memref<125xi32, #tpu.memory_space<vmem>>
      %dma_wait3A_772 = arith.constant 0 : i32
      %dma_wait3A_773 = arith.constant 0 : i32
      %dma_wait3A_774 = tpu.memref_slice %arg2[%arg0, %dma_wait3A_772, %dma_wait3A_773] : memref<2x10000x64xf32, #tpu.memory_space<hbm>> -> memref<1x10000x64xf32, #tpu.memory_space<hbm>>
      %dma_wait3A_775 = tpu.memref_squeeze %dma_wait3A_774 : memref<1x10000x64xf32, #tpu.memory_space<hbm>> -> memref<10000x64xf32, #tpu.memory_space<hbm>>
      %dma_wait3A_776 = arith.constant 0 : i32
      %dma_wait3A_777 = arith.constant 0 : i32
      %dma_wait3A_778 = tpu.memref_slice %dma_wait3A_775[%dma_wait3A_776, %dma_wait3A_777] : memref<10000x64xf32, #tpu.memory_space<hbm>> -> memref<10000x64xf32, #tpu.memory_space<hbm>>
      tpu.wait_indirect_dma semaphore(%arg40 : memref<!tpu.dma_semaphore, #tpu.memory_space<semaphore_mem>>) src(%dma_wait3A_778 : memref<10000x64xf32, #tpu.memory_space<hbm>>) dst(%arg32 : memref<125x64xf32, #tpu.memory_space<vmem>>)
      %dma_wait3A_779 = arith.constant 1 : i32
      %dma_wait3A_780 = arith.constant 0 : i32
      %dma_wait3A_781 = tpu.memref_slice %arg29[%dma_wait3A_779, %dma_wait3A_780] : memref<10x125xi32, #tpu.memory_space<vmem>> -> memref<1x125xi32, #tpu.memory_space<vmem>>
      %dma_wait3A_782 = tpu.memref_squeeze %dma_wait3A_781 : memref<1x125xi32, #tpu.memory_space<vmem>> -> memref<125xi32, #tpu.memory_space<vmem>>
      %dma_wait3A_783 = arith.constant 0 : i32
      %dma_wait3A_784 = arith.constant 0 : i32
      %dma_wait3A_785 = tpu.memref_slice %arg36[%dma_wait3A_783, %dma_wait3A_784] : memref<10000x64xf32, #tpu.memory_space<vmem_shared>> -> memref<10000x64xf32, #tpu.memory_space<vmem_shared>>
      tpu.wait_indirect_dma semaphore(%arg43 : memref<!tpu.dma_semaphore, #tpu.memory_space<semaphore_mem>>) src(%arg31 : memref<125x64xf32, #tpu.memory_space<vmem>>) dst(%dma_wait3A_785 : memref<10000x64xf32, #tpu.memory_space<vmem_shared>>)
      %dma_start3A_786 = arith.constant 5 : i32
      %dma_start3A_787 = arith.constant 0 : i32
      %dma_start3A_788 = tpu.memref_slice %arg28[%dma_start3A_786, %dma_start3A_787] : memref<10x125xi32, #tpu.memory_space<vmem>> -> memref<1x125xi32, #tpu.memory_space<vmem>>
      %dma_start3A_789 = tpu.memref_squeeze %dma_start3A_788 : memref<1x125xi32, #tpu.memory_space<vmem>> -> memref<125xi32, #tpu.memory_space<vmem>>
      %dma_start3A_790 = arith.constant 0 : i32
      %dma_start3A_791 = arith.constant 0 : i32
      %dma_start3A_792 = tpu.memref_slice %arg2[%arg0, %dma_start3A_790, %dma_start3A_791] : memref<2x10000x64xf32, #tpu.memory_space<hbm>> -> memref<1x10000x64xf32, #tpu.memory_space<hbm>>
      %dma_start3A_793 = tpu.memref_squeeze %dma_start3A_792 : memref<1x10000x64xf32, #tpu.memory_space<hbm>> -> memref<10000x64xf32, #tpu.memory_space<hbm>>
      %dma_start3A_794 = arith.constant 0 : i32
      %dma_start3A_795 = arith.constant 0 : i32
      %dma_start3A_796 = tpu.memref_slice %dma_start3A_793[%dma_start3A_794, %dma_start3A_795] : memref<10000x64xf32, #tpu.memory_space<hbm>> -> memref<10000x64xf32, #tpu.memory_space<hbm>>
      tpu.enqueue_indirect_dma source(%dma_start3A_796 : memref<10000x64xf32, #tpu.memory_space<hbm>>) target(%arg31 : memref<125x64xf32, #tpu.memory_space<vmem>>) offsets(%dma_start3A_789 : memref<125xi32, #tpu.memory_space<vmem>>) semaphore(%arg39 : memref<!tpu.dma_semaphore, #tpu.memory_space<semaphore_mem>>)
      %dma_start3A_797 = arith.constant 2 : i32
      %dma_start3A_798 = arith.constant 0 : i32
      %dma_start3A_799 = tpu.memref_slice %arg29[%dma_start3A_797, %dma_start3A_798] : memref<10x125xi32, #tpu.memory_space<vmem>> -> memref<1x125xi32, #tpu.memory_space<vmem>>
      %dma_start3A_800 = tpu.memref_squeeze %dma_start3A_799 : memref<1x125xi32, #tpu.memory_space<vmem>> -> memref<125xi32, #tpu.memory_space<vmem>>
      %dma_start3A_801 = arith.constant 0 : i32
      %dma_start3A_802 = arith.constant 0 : i32
      %dma_start3A_803 = tpu.memref_slice %arg36[%dma_start3A_801, %dma_start3A_802] : memref<10000x64xf32, #tpu.memory_space<vmem_shared>> -> memref<10000x64xf32, #tpu.memory_space<vmem_shared>>
      tpu.enqueue_indirect_dma source(%arg32 : memref<125x64xf32, #tpu.memory_space<vmem>>) target(%dma_start3A_803 : memref<10000x64xf32, #tpu.memory_space<vmem_shared>>) offsets(%dma_start3A_800 : memref<125xi32, #tpu.memory_space<vmem>>) semaphore(%arg44 : memref<!tpu.dma_semaphore, #tpu.memory_space<semaphore_mem>>) {add = true}
      %eq3A_804 = arith.constant 0 : i32
      %eq3A_805 = arith.cmpi eq, %arg0, %eq3A_804 : i32
      %convert_element_type3A_806 = arith.extui %eq3A_805 : i1 to i32
      %cond3A_807 = arith.constant 0 : i32
      %cond3A_808 = arith.cmpi ne, %convert_element_type3A_806, %cond3A_807 : i32
      scf.if %cond3A_808 {
        %dma_start3A_1080 = arith.constant 2 : i32
        %dma_start3A_1081 = arith.constant 0 : i32
        %dma_start3A_1082 = tpu.memref_slice %arg29[%dma_start3A_1080, %dma_start3A_1081] : memref<10x125xi32, #tpu.memory_space<vmem>> -> memref<1x125xi32, #tpu.memory_space<vmem>>
        %dma_start3A_1083 = tpu.memref_squeeze %dma_start3A_1082 : memref<1x125xi32, #tpu.memory_space<vmem>> -> memref<125xi32, #tpu.memory_space<vmem>>
        %dma_start3A_1084 = arith.constant 0 : i32
        %dma_start3A_1085 = arith.constant 0 : i32
        %dma_start3A_1086 = tpu.memref_slice %arg37[%dma_start3A_1084, %dma_start3A_1085] : memref<10000x16xf32, #tpu.memory_space<vmem_shared>> -> memref<10000x16xf32, #tpu.memory_space<vmem_shared>>
        tpu.enqueue_indirect_dma source(%arg34 : memref<125x16xf32, #tpu.memory_space<vmem>>) target(%dma_start3A_1086 : memref<10000x16xf32, #tpu.memory_space<vmem_shared>>) offsets(%dma_start3A_1083 : memref<125xi32, #tpu.memory_space<vmem>>) semaphore(%arg46 : memref<!tpu.dma_semaphore, #tpu.memory_space<semaphore_mem>>) {add = true}
      } else {
      }
      %dma_wait3A_809 = arith.constant 3 : i32
      %dma_wait3A_810 = arith.constant 0 : i32
      %dma_wait3A_811 = tpu.memref_slice %arg28[%dma_wait3A_809, %dma_wait3A_810] : memref<10x125xi32, #tpu.memory_space<vmem>> -> memref<1x125xi32, #tpu.memory_space<vmem>>
      %dma_wait3A_812 = tpu.memref_squeeze %dma_wait3A_811 : memref<1x125xi32, #tpu.memory_space<vmem>> -> memref<125xi32, #tpu.memory_space<vmem>>
      %dma_wait3A_813 = arith.constant 0 : i32
      %dma_wait3A_814 = arith.constant 0 : i32
      %dma_wait3A_815 = tpu.memref_slice %arg2[%arg0, %dma_wait3A_813, %dma_wait3A_814] : memref<2x10000x64xf32, #tpu.memory_space<hbm>> -> memref<1x10000x64xf32, #tpu.memory_space<hbm>>
      %dma_wait3A_816 = tpu.memref_squeeze %dma_wait3A_815 : memref<1x10000x64xf32, #tpu.memory_space<hbm>> -> memref<10000x64xf32, #tpu.memory_space<hbm>>
      %dma_wait3A_817 = arith.constant 0 : i32
      %dma_wait3A_818 = arith.constant 0 : i32
      %dma_wait3A_819 = tpu.memref_slice %dma_wait3A_816[%dma_wait3A_817, %dma_wait3A_818] : memref<10000x64xf32, #tpu.memory_space<hbm>> -> memref<10000x64xf32, #tpu.memory_space<hbm>>
      tpu.wait_indirect_dma semaphore(%arg41 : memref<!tpu.dma_semaphore, #tpu.memory_space<semaphore_mem>>) src(%dma_wait3A_819 : memref<10000x64xf32, #tpu.memory_space<hbm>>) dst(%arg33 : memref<125x64xf32, #tpu.memory_space<vmem>>)
      %dma_wait3A_820 = arith.constant 2 : i32
      %dma_wait3A_821 = arith.constant 0 : i32
      %dma_wait3A_822 = tpu.memref_slice %arg29[%dma_wait3A_820, %dma_wait3A_821] : memref<10x125xi32, #tpu.memory_space<vmem>> -> memref<1x125xi32, #tpu.memory_space<vmem>>
      %dma_wait3A_823 = tpu.memref_squeeze %dma_wait3A_822 : memref<1x125xi32, #tpu.memory_space<vmem>> -> memref<125xi32, #tpu.memory_space<vmem>>
      %dma_wait3A_824 = arith.constant 0 : i32
      %dma_wait3A_825 = arith.constant 0 : i32
      %dma_wait3A_826 = tpu.memref_slice %arg36[%dma_wait3A_824, %dma_wait3A_825] : memref<10000x64xf32, #tpu.memory_space<vmem_shared>> -> memref<10000x64xf32, #tpu.memory_space<vmem_shared>>
      tpu.wait_indirect_dma semaphore(%arg44 : memref<!tpu.dma_semaphore, #tpu.memory_space<semaphore_mem>>) src(%arg32 : memref<125x64xf32, #tpu.memory_space<vmem>>) dst(%dma_wait3A_826 : memref<10000x64xf32, #tpu.memory_space<vmem_shared>>)
      %dma_start3A_827 = arith.constant 6 : i32
      %dma_start3A_828 = arith.constant 0 : i32
      %dma_start3A_829 = tpu.memref_slice %arg28[%dma_start3A_827, %dma_start3A_828] : memref<10x125xi32, #tpu.memory_space<vmem>> -> memref<1x125xi32, #tpu.memory_space<vmem>>
      %dma_start3A_830 = tpu.memref_squeeze %dma_start3A_829 : memref<1x125xi32, #tpu.memory_space<vmem>> -> memref<125xi32, #tpu.memory_space<vmem>>
      %dma_start3A_831 = arith.constant 0 : i32
      %dma_start3A_832 = arith.constant 0 : i32
      %dma_start3A_833 = tpu.memref_slice %arg2[%arg0, %dma_start3A_831, %dma_start3A_832] : memref<2x10000x64xf32, #tpu.memory_space<hbm>> -> memref<1x10000x64xf32, #tpu.memory_space<hbm>>
      %dma_start3A_834 = tpu.memref_squeeze %dma_start3A_833 : memref<1x10000x64xf32, #tpu.memory_space<hbm>> -> memref<10000x64xf32, #tpu.memory_space<hbm>>
      %dma_start3A_835 = arith.constant 0 : i32
      %dma_start3A_836 = arith.constant 0 : i32
      %dma_start3A_837 = tpu.memref_slice %dma_start3A_834[%dma_start3A_835, %dma_start3A_836] : memref<10000x64xf32, #tpu.memory_space<hbm>> -> memref<10000x64xf32, #tpu.memory_space<hbm>>
      tpu.enqueue_indirect_dma source(%dma_start3A_837 : memref<10000x64xf32, #tpu.memory_space<hbm>>) target(%arg32 : memref<125x64xf32, #tpu.memory_space<vmem>>) offsets(%dma_start3A_830 : memref<125xi32, #tpu.memory_space<vmem>>) semaphore(%arg40 : memref<!tpu.dma_semaphore, #tpu.memory_space<semaphore_mem>>)
      %dma_start3A_838 = arith.constant 3 : i32
      %dma_start3A_839 = arith.constant 0 : i32
      %dma_start3A_840 = tpu.memref_slice %arg29[%dma_start3A_838, %dma_start3A_839] : memref<10x125xi32, #tpu.memory_space<vmem>> -> memref<1x125xi32, #tpu.memory_space<vmem>>
      %dma_start3A_841 = tpu.memref_squeeze %dma_start3A_840 : memref<1x125xi32, #tpu.memory_space<vmem>> -> memref<125xi32, #tpu.memory_space<vmem>>
      %dma_start3A_842 = arith.constant 0 : i32
      %dma_start3A_843 = arith.constant 0 : i32
      %dma_start3A_844 = tpu.memref_slice %arg36[%dma_start3A_842, %dma_start3A_843] : memref<10000x64xf32, #tpu.memory_space<vmem_shared>> -> memref<10000x64xf32, #tpu.memory_space<vmem_shared>>
      tpu.enqueue_indirect_dma source(%arg33 : memref<125x64xf32, #tpu.memory_space<vmem>>) target(%dma_start3A_844 : memref<10000x64xf32, #tpu.memory_space<vmem_shared>>) offsets(%dma_start3A_841 : memref<125xi32, #tpu.memory_space<vmem>>) semaphore(%arg45 : memref<!tpu.dma_semaphore, #tpu.memory_space<semaphore_mem>>) {add = true}
      %eq3A_845 = arith.constant 1 : i32
      %eq3A_846 = arith.cmpi eq, %arg0, %eq3A_845 : i32
      %convert_element_type3A_847 = arith.extui %eq3A_846 : i1 to i32
      %cond3A_848 = arith.constant 0 : i32
      %cond3A_849 = arith.cmpi ne, %convert_element_type3A_847, %cond3A_848 : i32
      scf.if %cond3A_849 {
        %dma_start3A_1080 = arith.constant 3 : i32
        %dma_start3A_1081 = arith.constant 0 : i32
        %dma_start3A_1082 = tpu.memref_slice %arg29[%dma_start3A_1080, %dma_start3A_1081] : memref<10x125xi32, #tpu.memory_space<vmem>> -> memref<1x125xi32, #tpu.memory_space<vmem>>
        %dma_start3A_1083 = tpu.memref_squeeze %dma_start3A_1082 : memref<1x125xi32, #tpu.memory_space<vmem>> -> memref<125xi32, #tpu.memory_space<vmem>>
        %dma_start3A_1084 = arith.constant 0 : i32
        %dma_start3A_1085 = arith.constant 0 : i32
        %dma_start3A_1086 = tpu.memref_slice %arg37[%dma_start3A_1084, %dma_start3A_1085] : memref<10000x16xf32, #tpu.memory_space<vmem_shared>> -> memref<10000x16xf32, #tpu.memory_space<vmem_shared>>
        tpu.enqueue_indirect_dma source(%arg34 : memref<125x16xf32, #tpu.memory_space<vmem>>) target(%dma_start3A_1086 : memref<10000x16xf32, #tpu.memory_space<vmem_shared>>) offsets(%dma_start3A_1083 : memref<125xi32, #tpu.memory_space<vmem>>) semaphore(%arg46 : memref<!tpu.dma_semaphore, #tpu.memory_space<semaphore_mem>>) {add = true}
      } else {
      }
      %dma_wait3A_850 = arith.constant 4 : i32
      %dma_wait3A_851 = arith.constant 0 : i32
      %dma_wait3A_852 = tpu.memref_slice %arg28[%dma_wait3A_850, %dma_wait3A_851] : memref<10x125xi32, #tpu.memory_space<vmem>> -> memref<1x125xi32, #tpu.memory_space<vmem>>
      %dma_wait3A_853 = tpu.memref_squeeze %dma_wait3A_852 : memref<1x125xi32, #tpu.memory_space<vmem>> -> memref<125xi32, #tpu.memory_space<vmem>>
      %dma_wait3A_854 = arith.constant 0 : i32
      %dma_wait3A_855 = arith.constant 0 : i32
      %dma_wait3A_856 = tpu.memref_slice %arg2[%arg0, %dma_wait3A_854, %dma_wait3A_855] : memref<2x10000x64xf32, #tpu.memory_space<hbm>> -> memref<1x10000x64xf32, #tpu.memory_space<hbm>>
      %dma_wait3A_857 = tpu.memref_squeeze %dma_wait3A_856 : memref<1x10000x64xf32, #tpu.memory_space<hbm>> -> memref<10000x64xf32, #tpu.memory_space<hbm>>
      %dma_wait3A_858 = arith.constant 0 : i32
      %dma_wait3A_859 = arith.constant 0 : i32
      %dma_wait3A_860 = tpu.memref_slice %dma_wait3A_857[%dma_wait3A_858, %dma_wait3A_859] : memref<10000x64xf32, #tpu.memory_space<hbm>> -> memref<10000x64xf32, #tpu.memory_space<hbm>>
      tpu.wait_indirect_dma semaphore(%arg38 : memref<!tpu.dma_semaphore, #tpu.memory_space<semaphore_mem>>) src(%dma_wait3A_860 : memref<10000x64xf32, #tpu.memory_space<hbm>>) dst(%arg30 : memref<125x64xf32, #tpu.memory_space<vmem>>)
      %dma_wait3A_861 = arith.constant 3 : i32
      %dma_wait3A_862 = arith.constant 0 : i32
      %dma_wait3A_863 = tpu.memref_slice %arg29[%dma_wait3A_861, %dma_wait3A_862] : memref<10x125xi32, #tpu.memory_space<vmem>> -> memref<1x125xi32, #tpu.memory_space<vmem>>
      %dma_wait3A_864 = tpu.memref_squeeze %dma_wait3A_863 : memref<1x125xi32, #tpu.memory_space<vmem>> -> memref<125xi32, #tpu.memory_space<vmem>>
      %dma_wait3A_865 = arith.constant 0 : i32
      %dma_wait3A_866 = arith.constant 0 : i32
      %dma_wait3A_867 = tpu.memref_slice %arg36[%dma_wait3A_865, %dma_wait3A_866] : memref<10000x64xf32, #tpu.memory_space<vmem_shared>> -> memref<10000x64xf32, #tpu.memory_space<vmem_shared>>
      tpu.wait_indirect_dma semaphore(%arg45 : memref<!tpu.dma_semaphore, #tpu.memory_space<semaphore_mem>>) src(%arg33 : memref<125x64xf32, #tpu.memory_space<vmem>>) dst(%dma_wait3A_867 : memref<10000x64xf32, #tpu.memory_space<vmem_shared>>)
      %dma_start3A_868 = arith.constant 7 : i32
      %dma_start3A_869 = arith.constant 0 : i32
      %dma_start3A_870 = tpu.memref_slice %arg28[%dma_start3A_868, %dma_start3A_869] : memref<10x125xi32, #tpu.memory_space<vmem>> -> memref<1x125xi32, #tpu.memory_space<vmem>>
      %dma_start3A_871 = tpu.memref_squeeze %dma_start3A_870 : memref<1x125xi32, #tpu.memory_space<vmem>> -> memref<125xi32, #tpu.memory_space<vmem>>
      %dma_start3A_872 = arith.constant 0 : i32
      %dma_start3A_873 = arith.constant 0 : i32
      %dma_start3A_874 = tpu.memref_slice %arg2[%arg0, %dma_start3A_872, %dma_start3A_873] : memref<2x10000x64xf32, #tpu.memory_space<hbm>> -> memref<1x10000x64xf32, #tpu.memory_space<hbm>>
      %dma_start3A_875 = tpu.memref_squeeze %dma_start3A_874 : memref<1x10000x64xf32, #tpu.memory_space<hbm>> -> memref<10000x64xf32, #tpu.memory_space<hbm>>
      %dma_start3A_876 = arith.constant 0 : i32
      %dma_start3A_877 = arith.constant 0 : i32
      %dma_start3A_878 = tpu.memref_slice %dma_start3A_875[%dma_start3A_876, %dma_start3A_877] : memref<10000x64xf32, #tpu.memory_space<hbm>> -> memref<10000x64xf32, #tpu.memory_space<hbm>>
      tpu.enqueue_indirect_dma source(%dma_start3A_878 : memref<10000x64xf32, #tpu.memory_space<hbm>>) target(%arg33 : memref<125x64xf32, #tpu.memory_space<vmem>>) offsets(%dma_start3A_871 : memref<125xi32, #tpu.memory_space<vmem>>) semaphore(%arg41 : memref<!tpu.dma_semaphore, #tpu.memory_space<semaphore_mem>>)
      %dma_start3A_879 = arith.constant 4 : i32
      %dma_start3A_880 = arith.constant 0 : i32
      %dma_start3A_881 = tpu.memref_slice %arg29[%dma_start3A_879, %dma_start3A_880] : memref<10x125xi32, #tpu.memory_space<vmem>> -> memref<1x125xi32, #tpu.memory_space<vmem>>
      %dma_start3A_882 = tpu.memref_squeeze %dma_start3A_881 : memref<1x125xi32, #tpu.memory_space<vmem>> -> memref<125xi32, #tpu.memory_space<vmem>>
      %dma_start3A_883 = arith.constant 0 : i32
      %dma_start3A_884 = arith.constant 0 : i32
      %dma_start3A_885 = tpu.memref_slice %arg36[%dma_start3A_883, %dma_start3A_884] : memref<10000x64xf32, #tpu.memory_space<vmem_shared>> -> memref<10000x64xf32, #tpu.memory_space<vmem_shared>>
      tpu.enqueue_indirect_dma source(%arg30 : memref<125x64xf32, #tpu.memory_space<vmem>>) target(%dma_start3A_885 : memref<10000x64xf32, #tpu.memory_space<vmem_shared>>) offsets(%dma_start3A_882 : memref<125xi32, #tpu.memory_space<vmem>>) semaphore(%arg42 : memref<!tpu.dma_semaphore, #tpu.memory_space<semaphore_mem>>) {add = true}
      %eq3A_886 = arith.constant 0 : i32
      %eq3A_887 = arith.cmpi eq, %arg0, %eq3A_886 : i32
      %convert_element_type3A_888 = arith.extui %eq3A_887 : i1 to i32
      %cond3A_889 = arith.constant 0 : i32
      %cond3A_890 = arith.cmpi ne, %convert_element_type3A_888, %cond3A_889 : i32
      scf.if %cond3A_890 {
        %dma_start3A_1080 = arith.constant 4 : i32
        %dma_start3A_1081 = arith.constant 0 : i32
        %dma_start3A_1082 = tpu.memref_slice %arg29[%dma_start3A_1080, %dma_start3A_1081] : memref<10x125xi32, #tpu.memory_space<vmem>> -> memref<1x125xi32, #tpu.memory_space<vmem>>
        %dma_start3A_1083 = tpu.memref_squeeze %dma_start3A_1082 : memref<1x125xi32, #tpu.memory_space<vmem>> -> memref<125xi32, #tpu.memory_space<vmem>>
        %dma_start3A_1084 = arith.constant 0 : i32
        %dma_start3A_1085 = arith.constant 0 : i32
        %dma_start3A_1086 = tpu.memref_slice %arg37[%dma_start3A_1084, %dma_start3A_1085] : memref<10000x16xf32, #tpu.memory_space<vmem_shared>> -> memref<10000x16xf32, #tpu.memory_space<vmem_shared>>
        tpu.enqueue_indirect_dma source(%arg34 : memref<125x16xf32, #tpu.memory_space<vmem>>) target(%dma_start3A_1086 : memref<10000x16xf32, #tpu.memory_space<vmem_shared>>) offsets(%dma_start3A_1083 : memref<125xi32, #tpu.memory_space<vmem>>) semaphore(%arg46 : memref<!tpu.dma_semaphore, #tpu.memory_space<semaphore_mem>>) {add = true}
      } else {
      }
      %dma_wait3A_891 = arith.constant 5 : i32
      %dma_wait3A_892 = arith.constant 0 : i32
      %dma_wait3A_893 = tpu.memref_slice %arg28[%dma_wait3A_891, %dma_wait3A_892] : memref<10x125xi32, #tpu.memory_space<vmem>> -> memref<1x125xi32, #tpu.memory_space<vmem>>
      %dma_wait3A_894 = tpu.memref_squeeze %dma_wait3A_893 : memref<1x125xi32, #tpu.memory_space<vmem>> -> memref<125xi32, #tpu.memory_space<vmem>>
      %dma_wait3A_895 = arith.constant 0 : i32
      %dma_wait3A_896 = arith.constant 0 : i32
      %dma_wait3A_897 = tpu.memref_slice %arg2[%arg0, %dma_wait3A_895, %dma_wait3A_896] : memref<2x10000x64xf32, #tpu.memory_space<hbm>> -> memref<1x10000x64xf32, #tpu.memory_space<hbm>>
      %dma_wait3A_898 = tpu.memref_squeeze %dma_wait3A_897 : memref<1x10000x64xf32, #tpu.memory_space<hbm>> -> memref<10000x64xf32, #tpu.memory_space<hbm>>
      %dma_wait3A_899 = arith.constant 0 : i32
      %dma_wait3A_900 = arith.constant 0 : i32
      %dma_wait3A_901 = tpu.memref_slice %dma_wait3A_898[%dma_wait3A_899, %dma_wait3A_900] : memref<10000x64xf32, #tpu.memory_space<hbm>> -> memref<10000x64xf32, #tpu.memory_space<hbm>>
      tpu.wait_indirect_dma semaphore(%arg39 : memref<!tpu.dma_semaphore, #tpu.memory_space<semaphore_mem>>) src(%dma_wait3A_901 : memref<10000x64xf32, #tpu.memory_space<hbm>>) dst(%arg31 : memref<125x64xf32, #tpu.memory_space<vmem>>)
      %dma_wait3A_902 = arith.constant 4 : i32
      %dma_wait3A_903 = arith.constant 0 : i32
      %dma_wait3A_904 = tpu.memref_slice %arg29[%dma_wait3A_902, %dma_wait3A_903] : memref<10x125xi32, #tpu.memory_space<vmem>> -> memref<1x125xi32, #tpu.memory_space<vmem>>
      %dma_wait3A_905 = tpu.memref_squeeze %dma_wait3A_904 : memref<1x125xi32, #tpu.memory_space<vmem>> -> memref<125xi32, #tpu.memory_space<vmem>>
      %dma_wait3A_906 = arith.constant 0 : i32
      %dma_wait3A_907 = arith.constant 0 : i32
      %dma_wait3A_908 = tpu.memref_slice %arg36[%dma_wait3A_906, %dma_wait3A_907] : memref<10000x64xf32, #tpu.memory_space<vmem_shared>> -> memref<10000x64xf32, #tpu.memory_space<vmem_shared>>
      tpu.wait_indirect_dma semaphore(%arg42 : memref<!tpu.dma_semaphore, #tpu.memory_space<semaphore_mem>>) src(%arg30 : memref<125x64xf32, #tpu.memory_space<vmem>>) dst(%dma_wait3A_908 : memref<10000x64xf32, #tpu.memory_space<vmem_shared>>)
      %dma_start3A_909 = arith.constant 8 : i32
      %dma_start3A_910 = arith.constant 0 : i32
      %dma_start3A_911 = tpu.memref_slice %arg28[%dma_start3A_909, %dma_start3A_910] : memref<10x125xi32, #tpu.memory_space<vmem>> -> memref<1x125xi32, #tpu.memory_space<vmem>>
      %dma_start3A_912 = tpu.memref_squeeze %dma_start3A_911 : memref<1x125xi32, #tpu.memory_space<vmem>> -> memref<125xi32, #tpu.memory_space<vmem>>
      %dma_start3A_913 = arith.constant 0 : i32
      %dma_start3A_914 = arith.constant 0 : i32
      %dma_start3A_915 = tpu.memref_slice %arg2[%arg0, %dma_start3A_913, %dma_start3A_914] : memref<2x10000x64xf32, #tpu.memory_space<hbm>> -> memref<1x10000x64xf32, #tpu.memory_space<hbm>>
      %dma_start3A_916 = tpu.memref_squeeze %dma_start3A_915 : memref<1x10000x64xf32, #tpu.memory_space<hbm>> -> memref<10000x64xf32, #tpu.memory_space<hbm>>
      %dma_start3A_917 = arith.constant 0 : i32
      %dma_start3A_918 = arith.constant 0 : i32
      %dma_start3A_919 = tpu.memref_slice %dma_start3A_916[%dma_start3A_917, %dma_start3A_918] : memref<10000x64xf32, #tpu.memory_space<hbm>> -> memref<10000x64xf32, #tpu.memory_space<hbm>>
      tpu.enqueue_indirect_dma source(%dma_start3A_919 : memref<10000x64xf32, #tpu.memory_space<hbm>>) target(%arg30 : memref<125x64xf32, #tpu.memory_space<vmem>>) offsets(%dma_start3A_912 : memref<125xi32, #tpu.memory_space<vmem>>) semaphore(%arg38 : memref<!tpu.dma_semaphore, #tpu.memory_space<semaphore_mem>>)
      %dma_start3A_920 = arith.constant 5 : i32
      %dma_start3A_921 = arith.constant 0 : i32
      %dma_start3A_922 = tpu.memref_slice %arg29[%dma_start3A_920, %dma_start3A_921] : memref<10x125xi32, #tpu.memory_space<vmem>> -> memref<1x125xi32, #tpu.memory_space<vmem>>
      %dma_start3A_923 = tpu.memref_squeeze %dma_start3A_922 : memref<1x125xi32, #tpu.memory_space<vmem>> -> memref<125xi32, #tpu.memory_space<vmem>>
      %dma_start3A_924 = arith.constant 0 : i32
      %dma_start3A_925 = arith.constant 0 : i32
      %dma_start3A_926 = tpu.memref_slice %arg36[%dma_start3A_924, %dma_start3A_925] : memref<10000x64xf32, #tpu.memory_space<vmem_shared>> -> memref<10000x64xf32, #tpu.memory_space<vmem_shared>>
      tpu.enqueue_indirect_dma source(%arg31 : memref<125x64xf32, #tpu.memory_space<vmem>>) target(%dma_start3A_926 : memref<10000x64xf32, #tpu.memory_space<vmem_shared>>) offsets(%dma_start3A_923 : memref<125xi32, #tpu.memory_space<vmem>>) semaphore(%arg43 : memref<!tpu.dma_semaphore, #tpu.memory_space<semaphore_mem>>) {add = true}
      %eq3A_927 = arith.constant 1 : i32
      %eq3A_928 = arith.cmpi eq, %arg0, %eq3A_927 : i32
      %convert_element_type3A_929 = arith.extui %eq3A_928 : i1 to i32
      %cond3A_930 = arith.constant 0 : i32
      %cond3A_931 = arith.cmpi ne, %convert_element_type3A_929, %cond3A_930 : i32
      scf.if %cond3A_931 {
        %dma_start3A_1080 = arith.constant 5 : i32
        %dma_start3A_1081 = arith.constant 0 : i32
        %dma_start3A_1082 = tpu.memref_slice %arg29[%dma_start3A_1080, %dma_start3A_1081] : memref<10x125xi32, #tpu.memory_space<vmem>> -> memref<1x125xi32, #tpu.memory_space<vmem>>
        %dma_start3A_1083 = tpu.memref_squeeze %dma_start3A_1082 : memref<1x125xi32, #tpu.memory_space<vmem>> -> memref<125xi32, #tpu.memory_space<vmem>>
        %dma_start3A_1084 = arith.constant 0 : i32
        %dma_start3A_1085 = arith.constant 0 : i32
        %dma_start3A_1086 = tpu.memref_slice %arg37[%dma_start3A_1084, %dma_start3A_1085] : memref<10000x16xf32, #tpu.memory_space<vmem_shared>> -> memref<10000x16xf32, #tpu.memory_space<vmem_shared>>
        tpu.enqueue_indirect_dma source(%arg34 : memref<125x16xf32, #tpu.memory_space<vmem>>) target(%dma_start3A_1086 : memref<10000x16xf32, #tpu.memory_space<vmem_shared>>) offsets(%dma_start3A_1083 : memref<125xi32, #tpu.memory_space<vmem>>) semaphore(%arg46 : memref<!tpu.dma_semaphore, #tpu.memory_space<semaphore_mem>>) {add = true}
      } else {
      }
      %dma_wait3A_932 = arith.constant 6 : i32
      %dma_wait3A_933 = arith.constant 0 : i32
      %dma_wait3A_934 = tpu.memref_slice %arg28[%dma_wait3A_932, %dma_wait3A_933] : memref<10x125xi32, #tpu.memory_space<vmem>> -> memref<1x125xi32, #tpu.memory_space<vmem>>
      %dma_wait3A_935 = tpu.memref_squeeze %dma_wait3A_934 : memref<1x125xi32, #tpu.memory_space<vmem>> -> memref<125xi32, #tpu.memory_space<vmem>>
      %dma_wait3A_936 = arith.constant 0 : i32
      %dma_wait3A_937 = arith.constant 0 : i32
      %dma_wait3A_938 = tpu.memref_slice %arg2[%arg0, %dma_wait3A_936, %dma_wait3A_937] : memref<2x10000x64xf32, #tpu.memory_space<hbm>> -> memref<1x10000x64xf32, #tpu.memory_space<hbm>>
      %dma_wait3A_939 = tpu.memref_squeeze %dma_wait3A_938 : memref<1x10000x64xf32, #tpu.memory_space<hbm>> -> memref<10000x64xf32, #tpu.memory_space<hbm>>
      %dma_wait3A_940 = arith.constant 0 : i32
      %dma_wait3A_941 = arith.constant 0 : i32
      %dma_wait3A_942 = tpu.memref_slice %dma_wait3A_939[%dma_wait3A_940, %dma_wait3A_941] : memref<10000x64xf32, #tpu.memory_space<hbm>> -> memref<10000x64xf32, #tpu.memory_space<hbm>>
      tpu.wait_indirect_dma semaphore(%arg40 : memref<!tpu.dma_semaphore, #tpu.memory_space<semaphore_mem>>) src(%dma_wait3A_942 : memref<10000x64xf32, #tpu.memory_space<hbm>>) dst(%arg32 : memref<125x64xf32, #tpu.memory_space<vmem>>)
      %dma_wait3A_943 = arith.constant 5 : i32
      %dma_wait3A_944 = arith.constant 0 : i32
      %dma_wait3A_945 = tpu.memref_slice %arg29[%dma_wait3A_943, %dma_wait3A_944] : memref<10x125xi32, #tpu.memory_space<vmem>> -> memref<1x125xi32, #tpu.memory_space<vmem>>
      %dma_wait3A_946 = tpu.memref_squeeze %dma_wait3A_945 : memref<1x125xi32, #tpu.memory_space<vmem>> -> memref<125xi32, #tpu.memory_space<vmem>>
      %dma_wait3A_947 = arith.constant 0 : i32
      %dma_wait3A_948 = arith.constant 0 : i32
      %dma_wait3A_949 = tpu.memref_slice %arg36[%dma_wait3A_947, %dma_wait3A_948] : memref<10000x64xf32, #tpu.memory_space<vmem_shared>> -> memref<10000x64xf32, #tpu.memory_space<vmem_shared>>
      tpu.wait_indirect_dma semaphore(%arg43 : memref<!tpu.dma_semaphore, #tpu.memory_space<semaphore_mem>>) src(%arg31 : memref<125x64xf32, #tpu.memory_space<vmem>>) dst(%dma_wait3A_949 : memref<10000x64xf32, #tpu.memory_space<vmem_shared>>)
      %dma_start3A_950 = arith.constant 9 : i32
      %dma_start3A_951 = arith.constant 0 : i32
      %dma_start3A_952 = tpu.memref_slice %arg28[%dma_start3A_950, %dma_start3A_951] : memref<10x125xi32, #tpu.memory_space<vmem>> -> memref<1x125xi32, #tpu.memory_space<vmem>>
      %dma_start3A_953 = tpu.memref_squeeze %dma_start3A_952 : memref<1x125xi32, #tpu.memory_space<vmem>> -> memref<125xi32, #tpu.memory_space<vmem>>
      %dma_start3A_954 = arith.constant 0 : i32
      %dma_start3A_955 = arith.constant 0 : i32
      %dma_start3A_956 = tpu.memref_slice %arg2[%arg0, %dma_start3A_954, %dma_start3A_955] : memref<2x10000x64xf32, #tpu.memory_space<hbm>> -> memref<1x10000x64xf32, #tpu.memory_space<hbm>>
      %dma_start3A_957 = tpu.memref_squeeze %dma_start3A_956 : memref<1x10000x64xf32, #tpu.memory_space<hbm>> -> memref<10000x64xf32, #tpu.memory_space<hbm>>
      %dma_start3A_958 = arith.constant 0 : i32
      %dma_start3A_959 = arith.constant 0 : i32
      %dma_start3A_960 = tpu.memref_slice %dma_start3A_957[%dma_start3A_958, %dma_start3A_959] : memref<10000x64xf32, #tpu.memory_space<hbm>> -> memref<10000x64xf32, #tpu.memory_space<hbm>>
      tpu.enqueue_indirect_dma source(%dma_start3A_960 : memref<10000x64xf32, #tpu.memory_space<hbm>>) target(%arg31 : memref<125x64xf32, #tpu.memory_space<vmem>>) offsets(%dma_start3A_953 : memref<125xi32, #tpu.memory_space<vmem>>) semaphore(%arg39 : memref<!tpu.dma_semaphore, #tpu.memory_space<semaphore_mem>>)
      %dma_start3A_961 = arith.constant 6 : i32
      %dma_start3A_962 = arith.constant 0 : i32
      %dma_start3A_963 = tpu.memref_slice %arg29[%dma_start3A_961, %dma_start3A_962] : memref<10x125xi32, #tpu.memory_space<vmem>> -> memref<1x125xi32, #tpu.memory_space<vmem>>
      %dma_start3A_964 = tpu.memref_squeeze %dma_start3A_963 : memref<1x125xi32, #tpu.memory_space<vmem>> -> memref<125xi32, #tpu.memory_space<vmem>>
      %dma_start3A_965 = arith.constant 0 : i32
      %dma_start3A_966 = arith.constant 0 : i32
      %dma_start3A_967 = tpu.memref_slice %arg36[%dma_start3A_965, %dma_start3A_966] : memref<10000x64xf32, #tpu.memory_space<vmem_shared>> -> memref<10000x64xf32, #tpu.memory_space<vmem_shared>>
      tpu.enqueue_indirect_dma source(%arg32 : memref<125x64xf32, #tpu.memory_space<vmem>>) target(%dma_start3A_967 : memref<10000x64xf32, #tpu.memory_space<vmem_shared>>) offsets(%dma_start3A_964 : memref<125xi32, #tpu.memory_space<vmem>>) semaphore(%arg44 : memref<!tpu.dma_semaphore, #tpu.memory_space<semaphore_mem>>) {add = true}
      %eq3A_968 = arith.constant 0 : i32
      %eq3A_969 = arith.cmpi eq, %arg0, %eq3A_968 : i32
      %convert_element_type3A_970 = arith.extui %eq3A_969 : i1 to i32
      %cond3A_971 = arith.constant 0 : i32
      %cond3A_972 = arith.cmpi ne, %convert_element_type3A_970, %cond3A_971 : i32
      scf.if %cond3A_972 {
        %dma_start3A_1080 = arith.constant 6 : i32
        %dma_start3A_1081 = arith.constant 0 : i32
        %dma_start3A_1082 = tpu.memref_slice %arg29[%dma_start3A_1080, %dma_start3A_1081] : memref<10x125xi32, #tpu.memory_space<vmem>> -> memref<1x125xi32, #tpu.memory_space<vmem>>
        %dma_start3A_1083 = tpu.memref_squeeze %dma_start3A_1082 : memref<1x125xi32, #tpu.memory_space<vmem>> -> memref<125xi32, #tpu.memory_space<vmem>>
        %dma_start3A_1084 = arith.constant 0 : i32
        %dma_start3A_1085 = arith.constant 0 : i32
        %dma_start3A_1086 = tpu.memref_slice %arg37[%dma_start3A_1084, %dma_start3A_1085] : memref<10000x16xf32, #tpu.memory_space<vmem_shared>> -> memref<10000x16xf32, #tpu.memory_space<vmem_shared>>
        tpu.enqueue_indirect_dma source(%arg34 : memref<125x16xf32, #tpu.memory_space<vmem>>) target(%dma_start3A_1086 : memref<10000x16xf32, #tpu.memory_space<vmem_shared>>) offsets(%dma_start3A_1083 : memref<125xi32, #tpu.memory_space<vmem>>) semaphore(%arg46 : memref<!tpu.dma_semaphore, #tpu.memory_space<semaphore_mem>>) {add = true}
      } else {
      }
      %dma_wait3A_973 = arith.constant 7 : i32
      %dma_wait3A_974 = arith.constant 0 : i32
      %dma_wait3A_975 = tpu.memref_slice %arg28[%dma_wait3A_973, %dma_wait3A_974] : memref<10x125xi32, #tpu.memory_space<vmem>> -> memref<1x125xi32, #tpu.memory_space<vmem>>
      %dma_wait3A_976 = tpu.memref_squeeze %dma_wait3A_975 : memref<1x125xi32, #tpu.memory_space<vmem>> -> memref<125xi32, #tpu.memory_space<vmem>>
      %dma_wait3A_977 = arith.constant 0 : i32
      %dma_wait3A_978 = arith.constant 0 : i32
      %dma_wait3A_979 = tpu.memref_slice %arg2[%arg0, %dma_wait3A_977, %dma_wait3A_978] : memref<2x10000x64xf32, #tpu.memory_space<hbm>> -> memref<1x10000x64xf32, #tpu.memory_space<hbm>>
      %dma_wait3A_980 = tpu.memref_squeeze %dma_wait3A_979 : memref<1x10000x64xf32, #tpu.memory_space<hbm>> -> memref<10000x64xf32, #tpu.memory_space<hbm>>
      %dma_wait3A_981 = arith.constant 0 : i32
      %dma_wait3A_982 = arith.constant 0 : i32
      %dma_wait3A_983 = tpu.memref_slice %dma_wait3A_980[%dma_wait3A_981, %dma_wait3A_982] : memref<10000x64xf32, #tpu.memory_space<hbm>> -> memref<10000x64xf32, #tpu.memory_space<hbm>>
      tpu.wait_indirect_dma semaphore(%arg41 : memref<!tpu.dma_semaphore, #tpu.memory_space<semaphore_mem>>) src(%dma_wait3A_983 : memref<10000x64xf32, #tpu.memory_space<hbm>>) dst(%arg33 : memref<125x64xf32, #tpu.memory_space<vmem>>)
      %dma_start3A_984 = arith.constant 7 : i32
      %dma_start3A_985 = arith.constant 0 : i32
      %dma_start3A_986 = tpu.memref_slice %arg29[%dma_start3A_984, %dma_start3A_985] : memref<10x125xi32, #tpu.memory_space<vmem>> -> memref<1x125xi32, #tpu.memory_space<vmem>>
      %dma_start3A_987 = tpu.memref_squeeze %dma_start3A_986 : memref<1x125xi32, #tpu.memory_space<vmem>> -> memref<125xi32, #tpu.memory_space<vmem>>
      %dma_start3A_988 = arith.constant 0 : i32
      %dma_start3A_989 = arith.constant 0 : i32
      %dma_start3A_990 = tpu.memref_slice %arg36[%dma_start3A_988, %dma_start3A_989] : memref<10000x64xf32, #tpu.memory_space<vmem_shared>> -> memref<10000x64xf32, #tpu.memory_space<vmem_shared>>
      tpu.enqueue_indirect_dma source(%arg33 : memref<125x64xf32, #tpu.memory_space<vmem>>) target(%dma_start3A_990 : memref<10000x64xf32, #tpu.memory_space<vmem_shared>>) offsets(%dma_start3A_987 : memref<125xi32, #tpu.memory_space<vmem>>) semaphore(%arg45 : memref<!tpu.dma_semaphore, #tpu.memory_space<semaphore_mem>>) {add = true}
      %eq3A_991 = arith.constant 1 : i32
      %eq3A_992 = arith.cmpi eq, %arg0, %eq3A_991 : i32
      %convert_element_type3A_993 = arith.extui %eq3A_992 : i1 to i32
      %cond3A_994 = arith.constant 0 : i32
      %cond3A_995 = arith.cmpi ne, %convert_element_type3A_993, %cond3A_994 : i32
      scf.if %cond3A_995 {
        %dma_start3A_1080 = arith.constant 7 : i32
        %dma_start3A_1081 = arith.constant 0 : i32
        %dma_start3A_1082 = tpu.memref_slice %arg29[%dma_start3A_1080, %dma_start3A_1081] : memref<10x125xi32, #tpu.memory_space<vmem>> -> memref<1x125xi32, #tpu.memory_space<vmem>>
        %dma_start3A_1083 = tpu.memref_squeeze %dma_start3A_1082 : memref<1x125xi32, #tpu.memory_space<vmem>> -> memref<125xi32, #tpu.memory_space<vmem>>
        %dma_start3A_1084 = arith.constant 0 : i32
        %dma_start3A_1085 = arith.constant 0 : i32
        %dma_start3A_1086 = tpu.memref_slice %arg37[%dma_start3A_1084, %dma_start3A_1085] : memref<10000x16xf32, #tpu.memory_space<vmem_shared>> -> memref<10000x16xf32, #tpu.memory_space<vmem_shared>>
        tpu.enqueue_indirect_dma source(%arg34 : memref<125x16xf32, #tpu.memory_space<vmem>>) target(%dma_start3A_1086 : memref<10000x16xf32, #tpu.memory_space<vmem_shared>>) offsets(%dma_start3A_1083 : memref<125xi32, #tpu.memory_space<vmem>>) semaphore(%arg46 : memref<!tpu.dma_semaphore, #tpu.memory_space<semaphore_mem>>) {add = true}
      } else {
      }
      %dma_wait3A_996 = arith.constant 8 : i32
      %dma_wait3A_997 = arith.constant 0 : i32
      %dma_wait3A_998 = tpu.memref_slice %arg28[%dma_wait3A_996, %dma_wait3A_997] : memref<10x125xi32, #tpu.memory_space<vmem>> -> memref<1x125xi32, #tpu.memory_space<vmem>>
      %dma_wait3A_999 = tpu.memref_squeeze %dma_wait3A_998 : memref<1x125xi32, #tpu.memory_space<vmem>> -> memref<125xi32, #tpu.memory_space<vmem>>
      %dma_wait3A_1000 = arith.constant 0 : i32
      %dma_wait3A_1001 = arith.constant 0 : i32
      %dma_wait3A_1002 = tpu.memref_slice %arg2[%arg0, %dma_wait3A_1000, %dma_wait3A_1001] : memref<2x10000x64xf32, #tpu.memory_space<hbm>> -> memref<1x10000x64xf32, #tpu.memory_space<hbm>>
      %dma_wait3A_1003 = tpu.memref_squeeze %dma_wait3A_1002 : memref<1x10000x64xf32, #tpu.memory_space<hbm>> -> memref<10000x64xf32, #tpu.memory_space<hbm>>
      %dma_wait3A_1004 = arith.constant 0 : i32
      %dma_wait3A_1005 = arith.constant 0 : i32
      %dma_wait3A_1006 = tpu.memref_slice %dma_wait3A_1003[%dma_wait3A_1004, %dma_wait3A_1005] : memref<10000x64xf32, #tpu.memory_space<hbm>> -> memref<10000x64xf32, #tpu.memory_space<hbm>>
      tpu.wait_indirect_dma semaphore(%arg38 : memref<!tpu.dma_semaphore, #tpu.memory_space<semaphore_mem>>) src(%dma_wait3A_1006 : memref<10000x64xf32, #tpu.memory_space<hbm>>) dst(%arg30 : memref<125x64xf32, #tpu.memory_space<vmem>>)
      %dma_start3A_1007 = arith.constant 8 : i32
      %dma_start3A_1008 = arith.constant 0 : i32
      %dma_start3A_1009 = tpu.memref_slice %arg29[%dma_start3A_1007, %dma_start3A_1008] : memref<10x125xi32, #tpu.memory_space<vmem>> -> memref<1x125xi32, #tpu.memory_space<vmem>>
      %dma_start3A_1010 = tpu.memref_squeeze %dma_start3A_1009 : memref<1x125xi32, #tpu.memory_space<vmem>> -> memref<125xi32, #tpu.memory_space<vmem>>
      %dma_start3A_1011 = arith.constant 0 : i32
      %dma_start3A_1012 = arith.constant 0 : i32
      %dma_start3A_1013 = tpu.memref_slice %arg36[%dma_start3A_1011, %dma_start3A_1012] : memref<10000x64xf32, #tpu.memory_space<vmem_shared>> -> memref<10000x64xf32, #tpu.memory_space<vmem_shared>>
      tpu.enqueue_indirect_dma source(%arg30 : memref<125x64xf32, #tpu.memory_space<vmem>>) target(%dma_start3A_1013 : memref<10000x64xf32, #tpu.memory_space<vmem_shared>>) offsets(%dma_start3A_1010 : memref<125xi32, #tpu.memory_space<vmem>>) semaphore(%arg42 : memref<!tpu.dma_semaphore, #tpu.memory_space<semaphore_mem>>) {add = true}
      %eq3A_1014 = arith.constant 0 : i32
      %eq3A_1015 = arith.cmpi eq, %arg0, %eq3A_1014 : i32
      %convert_element_type3A_1016 = arith.extui %eq3A_1015 : i1 to i32
      %cond3A_1017 = arith.constant 0 : i32
      %cond3A_1018 = arith.cmpi ne, %convert_element_type3A_1016, %cond3A_1017 : i32
      scf.if %cond3A_1018 {
        %dma_start3A_1080 = arith.constant 8 : i32
        %dma_start3A_1081 = arith.constant 0 : i32
        %dma_start3A_1082 = tpu.memref_slice %arg29[%dma_start3A_1080, %dma_start3A_1081] : memref<10x125xi32, #tpu.memory_space<vmem>> -> memref<1x125xi32, #tpu.memory_space<vmem>>
        %dma_start3A_1083 = tpu.memref_squeeze %dma_start3A_1082 : memref<1x125xi32, #tpu.memory_space<vmem>> -> memref<125xi32, #tpu.memory_space<vmem>>
        %dma_start3A_1084 = arith.constant 0 : i32
        %dma_start3A_1085 = arith.constant 0 : i32
        %dma_start3A_1086 = tpu.memref_slice %arg37[%dma_start3A_1084, %dma_start3A_1085] : memref<10000x16xf32, #tpu.memory_space<vmem_shared>> -> memref<10000x16xf32, #tpu.memory_space<vmem_shared>>
        tpu.enqueue_indirect_dma source(%arg34 : memref<125x16xf32, #tpu.memory_space<vmem>>) target(%dma_start3A_1086 : memref<10000x16xf32, #tpu.memory_space<vmem_shared>>) offsets(%dma_start3A_1083 : memref<125xi32, #tpu.memory_space<vmem>>) semaphore(%arg46 : memref<!tpu.dma_semaphore, #tpu.memory_space<semaphore_mem>>) {add = true}
      } else {
      }
      %dma_wait3A_1019 = arith.constant 9 : i32
      %dma_wait3A_1020 = arith.constant 0 : i32
      %dma_wait3A_1021 = tpu.memref_slice %arg28[%dma_wait3A_1019, %dma_wait3A_1020] : memref<10x125xi32, #tpu.memory_space<vmem>> -> memref<1x125xi32, #tpu.memory_space<vmem>>
      %dma_wait3A_1022 = tpu.memref_squeeze %dma_wait3A_1021 : memref<1x125xi32, #tpu.memory_space<vmem>> -> memref<125xi32, #tpu.memory_space<vmem>>
      %dma_wait3A_1023 = arith.constant 0 : i32
      %dma_wait3A_1024 = arith.constant 0 : i32
      %dma_wait3A_1025 = tpu.memref_slice %arg2[%arg0, %dma_wait3A_1023, %dma_wait3A_1024] : memref<2x10000x64xf32, #tpu.memory_space<hbm>> -> memref<1x10000x64xf32, #tpu.memory_space<hbm>>
      %dma_wait3A_1026 = tpu.memref_squeeze %dma_wait3A_1025 : memref<1x10000x64xf32, #tpu.memory_space<hbm>> -> memref<10000x64xf32, #tpu.memory_space<hbm>>
      %dma_wait3A_1027 = arith.constant 0 : i32
      %dma_wait3A_1028 = arith.constant 0 : i32
      %dma_wait3A_1029 = tpu.memref_slice %dma_wait3A_1026[%dma_wait3A_1027, %dma_wait3A_1028] : memref<10000x64xf32, #tpu.memory_space<hbm>> -> memref<10000x64xf32, #tpu.memory_space<hbm>>
      tpu.wait_indirect_dma semaphore(%arg39 : memref<!tpu.dma_semaphore, #tpu.memory_space<semaphore_mem>>) src(%dma_wait3A_1029 : memref<10000x64xf32, #tpu.memory_space<hbm>>) dst(%arg31 : memref<125x64xf32, #tpu.memory_space<vmem>>)
      %dma_start3A_1030 = arith.constant 9 : i32
      %dma_start3A_1031 = arith.constant 0 : i32
      %dma_start3A_1032 = tpu.memref_slice %arg29[%dma_start3A_1030, %dma_start3A_1031] : memref<10x125xi32, #tpu.memory_space<vmem>> -> memref<1x125xi32, #tpu.memory_space<vmem>>
      %dma_start3A_1033 = tpu.memref_squeeze %dma_start3A_1032 : memref<1x125xi32, #tpu.memory_space<vmem>> -> memref<125xi32, #tpu.memory_space<vmem>>
      %dma_start3A_1034 = arith.constant 0 : i32
      %dma_start3A_1035 = arith.constant 0 : i32
      %dma_start3A_1036 = tpu.memref_slice %arg36[%dma_start3A_1034, %dma_start3A_1035] : memref<10000x64xf32, #tpu.memory_space<vmem_shared>> -> memref<10000x64xf32, #tpu.memory_space<vmem_shared>>
      tpu.enqueue_indirect_dma source(%arg31 : memref<125x64xf32, #tpu.memory_space<vmem>>) target(%dma_start3A_1036 : memref<10000x64xf32, #tpu.memory_space<vmem_shared>>) offsets(%dma_start3A_1033 : memref<125xi32, #tpu.memory_space<vmem>>) semaphore(%arg43 : memref<!tpu.dma_semaphore, #tpu.memory_space<semaphore_mem>>) {add = true}
      %eq3A_1037 = arith.constant 1 : i32
      %eq3A_1038 = arith.cmpi eq, %arg0, %eq3A_1037 : i32
      %convert_element_type3A_1039 = arith.extui %eq3A_1038 : i1 to i32
      %cond3A_1040 = arith.constant 0 : i32
      %cond3A_1041 = arith.cmpi ne, %convert_element_type3A_1039, %cond3A_1040 : i32
      scf.if %cond3A_1041 {
        %dma_start3A_1080 = arith.constant 9 : i32
        %dma_start3A_1081 = arith.constant 0 : i32
        %dma_start3A_1082 = tpu.memref_slice %arg29[%dma_start3A_1080, %dma_start3A_1081] : memref<10x125xi32, #tpu.memory_space<vmem>> -> memref<1x125xi32, #tpu.memory_space<vmem>>
        %dma_start3A_1083 = tpu.memref_squeeze %dma_start3A_1082 : memref<1x125xi32, #tpu.memory_space<vmem>> -> memref<125xi32, #tpu.memory_space<vmem>>
        %dma_start3A_1084 = arith.constant 0 : i32
        %dma_start3A_1085 = arith.constant 0 : i32
        %dma_start3A_1086 = tpu.memref_slice %arg37[%dma_start3A_1084, %dma_start3A_1085] : memref<10000x16xf32, #tpu.memory_space<vmem_shared>> -> memref<10000x16xf32, #tpu.memory_space<vmem_shared>>
        tpu.enqueue_indirect_dma source(%arg34 : memref<125x16xf32, #tpu.memory_space<vmem>>) target(%dma_start3A_1086 : memref<10000x16xf32, #tpu.memory_space<vmem_shared>>) offsets(%dma_start3A_1083 : memref<125xi32, #tpu.memory_space<vmem>>) semaphore(%arg46 : memref<!tpu.dma_semaphore, #tpu.memory_space<semaphore_mem>>) {add = true}
      } else {
      }
      %dma_wait3A_1042 = arith.constant 8 : i32
      %dma_wait3A_1043 = arith.constant 0 : i32
      %dma_wait3A_1044 = tpu.memref_slice %arg29[%dma_wait3A_1042, %dma_wait3A_1043] : memref<10x125xi32, #tpu.memory_space<vmem>> -> memref<1x125xi32, #tpu.memory_space<vmem>>
      %dma_wait3A_1045 = tpu.memref_squeeze %dma_wait3A_1044 : memref<1x125xi32, #tpu.memory_space<vmem>> -> memref<125xi32, #tpu.memory_space<vmem>>
      %dma_wait3A_1046 = arith.constant 0 : i32
      %dma_wait3A_1047 = arith.constant 0 : i32
      %dma_wait3A_1048 = tpu.memref_slice %arg36[%dma_wait3A_1046, %dma_wait3A_1047] : memref<10000x64xf32, #tpu.memory_space<vmem_shared>> -> memref<10000x64xf32, #tpu.memory_space<vmem_shared>>
      tpu.wait_indirect_dma semaphore(%arg42 : memref<!tpu.dma_semaphore, #tpu.memory_space<semaphore_mem>>) src(%arg30 : memref<125x64xf32, #tpu.memory_space<vmem>>) dst(%dma_wait3A_1048 : memref<10000x64xf32, #tpu.memory_space<vmem_shared>>)
      %dma_wait3A_1049 = arith.constant 9 : i32
      %dma_wait3A_1050 = arith.constant 0 : i32
      %dma_wait3A_1051 = tpu.memref_slice %arg29[%dma_wait3A_1049, %dma_wait3A_1050] : memref<10x125xi32, #tpu.memory_space<vmem>> -> memref<1x125xi32, #tpu.memory_space<vmem>>
      %dma_wait3A_1052 = tpu.memref_squeeze %dma_wait3A_1051 : memref<1x125xi32, #tpu.memory_space<vmem>> -> memref<125xi32, #tpu.memory_space<vmem>>
      %dma_wait3A_1053 = arith.constant 0 : i32
      %dma_wait3A_1054 = arith.constant 0 : i32
      %dma_wait3A_1055 = tpu.memref_slice %arg36[%dma_wait3A_1053, %dma_wait3A_1054] : memref<10000x64xf32, #tpu.memory_space<vmem_shared>> -> memref<10000x64xf32, #tpu.memory_space<vmem_shared>>
      tpu.wait_indirect_dma semaphore(%arg43 : memref<!tpu.dma_semaphore, #tpu.memory_space<semaphore_mem>>) src(%arg31 : memref<125x64xf32, #tpu.memory_space<vmem>>) dst(%dma_wait3A_1055 : memref<10000x64xf32, #tpu.memory_space<vmem_shared>>)
      %dma_wait3A_1056 = arith.constant 6 : i32
      %dma_wait3A_1057 = arith.constant 0 : i32
      %dma_wait3A_1058 = tpu.memref_slice %arg29[%dma_wait3A_1056, %dma_wait3A_1057] : memref<10x125xi32, #tpu.memory_space<vmem>> -> memref<1x125xi32, #tpu.memory_space<vmem>>
      %dma_wait3A_1059 = tpu.memref_squeeze %dma_wait3A_1058 : memref<1x125xi32, #tpu.memory_space<vmem>> -> memref<125xi32, #tpu.memory_space<vmem>>
      %dma_wait3A_1060 = arith.constant 0 : i32
      %dma_wait3A_1061 = arith.constant 0 : i32
      %dma_wait3A_1062 = tpu.memref_slice %arg36[%dma_wait3A_1060, %dma_wait3A_1061] : memref<10000x64xf32, #tpu.memory_space<vmem_shared>> -> memref<10000x64xf32, #tpu.memory_space<vmem_shared>>
      tpu.wait_indirect_dma semaphore(%arg44 : memref<!tpu.dma_semaphore, #tpu.memory_space<semaphore_mem>>) src(%arg32 : memref<125x64xf32, #tpu.memory_space<vmem>>) dst(%dma_wait3A_1062 : memref<10000x64xf32, #tpu.memory_space<vmem_shared>>)
      %dma_wait3A_1063 = arith.constant 7 : i32
      %dma_wait3A_1064 = arith.constant 0 : i32
      %dma_wait3A_1065 = tpu.memref_slice %arg29[%dma_wait3A_1063, %dma_wait3A_1064] : memref<10x125xi32, #tpu.memory_space<vmem>> -> memref<1x125xi32, #tpu.memory_space<vmem>>
      %dma_wait3A_1066 = tpu.memref_squeeze %dma_wait3A_1065 : memref<1x125xi32, #tpu.memory_space<vmem>> -> memref<125xi32, #tpu.memory_space<vmem>>
      %dma_wait3A_1067 = arith.constant 0 : i32
      %dma_wait3A_1068 = arith.constant 0 : i32
      %dma_wait3A_1069 = tpu.memref_slice %arg36[%dma_wait3A_1067, %dma_wait3A_1068] : memref<10000x64xf32, #tpu.memory_space<vmem_shared>> -> memref<10000x64xf32, #tpu.memory_space<vmem_shared>>
      tpu.wait_indirect_dma semaphore(%arg45 : memref<!tpu.dma_semaphore, #tpu.memory_space<semaphore_mem>>) src(%arg33 : memref<125x64xf32, #tpu.memory_space<vmem>>) dst(%dma_wait3A_1069 : memref<10000x64xf32, #tpu.memory_space<vmem_shared>>)
      %eq3A_1070 = arith.constant 0 : i32
      %eq3A_1071 = arith.cmpi eq, %arg0, %eq3A_1070 : i32
      %convert_element_type3A_1072 = arith.extui %eq3A_1071 : i1 to i32
      %cond3A_1073 = arith.constant 0 : i32
      %cond3A_1074 = arith.cmpi ne, %convert_element_type3A_1072, %cond3A_1073 : i32
      scf.if %cond3A_1074 {
        %dma_wait3A_1080 = arith.constant 0 : i32
        %dma_wait3A_1081 = tpu.memref_slice %arg29[%squeeze3A_70, %dma_wait3A_1080] : memref<10x125xi32, #tpu.memory_space<vmem>> -> memref<1x125xi32, #tpu.memory_space<vmem>>
        %dma_wait3A_1082 = tpu.memref_squeeze %dma_wait3A_1081 : memref<1x125xi32, #tpu.memory_space<vmem>> -> memref<125xi32, #tpu.memory_space<vmem>>
        %dma_wait3A_1083 = arith.constant 0 : i32
        %dma_wait3A_1084 = arith.constant 0 : i32
        %dma_wait3A_1085 = tpu.memref_slice %arg37[%dma_wait3A_1083, %dma_wait3A_1084] : memref<10000x16xf32, #tpu.memory_space<vmem_shared>> -> memref<10000x16xf32, #tpu.memory_space<vmem_shared>>
        tpu.wait_indirect_dma semaphore(%arg46 : memref<!tpu.dma_semaphore, #tpu.memory_space<semaphore_mem>>) src(%arg34 : memref<125x16xf32, #tpu.memory_space<vmem>>) dst(%dma_wait3A_1085 : memref<10000x16xf32, #tpu.memory_space<vmem_shared>>)
        %dma_wait3A_1086 = arith.constant 0 : i32
        %dma_wait3A_1087 = tpu.memref_slice %arg29[%squeeze3A_75, %dma_wait3A_1086] : memref<10x125xi32, #tpu.memory_space<vmem>> -> memref<1x125xi32, #tpu.memory_space<vmem>>
        %dma_wait3A_1088 = tpu.memref_squeeze %dma_wait3A_1087 : memref<1x125xi32, #tpu.memory_space<vmem>> -> memref<125xi32, #tpu.memory_space<vmem>>
        %dma_wait3A_1089 = arith.constant 0 : i32
        %dma_wait3A_1090 = arith.constant 0 : i32
        %dma_wait3A_1091 = tpu.memref_slice %arg37[%dma_wait3A_1089, %dma_wait3A_1090] : memref<10000x16xf32, #tpu.memory_space<vmem_shared>> -> memref<10000x16xf32, #tpu.memory_space<vmem_shared>>
        tpu.wait_indirect_dma semaphore(%arg46 : memref<!tpu.dma_semaphore, #tpu.memory_space<semaphore_mem>>) src(%arg34 : memref<125x16xf32, #tpu.memory_space<vmem>>) dst(%dma_wait3A_1091 : memref<10000x16xf32, #tpu.memory_space<vmem_shared>>)
        %dma_wait3A_1092 = arith.constant 0 : i32
        %dma_wait3A_1093 = tpu.memref_slice %arg29[%squeeze3A_80, %dma_wait3A_1092] : memref<10x125xi32, #tpu.memory_space<vmem>> -> memref<1x125xi32, #tpu.memory_space<vmem>>
        %dma_wait3A_1094 = tpu.memref_squeeze %dma_wait3A_1093 : memref<1x125xi32, #tpu.memory_space<vmem>> -> memref<125xi32, #tpu.memory_space<vmem>>
        %dma_wait3A_1095 = arith.constant 0 : i32
        %dma_wait3A_1096 = arith.constant 0 : i32
        %dma_wait3A_1097 = tpu.memref_slice %arg37[%dma_wait3A_1095, %dma_wait3A_1096] : memref<10000x16xf32, #tpu.memory_space<vmem_shared>> -> memref<10000x16xf32, #tpu.memory_space<vmem_shared>>
        tpu.wait_indirect_dma semaphore(%arg46 : memref<!tpu.dma_semaphore, #tpu.memory_space<semaphore_mem>>) src(%arg34 : memref<125x16xf32, #tpu.memory_space<vmem>>) dst(%dma_wait3A_1097 : memref<10000x16xf32, #tpu.memory_space<vmem_shared>>)
        %dma_wait3A_1098 = arith.constant 0 : i32
        %dma_wait3A_1099 = tpu.memref_slice %arg29[%squeeze3A_85, %dma_wait3A_1098] : memref<10x125xi32, #tpu.memory_space<vmem>> -> memref<1x125xi32, #tpu.memory_space<vmem>>
        %dma_wait3A_1100 = tpu.memref_squeeze %dma_wait3A_1099 : memref<1x125xi32, #tpu.memory_space<vmem>> -> memref<125xi32, #tpu.memory_space<vmem>>
        %dma_wait3A_1101 = arith.constant 0 : i32
        %dma_wait3A_1102 = arith.constant 0 : i32
        %dma_wait3A_1103 = tpu.memref_slice %arg37[%dma_wait3A_1101, %dma_wait3A_1102] : memref<10000x16xf32, #tpu.memory_space<vmem_shared>> -> memref<10000x16xf32, #tpu.memory_space<vmem_shared>>
        tpu.wait_indirect_dma semaphore(%arg46 : memref<!tpu.dma_semaphore, #tpu.memory_space<semaphore_mem>>) src(%arg34 : memref<125x16xf32, #tpu.memory_space<vmem>>) dst(%dma_wait3A_1103 : memref<10000x16xf32, #tpu.memory_space<vmem_shared>>)
        %dma_wait3A_1104 = arith.constant 0 : i32
        %dma_wait3A_1105 = tpu.memref_slice %arg29[%squeeze3A_90, %dma_wait3A_1104] : memref<10x125xi32, #tpu.memory_space<vmem>> -> memref<1x125xi32, #tpu.memory_space<vmem>>
        %dma_wait3A_1106 = tpu.memref_squeeze %dma_wait3A_1105 : memref<1x125xi32, #tpu.memory_space<vmem>> -> memref<125xi32, #tpu.memory_space<vmem>>
        %dma_wait3A_1107 = arith.constant 0 : i32
        %dma_wait3A_1108 = arith.constant 0 : i32
        %dma_wait3A_1109 = tpu.memref_slice %arg37[%dma_wait3A_1107, %dma_wait3A_1108] : memref<10000x16xf32, #tpu.memory_space<vmem_shared>> -> memref<10000x16xf32, #tpu.memory_space<vmem_shared>>
        tpu.wait_indirect_dma semaphore(%arg46 : memref<!tpu.dma_semaphore, #tpu.memory_space<semaphore_mem>>) src(%arg34 : memref<125x16xf32, #tpu.memory_space<vmem>>) dst(%dma_wait3A_1109 : memref<10000x16xf32, #tpu.memory_space<vmem_shared>>)
      } else {
      }
      %eq3A_1075 = arith.constant 1 : i32
      %eq3A_1076 = arith.cmpi eq, %arg0, %eq3A_1075 : i32
      %convert_element_type3A_1077 = arith.extui %eq3A_1076 : i1 to i32
      %cond3A_1078 = arith.constant 0 : i32
      %cond3A_1079 = arith.cmpi ne, %convert_element_type3A_1077, %cond3A_1078 : i32
      scf.if %cond3A_1079 {
        %dma_wait3A_1080 = arith.constant 0 : i32
        %dma_wait3A_1081 = tpu.memref_slice %arg29[%squeeze3A_95, %dma_wait3A_1080] : memref<10x125xi32, #tpu.memory_space<vmem>> -> memref<1x125xi32, #tpu.memory_space<vmem>>
        %dma_wait3A_1082 = tpu.memref_squeeze %dma_wait3A_1081 : memref<1x125xi32, #tpu.memory_space<vmem>> -> memref<125xi32, #tpu.memory_space<vmem>>
        %dma_wait3A_1083 = arith.constant 0 : i32
        %dma_wait3A_1084 = arith.constant 0 : i32
        %dma_wait3A_1085 = tpu.memref_slice %arg37[%dma_wait3A_1083, %dma_wait3A_1084] : memref<10000x16xf32, #tpu.memory_space<vmem_shared>> -> memref<10000x16xf32, #tpu.memory_space<vmem_shared>>
        tpu.wait_indirect_dma semaphore(%arg46 : memref<!tpu.dma_semaphore, #tpu.memory_space<semaphore_mem>>) src(%arg34 : memref<125x16xf32, #tpu.memory_space<vmem>>) dst(%dma_wait3A_1085 : memref<10000x16xf32, #tpu.memory_space<vmem_shared>>)
        %dma_wait3A_1086 = arith.constant 0 : i32
        %dma_wait3A_1087 = tpu.memref_slice %arg29[%squeeze3A_100, %dma_wait3A_1086] : memref<10x125xi32, #tpu.memory_space<vmem>> -> memref<1x125xi32, #tpu.memory_space<vmem>>
        %dma_wait3A_1088 = tpu.memref_squeeze %dma_wait3A_1087 : memref<1x125xi32, #tpu.memory_space<vmem>> -> memref<125xi32, #tpu.memory_space<vmem>>
        %dma_wait3A_1089 = arith.constant 0 : i32
        %dma_wait3A_1090 = arith.constant 0 : i32
        %dma_wait3A_1091 = tpu.memref_slice %arg37[%dma_wait3A_1089, %dma_wait3A_1090] : memref<10000x16xf32, #tpu.memory_space<vmem_shared>> -> memref<10000x16xf32, #tpu.memory_space<vmem_shared>>
        tpu.wait_indirect_dma semaphore(%arg46 : memref<!tpu.dma_semaphore, #tpu.memory_space<semaphore_mem>>) src(%arg34 : memref<125x16xf32, #tpu.memory_space<vmem>>) dst(%dma_wait3A_1091 : memref<10000x16xf32, #tpu.memory_space<vmem_shared>>)
        %dma_wait3A_1092 = arith.constant 0 : i32
        %dma_wait3A_1093 = tpu.memref_slice %arg29[%squeeze3A_105, %dma_wait3A_1092] : memref<10x125xi32, #tpu.memory_space<vmem>> -> memref<1x125xi32, #tpu.memory_space<vmem>>
        %dma_wait3A_1094 = tpu.memref_squeeze %dma_wait3A_1093 : memref<1x125xi32, #tpu.memory_space<vmem>> -> memref<125xi32, #tpu.memory_space<vmem>>
        %dma_wait3A_1095 = arith.constant 0 : i32
        %dma_wait3A_1096 = arith.constant 0 : i32
        %dma_wait3A_1097 = tpu.memref_slice %arg37[%dma_wait3A_1095, %dma_wait3A_1096] : memref<10000x16xf32, #tpu.memory_space<vmem_shared>> -> memref<10000x16xf32, #tpu.memory_space<vmem_shared>>
        tpu.wait_indirect_dma semaphore(%arg46 : memref<!tpu.dma_semaphore, #tpu.memory_space<semaphore_mem>>) src(%arg34 : memref<125x16xf32, #tpu.memory_space<vmem>>) dst(%dma_wait3A_1097 : memref<10000x16xf32, #tpu.memory_space<vmem_shared>>)
        %dma_wait3A_1098 = arith.constant 0 : i32
        %dma_wait3A_1099 = tpu.memref_slice %arg29[%squeeze3A_110, %dma_wait3A_1098] : memref<10x125xi32, #tpu.memory_space<vmem>> -> memref<1x125xi32, #tpu.memory_space<vmem>>
        %dma_wait3A_1100 = tpu.memref_squeeze %dma_wait3A_1099 : memref<1x125xi32, #tpu.memory_space<vmem>> -> memref<125xi32, #tpu.memory_space<vmem>>
        %dma_wait3A_1101 = arith.constant 0 : i32
        %dma_wait3A_1102 = arith.constant 0 : i32
        %dma_wait3A_1103 = tpu.memref_slice %arg37[%dma_wait3A_1101, %dma_wait3A_1102] : memref<10000x16xf32, #tpu.memory_space<vmem_shared>> -> memref<10000x16xf32, #tpu.memory_space<vmem_shared>>
        tpu.wait_indirect_dma semaphore(%arg46 : memref<!tpu.dma_semaphore, #tpu.memory_space<semaphore_mem>>) src(%arg34 : memref<125x16xf32, #tpu.memory_space<vmem>>) dst(%dma_wait3A_1103 : memref<10000x16xf32, #tpu.memory_space<vmem_shared>>)
        %dma_wait3A_1104 = arith.constant 0 : i32
        %dma_wait3A_1105 = tpu.memref_slice %arg29[%squeeze3A_115, %dma_wait3A_1104] : memref<10x125xi32, #tpu.memory_space<vmem>> -> memref<1x125xi32, #tpu.memory_space<vmem>>
        %dma_wait3A_1106 = tpu.memref_squeeze %dma_wait3A_1105 : memref<1x125xi32, #tpu.memory_space<vmem>> -> memref<125xi32, #tpu.memory_space<vmem>>
        %dma_wait3A_1107 = arith.constant 0 : i32
        %dma_wait3A_1108 = arith.constant 0 : i32
        %dma_wait3A_1109 = tpu.memref_slice %arg37[%dma_wait3A_1107, %dma_wait3A_1108] : memref<10000x16xf32, #tpu.memory_space<vmem_shared>> -> memref<10000x16xf32, #tpu.memory_space<vmem_shared>>
        tpu.wait_indirect_dma semaphore(%arg46 : memref<!tpu.dma_semaphore, #tpu.memory_space<semaphore_mem>>) src(%arg34 : memref<125x16xf32, #tpu.memory_space<vmem>>) dst(%dma_wait3A_1109 : memref<10000x16xf32, #tpu.memory_space<vmem_shared>>)
      } else {
      }
    }
    %scan3A_147 = arith.constant 8 : i32
    %dma_wait3A = arith.constant 0 : i32
    %dma_wait3A_148 = arith.constant 0 : i32
    %dma_wait3A_149 = tpu.memref_slice %arg3[%dma_wait3A, %mul3A_128, %dma_wait3A_148] : memref<2x2560x125xi32, #tpu.memory_space<hbm>> -> memref<1x10x125xi32, #tpu.memory_space<hbm>>
    %dma_wait3A_150 = tpu.memref_squeeze %dma_wait3A_149 : memref<1x10x125xi32, #tpu.memory_space<hbm>> -> memref<10x125xi32, #tpu.memory_space<hbm>>
    %dma_wait3A_151 = arith.constant 0 : i32
    %dma_wait3A_152 = tpu.memref_slice %arg3[%dma_wait3A, %mul3A_128, %dma_wait3A_151] : memref<2x2560x125xi32, #tpu.memory_space<hbm>> -> memref<1x10x125xi32, #tpu.memory_space<hbm>>
    %dma_wait3A_153 = tpu.memref_squeeze %dma_wait3A_152 : memref<1x10x125xi32, #tpu.memory_space<hbm>> -> memref<10x125xi32, #tpu.memory_space<hbm>>
    tpu.wait_dma2 semaphore(%arg47 : memref<!tpu.dma_semaphore, #tpu.memory_space<semaphore_mem>>) src(%dma_wait3A_153 : memref<10x125xi32, #tpu.memory_space<hbm>>) dst(%arg26 : memref<10x125xi32, #tpu.memory_space<vmem>>)
    %dma_wait3A_154 = arith.constant 1 : i32
    %dma_wait3A_155 = arith.constant 0 : i32
    %dma_wait3A_156 = tpu.memref_slice %arg3[%dma_wait3A_154, %mul3A_128, %dma_wait3A_155] : memref<2x2560x125xi32, #tpu.memory_space<hbm>> -> memref<1x10x125xi32, #tpu.memory_space<hbm>>
    %dma_wait3A_157 = tpu.memref_squeeze %dma_wait3A_156 : memref<1x10x125xi32, #tpu.memory_space<hbm>> -> memref<10x125xi32, #tpu.memory_space<hbm>>
    %dma_wait3A_158 = arith.constant 0 : i32
    %dma_wait3A_159 = tpu.memref_slice %arg3[%dma_wait3A_154, %mul3A_128, %dma_wait3A_158] : memref<2x2560x125xi32, #tpu.memory_space<hbm>> -> memref<1x10x125xi32, #tpu.memory_space<hbm>>
    %dma_wait3A_160 = tpu.memref_squeeze %dma_wait3A_159 : memref<1x10x125xi32, #tpu.memory_space<hbm>> -> memref<10x125xi32, #tpu.memory_space<hbm>>
    tpu.wait_dma2 semaphore(%arg47 : memref<!tpu.dma_semaphore, #tpu.memory_space<semaphore_mem>>) src(%dma_wait3A_160 : memref<10x125xi32, #tpu.memory_space<hbm>>) dst(%arg27 : memref<10x125xi32, #tpu.memory_space<vmem>>)
    %mul3A_161 = arith.constant 625 : i32
    %mul3A_162 = arith.muli %arg1, %mul3A_161 : i32
    "tpu.region"() ({
      %run_scoped3A = tpu.sem_alloc : memref<!tpu.dma_semaphore, #tpu.memory_space<semaphore_mem>>
      %dma_start3A_163 = arith.constant 0 : i32
      %dma_start3A_164 = tpu.memref_slice %arg24[%arg0, %mul3A_162, %dma_start3A_163] : memref<2x10000x64xf32, #tpu.memory_space<hbm>> -> memref<1x625x64xf32, #tpu.memory_space<hbm>>
      %dma_start3A_165 = tpu.memref_squeeze %dma_start3A_164 : memref<1x625x64xf32, #tpu.memory_space<hbm>> -> memref<625x64xf32, #tpu.memory_space<hbm>>
      %dma_start3A_166 = arith.constant 0 : i32
      %dma_start3A_167 = tpu.memref_slice %arg36[%mul3A_162, %dma_start3A_166] : memref<10000x64xf32, #tpu.memory_space<vmem_shared>> -> memref<625x64xf32, #tpu.memory_space<vmem_shared>>
      tpu.enqueue_dma source(%dma_start3A_167 : memref<625x64xf32, #tpu.memory_space<vmem_shared>>) target(%dma_start3A_165 : memref<625x64xf32, #tpu.memory_space<hbm>>) target_semaphore(%run_scoped3A : memref<!tpu.dma_semaphore, #tpu.memory_space<semaphore_mem>>)
      %dma_wait3A_168 = arith.constant 0 : i32
      %dma_wait3A_169 = tpu.memref_slice %arg24[%arg0, %mul3A_162, %dma_wait3A_168] : memref<2x10000x64xf32, #tpu.memory_space<hbm>> -> memref<1x625x64xf32, #tpu.memory_space<hbm>>
      %dma_wait3A_170 = tpu.memref_squeeze %dma_wait3A_169 : memref<1x625x64xf32, #tpu.memory_space<hbm>> -> memref<625x64xf32, #tpu.memory_space<hbm>>
      %dma_wait3A_171 = arith.constant 0 : i32
      %dma_wait3A_172 = tpu.memref_slice %arg36[%mul3A_162, %dma_wait3A_171] : memref<10000x64xf32, #tpu.memory_space<vmem_shared>> -> memref<625x64xf32, #tpu.memory_space<vmem_shared>>
      tpu.wait_dma2 semaphore(%run_scoped3A : memref<!tpu.dma_semaphore, #tpu.memory_space<semaphore_mem>>) src(%dma_wait3A_172 : memref<625x64xf32, #tpu.memory_space<vmem_shared>>) dst(%dma_wait3A_170 : memref<625x64xf32, #tpu.memory_space<hbm>>)
      tpu.yield
    }) : () -> ()
    "tpu.region"() ({
      %run_scoped3A = tpu.sem_alloc : memref<!tpu.dma_semaphore, #tpu.memory_space<semaphore_mem>>
      %dma_start3A_163 = arith.constant 0 : i32
      %dma_start3A_164 = tpu.memref_slice %arg25[%arg0, %mul3A_162, %dma_start3A_163] : memref<2x10000x16xf32, #tpu.memory_space<hbm>> -> memref<1x625x16xf32, #tpu.memory_space<hbm>>
      %dma_start3A_165 = tpu.memref_squeeze %dma_start3A_164 : memref<1x625x16xf32, #tpu.memory_space<hbm>> -> memref<625x16xf32, #tpu.memory_space<hbm>>
      %dma_start3A_166 = arith.constant 0 : i32
      %dma_start3A_167 = tpu.memref_slice %arg37[%mul3A_162, %dma_start3A_166] : memref<10000x16xf32, #tpu.memory_space<vmem_shared>> -> memref<625x16xf32, #tpu.memory_space<vmem_shared>>
      tpu.enqueue_dma source(%dma_start3A_167 : memref<625x16xf32, #tpu.memory_space<vmem_shared>>) target(%dma_start3A_165 : memref<625x16xf32, #tpu.memory_space<hbm>>) target_semaphore(%run_scoped3A : memref<!tpu.dma_semaphore, #tpu.memory_space<semaphore_mem>>)
      %dma_wait3A_168 = arith.constant 0 : i32
      %dma_wait3A_169 = tpu.memref_slice %arg25[%arg0, %mul3A_162, %dma_wait3A_168] : memref<2x10000x16xf32, #tpu.memory_space<hbm>> -> memref<1x625x16xf32, #tpu.memory_space<hbm>>
      %dma_wait3A_170 = tpu.memref_squeeze %dma_wait3A_169 : memref<1x625x16xf32, #tpu.memory_space<hbm>> -> memref<625x16xf32, #tpu.memory_space<hbm>>
      %dma_wait3A_171 = arith.constant 0 : i32
      %dma_wait3A_172 = tpu.memref_slice %arg37[%mul3A_162, %dma_wait3A_171] : memref<10000x16xf32, #tpu.memory_space<vmem_shared>> -> memref<625x16xf32, #tpu.memory_space<vmem_shared>>
      tpu.wait_dma2 semaphore(%run_scoped3A : memref<!tpu.dma_semaphore, #tpu.memory_space<semaphore_mem>>) src(%dma_wait3A_172 : memref<625x16xf32, #tpu.memory_space<vmem_shared>>) dst(%dma_wait3A_170 : memref<625x16xf32, #tpu.memory_space<hbm>>)
      tpu.yield
    }) : () -> ()
    return
  }
}

module attributes {stable_mosaic.version = 14 : i64} {
  func.func @body(%arg0: i32, %arg1: memref<2000x128xf32, #tpu.memory_space<vmem>>, %arg2: memref<2x2000x64xf32, #tpu.memory_space<vmem>>, %arg3: memref<2x2000x16xf32, #tpu.memory_space<vmem>>, %arg4: memref<128x128xf32, #tpu.memory_space<vmem>>, %arg5: memref<128x128xf32, #tpu.memory_space<vmem>>, %arg6: memref<1x128xf32, #tpu.memory_space<vmem>>, %arg7: memref<1x128xf32, #tpu.memory_space<vmem>>, %arg8: memref<1x128xf32, #tpu.memory_space<vmem>>, %arg9: memref<2000x128xf32, #tpu.memory_space<vmem>>) attributes {dimension_semantics = [#tpu.dimension_semantics<arbitrary>], iteration_bounds = array<i64: 5>, scalar_prefetch = 0 : i64, scratch_operands = 0 : i64, tpu.core_type = #tpu.core_type<tc>, window_params = [{transform_indices = @transform_0, window_bounds = array<i64: 2000, 128>}, {transform_indices = @transform_1, window_bounds = array<i64: 2, 2000, 64>}, {transform_indices = @transform_2, window_bounds = array<i64: 2, 2000, 16>}, {pipeline_mode = #tpu.pipeline_mode<synchronous>, transform_indices = @transform_3, window_bounds = array<i64: 128, 128>}, {pipeline_mode = #tpu.pipeline_mode<synchronous>, transform_indices = @transform_4, window_bounds = array<i64: 128, 128>}, {pipeline_mode = #tpu.pipeline_mode<synchronous>, transform_indices = @transform_5, window_bounds = array<i64: 1, 128>}, {pipeline_mode = #tpu.pipeline_mode<synchronous>, transform_indices = @transform_6, window_bounds = array<i64: 1, 128>}, {pipeline_mode = #tpu.pipeline_mode<synchronous>, transform_indices = @transform_7, window_bounds = array<i64: 1, 128>}, {transform_indices = @transform_8, window_bounds = array<i64: 2000, 128>}]} {
    %get3A = arith.constant 0 : index
    %get3A_0 = arith.constant 0 : index
    %get3A_1 = vector.load %arg1[%get3A, %get3A_0] : memref<2000x128xf32, #tpu.memory_space<vmem>>, vector<2000x128xf32>
    %get3A_2 = arith.constant 0 : index
    %get3A_3 = arith.constant 0 : index
    %get3A_4 = arith.constant 0 : index
    %get3A_5 = vector.load %arg2[%get3A_2, %get3A_3, %get3A_4] : memref<2x2000x64xf32, #tpu.memory_space<vmem>>, vector<1x2000x64xf32>
    %get3A_6 = vector.shape_cast %get3A_5 : vector<1x2000x64xf32> to vector<2000x64xf32>
    %get3A_7 = arith.constant 1 : index
    %get3A_8 = arith.constant 0 : index
    %get3A_9 = arith.constant 0 : index
    %get3A_10 = vector.load %arg2[%get3A_7, %get3A_8, %get3A_9] : memref<2x2000x64xf32, #tpu.memory_space<vmem>>, vector<1x2000x64xf32>
    %get3A_11 = vector.shape_cast %get3A_10 : vector<1x2000x64xf32> to vector<2000x64xf32>
    %concatenate3A = tpu.concatenate %get3A_6, %get3A_11 in 1 : vector<2000x64xf32>, vector<2000x64xf32> -> vector<2000x128xf32>
    %get3A_12 = arith.constant 0 : index
    %get3A_13 = arith.constant 0 : index
    %get3A_14 = arith.constant 0 : index
    %get3A_15 = vector.load %arg3[%get3A_12, %get3A_13, %get3A_14] : memref<2x2000x16xf32, #tpu.memory_space<vmem>>, vector<1x2000x1xf32>
    %get3A_16 = vector.shape_cast %get3A_15 : vector<1x2000x1xf32> to vector<2000x1xf32>
    %get3A_17 = arith.constant 1 : index
    %get3A_18 = arith.constant 0 : index
    %get3A_19 = arith.constant 0 : index
    %get3A_20 = vector.load %arg3[%get3A_17, %get3A_18, %get3A_19] : memref<2x2000x16xf32, #tpu.memory_space<vmem>>, vector<1x2000x1xf32>
    %get3A_21 = vector.shape_cast %get3A_20 : vector<1x2000x1xf32> to vector<2000x1xf32>
    %add3A = arith.addf %get3A_16, %get3A_21 : vector<2000x1xf32>
    %max3A = arith.constant 1.000000e+00 : f32
    %max3A_22 = vector.broadcast %max3A : f32 to vector<2000x1xf32>
    %max3A_23 = arith.maximumf %add3A, %max3A_22 : vector<2000x1xf32>
    %div3A = vector.broadcast %max3A_23 : vector<2000x1xf32> to vector<2000x128xf32>
    %div3A_24 = arith.divf %concatenate3A, %div3A : vector<2000x128xf32>
    %get3A_25 = arith.constant 0 : index
    %get3A_26 = arith.constant 0 : index
    %get3A_27 = vector.load %arg4[%get3A_25, %get3A_26] : memref<128x128xf32, #tpu.memory_space<vmem>>, vector<128x128xf32>
    %dot_general3A = arith.constant dense<0.000000e+00> : vector<2000x128xf32>
    %dot_general3A_28 = tpu.matmul %get3A_1, %get3A_27, %dot_general3A {dimension_numbers = #tpu.dot_dimension_numbers<[1], [0], [0], [1], [0, 0, 1, 1], [], []>, transpose_lhs_hint = false} : vector<2000x128xf32>, vector<128x128xf32>, vector<2000x128xf32> -> vector<2000x128xf32>
    %get3A_29 = arith.constant 0 : index
    %get3A_30 = arith.constant 0 : index
    %get3A_31 = vector.load %arg5[%get3A_29, %get3A_30] : memref<128x128xf32, #tpu.memory_space<vmem>>, vector<128x128xf32>
    %dot_general3A_32 = arith.constant dense<0.000000e+00> : vector<2000x128xf32>
    %dot_general3A_33 = tpu.matmul %div3A_24, %get3A_31, %dot_general3A_32 {dimension_numbers = #tpu.dot_dimension_numbers<[1], [0], [0], [1], [0, 0, 1, 1], [], []>, transpose_lhs_hint = false} : vector<2000x128xf32>, vector<128x128xf32>, vector<2000x128xf32> -> vector<2000x128xf32>
    %add3A_34 = arith.addf %dot_general3A_28, %dot_general3A_33 : vector<2000x128xf32>
    %get3A_35 = arith.constant 0 : index
    %get3A_36 = arith.constant 0 : index
    %get3A_37 = vector.load %arg6[%get3A_35, %get3A_36] : memref<1x128xf32, #tpu.memory_space<vmem>>, vector<1x128xf32>
    %add3A_38 = vector.broadcast %get3A_37 : vector<1x128xf32> to vector<2000x128xf32>
    %add3A_39 = arith.addf %add3A_34, %add3A_38 : vector<2000x128xf32>
    %reduce_sum3A = arith.constant dense<0.000000e+00> : vector<2000xf32>
    %reduce_sum3A_40 = vector.multi_reduction <add>, %add3A_39, %reduce_sum3A [1] : vector<2000x128xf32> to vector<2000xf32>
    %broadcast_in_dim3A = vector.shape_cast %reduce_sum3A_40 : vector<2000xf32> to vector<2000x1xf32>
    %div3A_41 = arith.constant 1.280000e+02 : f32
    %div3A_42 = vector.broadcast %div3A_41 : f32 to vector<2000x1xf32>
    %div3A_43 = arith.divf %broadcast_in_dim3A, %div3A_42 : vector<2000x1xf32>
    %sub3A = vector.broadcast %div3A_43 : vector<2000x1xf32> to vector<2000x128xf32>
    %sub3A_44 = arith.subf %add3A_39, %sub3A : vector<2000x128xf32>
    %sub3A_45 = vector.broadcast %div3A_43 : vector<2000x1xf32> to vector<2000x128xf32>
    %sub3A_46 = arith.subf %add3A_39, %sub3A_45 : vector<2000x128xf32>
    %mul3A = arith.mulf %sub3A_44, %sub3A_46 : vector<2000x128xf32>
    %reduce_sum3A_47 = arith.constant dense<0.000000e+00> : vector<2000xf32>
    %reduce_sum3A_48 = vector.multi_reduction <add>, %mul3A, %reduce_sum3A_47 [1] : vector<2000x128xf32> to vector<2000xf32>
    %broadcast_in_dim3A_49 = vector.shape_cast %reduce_sum3A_48 : vector<2000xf32> to vector<2000x1xf32>
    %div3A_50 = arith.constant 1.280000e+02 : f32
    %div3A_51 = vector.broadcast %div3A_50 : f32 to vector<2000x1xf32>
    %div3A_52 = arith.divf %broadcast_in_dim3A_49, %div3A_51 : vector<2000x1xf32>
    %sub3A_53 = vector.broadcast %div3A_43 : vector<2000x1xf32> to vector<2000x128xf32>
    %sub3A_54 = arith.subf %add3A_39, %sub3A_53 : vector<2000x128xf32>
    %add3A_55 = arith.constant 9.99999974E-6 : f32
    %add3A_56 = vector.broadcast %add3A_55 : f32 to vector<2000x1xf32>
    %add3A_57 = arith.addf %div3A_52, %add3A_56 : vector<2000x1xf32>
    %rsqrt3A = math.rsqrt %add3A_57 : vector<2000x1xf32>
    %mul3A_58 = vector.broadcast %rsqrt3A : vector<2000x1xf32> to vector<2000x128xf32>
    %mul3A_59 = arith.mulf %sub3A_54, %mul3A_58 : vector<2000x128xf32>
    %get3A_60 = arith.constant 0 : index
    %get3A_61 = arith.constant 0 : index
    %get3A_62 = vector.load %arg7[%get3A_60, %get3A_61] : memref<1x128xf32, #tpu.memory_space<vmem>>, vector<1x128xf32>
    %mul3A_63 = vector.broadcast %get3A_62 : vector<1x128xf32> to vector<2000x128xf32>
    %mul3A_64 = arith.mulf %mul3A_59, %mul3A_63 : vector<2000x128xf32>
    %get3A_65 = arith.constant 0 : index
    %get3A_66 = arith.constant 0 : index
    %get3A_67 = vector.load %arg8[%get3A_65, %get3A_66] : memref<1x128xf32, #tpu.memory_space<vmem>>, vector<1x128xf32>
    %add3A_68 = vector.broadcast %get3A_67 : vector<1x128xf32> to vector<2000x128xf32>
    %add3A_69 = arith.addf %mul3A_64, %add3A_68 : vector<2000x128xf32>
    %max3A_70 = arith.constant 0.000000e+00 : f32
    %max3A_71 = vector.broadcast %max3A_70 : f32 to vector<2000x128xf32>
    %max3A_72 = arith.maximumf %add3A_69, %max3A_71 : vector<2000x128xf32>
    %add3A_73 = arith.addf %max3A_72, %get3A_1 : vector<2000x128xf32>
    %swap3A = arith.constant 0 : index
    %swap3A_74 = arith.constant 0 : index
    %swap3A_75 = vector.load %arg9[%swap3A, %swap3A_74] : memref<2000x128xf32, #tpu.memory_space<vmem>>, vector<2000x128xf32>
    tpu.vector_store %arg9[%swap3A, %swap3A_74], %add3A_73 {strides = array<i32>} : memref<2000x128xf32, #tpu.memory_space<vmem>>, vector<2000x128xf32>,
    return
  }
  func.func @transform_0(%arg0: i32) -> (i32, i32) {
    %c0_i32 = arith.constant 0 : i32
    %c0_i32_0 = arith.constant 0 : i32
    return %arg0, %c0_i32 : i32, i32
  }
  func.func @transform_1(%arg0: i32) -> (i32, i32, i32) {
    %c0_i32 = arith.constant 0 : i32
    %c0_i32_0 = arith.constant 0 : i32
    %c0_i32_1 = arith.constant 0 : i32
    return %c0_i32, %arg0, %c0_i32_0 : i32, i32, i32
  }
  func.func @transform_2(%arg0: i32) -> (i32, i32, i32) {
    %c0_i32 = arith.constant 0 : i32
    %c0_i32_0 = arith.constant 0 : i32
    %c0_i32_1 = arith.constant 0 : i32
    return %c0_i32, %arg0, %c0_i32_0 : i32, i32, i32
  }
  func.func @transform_3(%arg0: i32) -> (i32, i32) {
    %c0_i32 = arith.constant 0 : i32
    %c0_i32_0 = arith.constant 0 : i32
    %c0_i32_1 = arith.constant 0 : i32
    return %c0_i32, %c0_i32_0 : i32, i32
  }
  func.func @transform_4(%arg0: i32) -> (i32, i32) {
    %c0_i32 = arith.constant 0 : i32
    %c0_i32_0 = arith.constant 0 : i32
    %c0_i32_1 = arith.constant 0 : i32
    return %c0_i32, %c0_i32_0 : i32, i32
  }
  func.func @transform_5(%arg0: i32) -> (i32, i32) {
    %c0_i32 = arith.constant 0 : i32
    %c0_i32_0 = arith.constant 0 : i32
    %c0_i32_1 = arith.constant 0 : i32
    return %c0_i32, %c0_i32_0 : i32, i32
  }
  func.func @transform_6(%arg0: i32) -> (i32, i32) {
    %c0_i32 = arith.constant 0 : i32
    %c0_i32_0 = arith.constant 0 : i32
    %c0_i32_1 = arith.constant 0 : i32
    return %c0_i32, %c0_i32_0 : i32, i32
  }
  func.func @transform_7(%arg0: i32) -> (i32, i32) {
    %c0_i32 = arith.constant 0 : i32
    %c0_i32_0 = arith.constant 0 : i32
    %c0_i32_1 = arith.constant 0 : i32
    return %c0_i32, %c0_i32_0 : i32, i32
  }
  func.func @transform_8(%arg0: i32) -> (i32, i32) {
    %c0_i32 = arith.constant 0 : i32
    %c0_i32_0 = arith.constant 0 : i32
    return %arg0, %c0_i32 : i32, i32
  }
}

</mosaic_0001>

<sc_bundles>
// kernel: kernel.4.cloned.1.call-start
scs
__scs_entry_jumppad:
0x0: {  	(pc) =	sbr.rel $0x88, $3  }
0x1: {  	(tag) =	ssettag $0x0;
	lr =	simm.s32 $0x1  }
0x2: {  	[smem:$0x3F86] =	sst lr;
	_ =	strace $0xD0000000  }
0x3: {  	_ = 	snop  }
0x4: {  	_ = 	snop  }
0x5: {  	_ = 	snop  }
0x6: {  	_ = 	snop  }
0x7: {  	_ = 	snop  }
__scs_overlays_trampoline_lowered:
0x8: {  	[smem:$0x3F95] =	sst s0  }
0x9: {  	[smem:$0x3F96] =	sst s1  }
0xa: {  	[smem:$0x3F97] =	sst s2  }
0xb: {  	[smem:$0x3F98] =	sst s3  }
0xc: {  	[smem:$0x3F99] =	sst s4  }
0xd: {  	[smem:$0x3F9A] =	sst s5  }
0xe: {  	[smem:$0x3F9B] =	sst s6  }
0xf: {  	[smem:$0x3F9C] =	sst s7  }
0x10: {  	[smem:$0x3F9D] =	sst s8  }
0x11: {  	[smem:$0x3F9E] =	sst s9;
	s0 =	simm.s32 @!p0 $0x0  }
0x12: {  	s1 =	sld [smem:$0x3F84];
	s0 =	simm.s32 @p0 $0x1  }
0x13: {  	[smem:$0x3F9F] =	sst s0;
	s0 =	simm.s32 @!p1 $0x0  }
0x14: {  	s2 =	sld [smem:$0x3F83];
	s0 =	simm.s32 @p1 $0x1  }
0x15: {  	[smem:$0x3FA0] =	sst s0;
	s0 =	simm.s32 @!p2 $0x0  }
0x16: {  	s3 =	sld [smem:$0x3FDB];
	s0 =	simm.s32 @p2 $0x1  }
0x17: {  	s4 =	simm.s32 $0x1BF5;
	[smem:$0x3FA2] =	sst s0  }
0x18: {  	s0 =	sld [smem:$0x3F85];
	_ =	swait.ge [sflag:s4], $0x0  }
0x19: {  	s7 =	sld [smem:$0x3F86]  }
0x1a: {  	s8 =	sadd.s32 $0xFFFFE003, lr  }
0x1b: {  	s9 =	sadd.s32 $0xFFFFFEF7, lr;
	s5 =	simm.s32 $0xFFFFFFFF;
	p2 =	slt.u32 s8, $0xFFFFF086  }
0x1c: {  	p1 =	slt.u32 s9, $0xF7A;
	s5 =	simm.s32 @!p2 $0x0  }
0x1d: {  	s5 =	simm.s32 @p1 $0x1;
	p0 =	seq.s32 s7, s2  }
0x1e: {  	s7 =	smul.u32 @!p0 $0xF7A, s2;
	p2 =	seq.s32 @!p0 s5, $0x0  }
0x1f: {  	s9 =	smul.u32 $0xF7A, s1;
	s8 =	simm.s32 @!p0 $0x1BF5;
	p2 =	por !p2, p0  }
0x20: {  	[sflag:s8] =	ssyncset.s32 @!p0 $0xFFFFF086;
	s6 =	sadd.s32 @!p0 s3, s7;
	s7 =	simm.s32 @!p0 $0x108  }
0x21: {  	s3 =	sadd.s32 s3, s9;
	s6 =	sadd.s32 @!p0 $0x88, s6;
	s7 =	simm.s32 @p2 $0x1082  }
0x22: {  	[simem:s7], [sflag:s8] =	dma.local @!p0 [hbm:s6], $0xF7A  }
0x23: {  	s9 =	sor.u32 $0xD0000000, s2;
	s6 =	simm.s32 $0x108;
	_ =	swait.ge @!p0 [sflag:s8], $0x0  }
0x24: {  	s3 =	sadd.s32 $0x88, s3;
	s6 =	simm.s32 @!p1 $0x1082;
	[sflag:s4] =	ssyncset.s32 $0xFFFFF086  }
0x25: {  	[simem:s6], [sflag:s4] =	dma.local [hbm:s3], $0xF7A  }
0x26: {  	[smem:$0x3F86] =	sst s1;
	(tag) =	ssettag s2;
	_ =	strace s9  }
0x27: {  	s1 =	sld [smem:$0x3F96]  }
0x28: {  	s2 =	sld [smem:$0x3F97]  }
0x29: {  	s4 =	sld [smem:$0x3F99]  }
0x2a: {  	p0 =	seq.s32 s5, $0x0;
	s5 =	sld [smem:$0x3F9A]  }
0x2b: {  	s6 =	sld [smem:$0x3F9B]  }
0x2c: {  	s7 =	sld [smem:$0x3F9C]  }
0x2d: {  	s3 =	simm.s32 $0x108;
	s8 =	sld [smem:$0x3F9D]  }
0x2e: {  	s3 =	simm.s32 @!p0 $0x1082;
	s9 =	sld [smem:$0x3F9E]  }
0x2f: {  	lr =	sadd.s32 s0, s3;
	s0 =	sld [smem:$0x3F95]  }
0x30: {  	s3 =	sld [smem:$0x3F98]  }
0x31: {  	[smem:$0x3FA1] =	sst s10  }
0x32: {  	s10 =	sld [smem:$0x3F9F];
	_ =	sdelay $0x3  }
0x33: {  	p0 =	seq.s32 s10, $0x1;
	s10 =	sld [smem:$0x3FA1];
	_ =	sdelay $0x3  }
0x34: {  	[smem:$0x3FA1] =	sst s10  }
0x35: {  	s10 =	sld [smem:$0x3FA0];
	_ =	sdelay $0x3  }
0x36: {  	p1 =	seq.s32 s10, $0x1;
	s10 =	sld [smem:$0x3FA1];
	_ =	sdelay $0x3  }
0x37: {  	[smem:$0x3FA1] =	sst s10  }
0x38: {  	s10 =	sld [smem:$0x3FA2]  }
0x39: {  	_ = 	snop;
	(pc) =	sbr.ind lr, $3  }
0x3a: {  	_ = 	snop  }
0x3b: {  	_ = 	snop  }
0x3c: {  	p2 =	seq.s32 s10, $0x1;
	s10 =	sld [smem:$0x3FA1]  }
0x3d: {  	_ =	shalt  }
0x3e: {  	_ =	shalt  }
0x3f: {  	_ =	shalt  }
0x40: {  	_ =	shalt  }
0x41: {  	_ =	shalt  }
0x42: {  	_ =	shalt  }
0x43: {  	_ =	shalt  }
0x44: {  	_ =	shalt  }
0x45: {  	_ =	shalt  }
0x46: {  	_ =	shalt  }
0x47: {  	_ =	shalt  }
0x48: {  	_ =	shalt  }
0x49: {  	_ =	shalt  }
0x4a: {  	_ =	shalt  }
0x4b: {  	_ =	shalt  }
0x4c: {  	_ =	shalt  }
0x4d: {  	_ =	shalt  }
0x4e: {  	_ =	shalt  }
0x4f: {  	_ =	shalt  }
0x50: {  	_ =	shalt  }
0x51: {  	_ =	shalt  }
0x52: {  	_ =	shalt  }
0x53: {  	_ =	shalt  }
0x54: {  	_ =	shalt  }
0x55: {  	_ =	shalt  }
0x56: {  	_ =	shalt  }
0x57: {  	_ =	shalt  }
0x58: {  	_ =	shalt  }
0x59: {  	_ =	shalt  }
0x5a: {  	_ =	shalt  }
0x5b: {  	_ =	shalt  }
0x5c: {  	_ =	shalt  }
0x5d: {  	_ =	shalt  }
0x5e: {  	_ =	shalt  }
0x5f: {  	_ =	shalt  }
0x60: {  	_ =	shalt  }
0x61: {  	_ =	shalt  }
0x62: {  	_ =	shalt  }
0x63: {  	_ =	shalt  }
0x64: {  	_ =	shalt  }
0x65: {  	_ =	shalt  }
0x66: {  	_ =	shalt  }
0x67: {  	_ =	shalt  }
0x68: {  	_ =	shalt  }
0x69: {  	_ =	shalt  }
0x6a: {  	_ =	shalt  }
0x6b: {  	_ =	shalt  }
0x6c: {  	_ =	shalt  }
0x6d: {  	_ =	shalt  }
0x6e: {  	_ =	shalt  }
0x6f: {  	_ =	shalt  }
0x70: {  	_ =	shalt  }
0x71: {  	_ =	shalt  }
0x72: {  	_ =	shalt  }
0x73: {  	_ =	shalt  }
0x74: {  	_ =	shalt  }
0x75: {  	_ =	shalt  }
0x76: {  	_ =	shalt  }
0x77: {  	_ =	shalt  }
0x78: {  	_ =	shalt  }
0x79: {  	_ =	shalt  }
0x7a: {  	_ =	shalt  }
0x7b: {  	_ =	shalt  }
0x7c: {  	_ =	shalt  }
0x7d: {  	_ =	shalt  }
0x7e: {  	_ =	shalt  }
0x7f: {  	_ =	shalt  }
0x80: {  	_ =	shalt  }
0x81: {  	_ =	shalt  }
0x82: {  	_ =	shalt  }
0x83: {  	_ =	shalt  }
0x84: {  	_ =	shalt  }
0x85: {  	_ =	shalt  }
0x86: {  	_ =	shalt  }
0x87: {  	_ =	shalt  }
.Lfunc_end0:
.L_simem_size_0:
called_computation_lowered:
.L_overlay_start_0:
0x88: {  	s2 =	sld [smem:$0x3FD9]  }
0x89: {  	s3 =	sld [smem:$0x3FFE];
	_ =	sdelay $0x1  }
0x8a: {  	s1 =	srdreg.scid  }
0x8b: {  	s0 =	sand.u32 $0x1, s1  }
0x8c: {  	s29 =	sshll.u32 s0, $0xA;
	s2 =	sadd.s32 s3, s2  }
0x8d: {  	s2 =	sadd.s32 s2, s29  }
0x8e: {  	[smem:$0x3FAD] =	sst s2  }
0x8f: {  	_ = 	snop  }
0x90: {  	s2 =	sld [smem:$0x3FC9]  }
0x91: {  	s3 =	sld [smem:$0x3FC8]  }
0x92: {  	s4 =	sld [smem:$0x3FC7]  }
0x93: {  	s5 =	sld [smem:$0x3FC6]  }
0x94: {  	s6 =	sld [smem:$0x3FC5]  }
0x95: {  	s7 =	sld [smem:$0x3FC4]  }
0x96: {  	s8 =	sld [smem:$0x3FC3]  }
0x97: {  	s9 =	sld [smem:$0x3FC2]  }
0x98: {  	s10 =	sld [smem:$0x3FC1]  }
0x99: {  	s11 =	sld [smem:$0x3FC0]  }
0x9a: {  	s12 =	sld [smem:$0x3FBF]  }
0x9b: {  	s13 =	sld [smem:$0x3FBE]  }
0x9c: {  	s16 =	sld [smem:$0x3FBD]  }
0x9d: {  	s17 =	sld [smem:$0x3FBC]  }
0x9e: {  	s18 =	sld [smem:$0x3FBB]  }
0x9f: {  	s19 =	sld [smem:$0x3FBA]  }
0xa0: {  	s20 =	sld [smem:$0x3FB9]  }
0xa1: {  	s21 =	sld [smem:$0x3FB8]  }
0xa2: {  	s22 =	sld [smem:$0x3FB7]  }
0xa3: {  	s23 =	sld [smem:$0x3FB6]  }
0xa4: {  	s15 =	sld [smem:$0x3FD0];
	(tm) =	ssettm $0x1  }
0xa5: {  	s14 =	sld [smem:$0x3FFB];
	_ =	sdelay $0x3  }
0xa6: {  	_ =	strace s14  }
0xa7: {  	s14 =	sld [smem:$0x3FFC];
	_ =	sdelay $0x3  }
0xa8: {  	_ =	strace s14  }
0xa9: {  	s14 =	sld [smem:$0x3FFD];
	_ =	sdelay $0x3  }
0xaa: {  	_ =	strace s14  }
0xab: {  	_ =	strace $0x8FFFFFFF  }
0xac: {  	s30 =	sld [smem:$0x3FDB];
	_ =	sdelay $0x1  }
0xad: {  	s24 =	simm.s32 $_scs_section_size  }
0xae: {  	s25 =	simm.s32 $_size__tile_task_arg_handler_lowered;
	s26 =	simm.s32 $_tile_task_arg_handler_lowered  }
0xaf: {  	s28 =	simm.s32 $0x60;
	s26 =	sshll.u32 s26, $0x1;
	s24 =	sadd.s32 s24, s30  }
0xb0: {  	s31 =	sshll.u32 s25, $0x1;
	s25 =	sadd.s32 s26, s24;
	s26 =	simm.s32 $0x1BFF  }
0xb1: {  	[timem:s28], [sflag:s26] =	dma.local [hbm:s25], s31  }
0xb2: {  	_ =	swait.ge [sflag:s26], s31  }
0xb3: {  	s14 =	ssub.s32 $0x0, s31;
	s28 =	simm.s32 $_tile_overlayer_lowered;
	[sflag:s26] =	ssyncset.done $0x0  }
0xb4: {  	s30 =	simm.s32 $_size__tile_overlayer_lowered;
	s29 =	sshll.u32 s28, $0x1;
	[sflag:s26] =	ssyncadd.s32 s14  }
0xb5: {  	s25 =	sshll.u32 s30, $0x1;
	s31 =	sadd.s32 s29, s24;
	s14 =	simm.s32 $0x0  }
0xb6: {  	[timem:s14], [sflag:s26] =	dma.local [hbm:s31], s25  }
0xb7: {  	_ =	swait.ge [sflag:s26], s25  }
0xb8: {  	s25 =	ssub.s32 $0x0, s25;
	[sflag:s26] =	ssyncset.done $0x0  }
0xb9: {  	[sflag:s26] =	ssyncadd.s32 s25;
	_ =	sdelay $0x1  }
0xba: {  	s26 =	simm.s32 $0x1B8B  }
0xbb: {  	_ =	swait.ge [sflag:s26], $0x1  }
0xbc: {  	[sflag:s26] =	ssyncset.done $0x0  }
0xbd: {  	s28 =	simm.s32 $0x1B8E;
	s29 =	sld [smem:$0x3FFE];
	[sflag:s26] =	ssyncadd.s32 $0xFFFFFFFF  }
0xbe: {  	s30 =	simm.s32 $execute0_lowered;
	[smem:$0x3FD2] =	sst s28  }
0xbf: {  	s26 =	sshll.u32 s30, $0x1;
	_ =	strace $0x80000046;
	[dreg:$0x1] =	wrdreg $0xFFFFFFFF  }
0xc0: {  	s31 =	simm.s32 $_size_execute0_lowered;
	s24 =	sadd.s32 s24, s26;
	[dreg:$0x0] =	wrdreg $0x0  }
0xc1: {  	s26 =	sshll.u32 s31, $0x1;
	[dreg:$0x2] =	wrdreg s24  }
0xc2: {  	[dreg:$0x3] =	wrdreg s26  }
0xc3: {  	[dreg:$0x4] =	wrdreg $0xC0  }
0xc4: {  	_ =	task [dreg:s14], $0x5FFFF  }
0xc5: {  	[dreg:$0x1] =	wrdreg $0xFFFFFFFF  }
0xc6: {  	[dreg:$0x0] =	wrdreg $0x30  }
0xc7: {  	[dreg:$0x2] =	wrdreg $0x0  }
0xc8: {  	[dreg:$0x3] =	wrdreg s16  }
0xc9: {  	[dreg:$0x4] =	wrdreg s17  }
0xca: {  	[dreg:$0x5] =	wrdreg s18  }
0xcb: {  	[dreg:$0x6] =	wrdreg s19  }
0xcc: {  	[dreg:$0x7] =	wrdreg s20  }
0xcd: {  	[dreg:$0x8] =	wrdreg s21  }
0xce: {  	[dreg:$0x9] =	wrdreg s22  }
0xcf: {  	[dreg:$0xa] =	wrdreg s23  }
0xd0: {  	[dreg:$0xb] =	wrdreg $0xA0A00  }
0xd1: {  	[dreg:$0xc] =	wrdreg $0x13CE00  }
0xd2: {  	[dreg:$0xd] =	wrdreg $0x9  }
0xd3: {  	_ =	task [dreg:s14], $0xEFFFF  }
0xd4: {  	[dreg:$0x1] =	wrdreg $0xFFFFFFFF  }
0xd5: {  	[dreg:$0x0] =	wrdreg $0x60  }
0xd6: {  	[dreg:$0x2] =	wrdreg s15  }
0xd7: {  	[dreg:$0x3] =	wrdreg s29  }
0xd8: {  	[dreg:$0x4] =	wrdreg s2  }
0xd9: {  	[dreg:$0x5] =	wrdreg s3  }
0xda: {  	[dreg:$0x6] =	wrdreg s4  }
0xdb: {  	[dreg:$0x7] =	wrdreg s5  }
0xdc: {  	[dreg:$0x8] =	wrdreg s6  }
0xdd: {  	[dreg:$0x9] =	wrdreg s7  }
0xde: {  	[dreg:$0xa] =	wrdreg s8  }
0xdf: {  	[dreg:$0xb] =	wrdreg s9  }
0xe0: {  	[dreg:$0xc] =	wrdreg s10  }
0xe1: {  	[dreg:$0xd] =	wrdreg s11  }
0xe2: {  	[dreg:$0xe] =	wrdreg s12  }
0xe3: {  	[dreg:$0xf] =	wrdreg s13  }
0xe4: {  	_ =	task.clear_ibuf [dreg:s14], $0x10FFFF;
	_ =	strace $0x90000046  }
0xe5: {  	s28 =	simm.s32 $0x9;
	_ =	strace $0x80000048  }
0xe6: {  	_ =	swait.ge [sflag:s28], $0x1  }
0xe7: {  	[sflag:s28] =	ssyncadd.s32 $0xFFFFFFFF  }
0xe8: {  	_ =	strace $0x90000048  }
0xe9: {  	_ =	sfence  }
0xea: {  	s29 =	sld [smem:$0x0];
	_ =	sdelay $0x2  }
0xeb: {  	s30 =	sshll.u32 s1, $0xD;
	s1 =	sshrl.u32 s1, $0x2  }
0xec: {  	s31 =	sand.u32 $0x4000, s30;
	s1 =	sadd.s32 s1, s29  }
0xed: {  	s0 =	sor.u32 s31, s0;
	s1 =	sshll.u32 s1, $0x11  }
0xee: {  	s0 =	sor.u32 s1, s0  }
0xef: {  	s0 =	sadd.s32 $0x8F2B, s0  }
0xf0: {  	[sflag:s0] =	ssyncadd.remote.s32 $0x1  }
0xf1: {  	_ =	sfence.sel $0xFFFF  }
0xf2: {  	[dreg:$0x0] =	wrdreg $0xFFFFFFFF;
	(pc) =	sbr.abs _section_cstart, $3  }
0xf3: {  	[dreg:$0x1] =	wrdreg $0xFFFFFFFF  }
0xf4: {  	_ =	task.clear_ibuf [dreg:s14], $0x2FFFF;
	_ =	strace $0x9FFFFFFF  }
0xf5: {  	(tm) =	ssettm $0x7FFFFFFF  }
tec
_tile_task_arg_handler_lowered:
.L_overlay_start_1:
0x0: {  	(tag) =	ssettag $0x1  }
0x1: {  	s0 =	rddreg [dreg:$0x0]  }
0x2: {  	s1 =	rddreg [dreg:$0x1]  }
0x3: {  	s2 =	rddreg [dreg:$0x2]  }
0x4: {  	s3 =	rddreg [dreg:$0x3]  }
0x5: {  	s4 =	rddreg [dreg:$0x4]  }
0x6: {  	s5 =	rddreg [dreg:$0x5]  }
0x7: {  	s6 =	rddreg [dreg:$0x6]  }
0x8: {  	s7 =	rddreg [dreg:$0x7]  }
0x9: {  	s8 =	rddreg [dreg:$0x8]  }
0xa: {  	s9 =	rddreg [dreg:$0x9]  }
0xb: {  	s10 =	rddreg [dreg:$0xa]  }
0xc: {  	s11 =	rddreg [dreg:$0xb]  }
0xd: {  	s12 =	rddreg [dreg:$0xc]  }
0xe: {  	s13 =	rddreg [dreg:$0xd]  }
0xf: {  	[smem:s0] =	sst s1  }
0x10: {  	[smem:s0+$0x1] =	sst s2  }
0x11: {  	[smem:s0+$0x2] =	sst s3  }
0x12: {  	[smem:s0+$0x3] =	sst s4  }
0x13: {  	[smem:s0+$0x4] =	sst s5  }
0x14: {  	[smem:s0+$0x5] =	sst s6  }
0x15: {  	[smem:s0+$0x6] =	sst s7  }
0x16: {  	[smem:s0+$0x7] =	sst s8  }
0x17: {  	[smem:s0+$0x8] =	sst s9  }
0x18: {  	[smem:s0+$0x9] =	sst s10  }
0x19: {  	[smem:s0+$0xA] =	sst s11  }
0x1a: {  	[smem:s0+$0xB] =	sst s12  }
0x1b: {  	[smem:s0+$0xC] =	sst s13;
	_ =	shalt  }
.Lfunc_end2:
execute0_lowered:
.L_overlay_start_2:
0x1c: {  	(tag) =	ssettag $0x2  }
0x1d: {  	s0 =	rddreg [dreg:$0x0]  }
0x1e: {  	s1 =	rddreg [dreg:$0x1];
	s12 =	simm.s32 $0x0  }
0x1f: {  	[smem:$0x7FF] =	sst s12  }
0x20: {  	s2 =	sld [smem:$0x0]  }
0x21: {  	s19 =	sld [smem:$0x1]  }
0x22: {  	s20 =	sld [smem:$0x2]  }
0x23: {  	s21 =	sld [smem:$0x3]  }
0x24: {  	s3 =	sld [smem:$0x4]  }
0x25: {  	s23 =	sld [smem:$0x5]  }
0x26: {  	s25 =	sld [smem:$0x6]  }
0x27: {  	s10 =	sld [smem:$0x7]  }
0x28: {  	s15 =	sld [smem:$0xA]  }
0x29: {  	[dreg:$0xe] =	wrdreg s2  }
0x2a: {  	[dreg:$0xf] =	wrdreg s19  }
0x2b: {  	s22 =	srdreg.scid;
	[dreg:$0x10] =	wrdreg s20  }
0x2c: {  	s7 =	stileid.u32;
	[dreg:$0x11] =	wrdreg s21  }
0x2d: {  	s31 =	simm.s32 $0xF00;
	s26 =	smul.u32 $0x9C40, s7;
	[dreg:$0x12] =	wrdreg s3  }
0x2e: {  	s28 =	simm.s32 $0x1;
	s13 =	smul.u32 $0x2710, s7;
	[dreg:$0x13] =	wrdreg s23  }
0x2f: {  	s30 =	simm.s32 $0x1380;
	s16 =	smul.u32 $0x5000, s7;
	[dreg:$0x14] =	wrdreg s25  }
0x30: {  	s8 =	sadd.s32 $0x1800, s1;
	s17 =	smul.u32 $0x27100, s7;
	[dreg:$0x15] =	wrdreg s10  }
0x31: {  	s18 =	smul.u32 $0x271, s7;
	s2 =	sand.u32 $0x1, s22;
	s25 =	sld [smem:$0x9]  }
0x32: {  	[dreg:$0x16] =	wrdreg s15;
	s20 =	sshrl.u32 s26, $0x2;
	s24 =	smul.u32 $0x9C400, s2  }
0x33: {  	s22 =	sadd.s32 $0x7D, s18;
	s4 =	ssub.s32 $0x2, s2;
	s6 =	smul.u32 $0x13880, s2  }
0x34: {  	s10 =	sadd.s32 $0x177, s18;
	s11 =	smul.u32 $0x27100, s2;
	s5 =	sshrl.u32 s4, $0x1  }
0x35: {  	p0 =	sne.s32 s2, $0x0;
	s15 =	sshll.u32 s10, $0x4;
	s4 =	ssub.s32 s4, s5  }
0x36: {  	s21 =	sadd.s32 s0, s6;
	s3 =	sadd.s32 s26, s24;
	s24 =	sld [smem:$0x8]  }
0x37: {  	s0 =	sadd.s32 s13, s11;
	_ =	strace $0x80000047;
	s23 =	sadd.s32 s20, s25  }
0x38: {  	s5 =	sadd.s32 $0xFA, s18;
	[smem:$0x7F8] =	sst s8;
	s20 =	smul.u32 $0xA0, s7  }
0x39: {  	s14 =	sshrl.u32 s3, $0x3;
	s0 =	sshrl.u32 s0, $0x3;
	s3 =	sshrl.u32 s16, $0x3  }
0x3a: {  	s19 =	smax.u32 s4, $0x1;
	[dreg:$0x1d] =	wrdreg s23;
	s4 =	sshll.u32 s22, $0x4  }
0x3b: {  	s6 =	sshll.u32 s5, $0x6;
	s11 =	sshll.u32 s5, $0x4;
	s5 =	simm.s32 $0x71C0  }
0x3c: {  	s2 =	sadd.s32 s14, s1;
	s0 =	sadd.s32 s0, s1;
	[dreg:$0x1b] =	wrdreg s19  }
0x3d: {  	s9 =	sadd.s32 s8, s3;
	s1 =	sadd.s32 $0xB800, s1;
	[smem:$0x7FC] =	sst s20  }
0x3e: {  	s29 =	sadd.s32 $0x96, s20;
	s20 =	simm.s32 $0x500;
	[dreg:$0x18] =	wrdreg s1  }
0x3f: {  	s2 =	sadd.s32 $0x15800, s2;
	s0 =	sadd.s32 $0x3CA00, s0;
	s1 =	sshrl.u32 s17, $0x2  }
0x40: {  	s3 =	sadd.s32 s26, s24;
	s26 =	sshll.u32 s22, $0x6;
	[dreg:$0x17] =	wrdreg s9  }
0x41: {  	s17 =	smul.u32 $0xA00, s7;
	s7 =	simm.s32 $0x2;
	[dreg:$0x19] =	wrdreg s2  }
0x42: {  	[dreg:$0x1a] =	wrdreg s0;
	s2 =	sadd.s32 s13, s25;
	s1 =	sadd.s32 s1, s24  }
0x43: {  	s13 =	sshll.u32 s10, $0x6;
	s0 =	sadd.s32 $0x1F4, s18;
	s22 =	sshrl.u32 s3, $0x3  }
0x44: {  	s3 =	simm.s32 $0x5280;
	s10 =	simm.s32 $0x980;
	[dreg:$0x1c] =	wrdreg s1  }
0x45: {  	s1 =	sadd.s32 s26, s24;
	s14 =	sadd.s32 s13, s24;
	s16 =	sshll.u32 s0, $0x6  }
0x46: {  	s0 =	sshll.u32 s0, $0x4;
	s19 =	sadd.s32 s17, s8;
	[smem:$0x7FA] =	sst s22  }
0x47: {  	s23 =	sshrl.u32 s2, $0x3;
	s26 =	sadd.s32 $0xA000, s9;
	s17 =	simm.s32 $0x1400  }
0x48: {  	s22 =	simm.s32 $0xA;
	s8 =	simm.s32 $0x5;
	[dreg:$0x1e] =	wrdreg s1  }
0x49: {  	s13 =	simm.s32 $0x3;
	s2 =	simm.s32 $0x7;
	[smem:$0x7F4] =	sst s14  }
0x4a: {  	s9 =	simm.s32 $0xB;
	s1 =	sadd.s32 s4, s25;
	[smem:$0x7FB] =	sst s23  }
0x4b: {  	s18 =	sadd.s32 s16, s24;
	s0 =	sadd.s32 s0, s25;
	[smem:$0x7FD] =	sst s26  }
0x4c: {  	s16 =	simm.s32 $0xC;
	s23 =	simm.s32 $0x7D;
	[dreg:$0x1f] =	wrdreg s1  }
0x4d: {  	s14 =	simm.s32 $0x0;
	s1 =	sadd.s32 s6, s24;
	[smem:$0x7F6] =	sst s18  }
.Ltmp0:
0x4e: {  	[smem:$0x7F7] =	sst s0;
	s0 =	sadd.s32 $0xA0A0, s19;
	(pc) =	sbr.rel .LBB3_1-.Ltmp0, $4  }
0x4f: {  	s6 =	simm.s32 $0x9100;
	s19 =	simm.s32 $0x9;
	[smem:$0x7F2] =	sst s1  }
0x50: {  	s1 =	sadd.s32 s11, s25;
	[smem:$0x7F9] =	sst s0;
	s0 =	simm.s32 $0x4  }
0x51: {  	s11 =	simm.s32 $0x8;
	[smem:$0x7F3] =	sst s1;
	s1 =	sadd.s32 s15, s25  }
0x52: {  	v0 =	vimm.f32 $1.000000000e+00;
	v1 =	vimm.f32 $0.0e+00;
	s15 =	simm.s32 $0x6;
	[smem:$0x7F5] =	sst s1;
	s1 =	simm.s32 $0x3340  }
.LBB3_11:
0x53: {  	_ =	swait.ge [sflag:s22], $0x500  }
0x54: {  	[sflag:s22] =	ssyncset.done $0x0  }
0x55: {  	[sflag:s22] =	ssyncadd.s32 $0xFFFFFB00  }
0x56: {  	_ =	swait.ge [sflag:s22], $0x500  }
0x57: {  	s4 =	stileid.u32;
	s18 =	sld [smem:$0x7FA]  }
0x58: {  	s4 =	sshll.u32 s4, $0x6;
	[sflag:s22] =	ssyncset.done $0x0  }
0x59: {  	s4 =	sor.u32 $0x1C0C, s4;
	s14 =	rddreg [dreg:$0x19];
	[sflag:s22] =	ssyncadd.s32 $0xFFFFFB00  }
0x5a: {  	[hbm:s14], [sflag:s4] =	dma.local [spmem:s18], $0x1388  }
0x5b: {  	_ =	swait.ge [sflag:s16], $0x1388  }
0x5c: {  	s26 =	sld [smem:$0x7FB]  }
0x5d: {  	[sflag:s16] =	ssyncset.done $0x0  }
0x5e: {  	s18 =	rddreg [dreg:$0x1a];
	[sflag:s16] =	ssyncadd.s32 $0xFFFFEC78  }
0x5f: {  	[hbm:s18], [sflag:s4] =	dma.local [spmem:s26], $0x4E2  }
0x60: {  	_ =	swait.ge [sflag:s16], $0x4E2  }
0x61: {  	s18 =	sld [smem:$0x7F1];
	_ =	sdelay $0x2  }
0x62: {  	s26 =	rddreg [dreg:$0x1b];
	s14 =	sadd.s32 $0x1, s18  }
0x63: {  	p1 =	sne.s32 s14, s26  }
.Ltmp1:
0x64: {  	_ = 	snop;
	(pc) =	sbr.rel @!p1 .LBB3_12-.Ltmp1, $3  }
0x65: {  	_ =	sdelay $0x1  }
0x66: {  	[sflag:s16] =	ssyncset.done $0x0  }
0x67: {  	[sflag:s16] =	ssyncadd.s32 $0xFFFFFB1E  }
.LBB3_1:
0x68: {  	[smem:$0x7F1] =	sst s14  }
0x69: {  	s4 =	rddreg [dreg:$0x2];
	s26 =	simm.s32 $0x163F0  }
0x6a: {  	[tilespmem:s26], [sflag:$0xC] =	stream.linear.gather [hbm4b:s4+s12], $0x1, $0x38;
	[tilespmem:$0x16530] =	vst v63  }
0x6b: {  	s18 =	rddreg [dreg:$0x3];
	s26 =	simm.s32 $0x16400  }
0x6c: {  	[tilespmem:s26], [sflag:$0xC] =	stream.linear.gather [hbm4b:s18+s12], $0x1, $0x38;
	[tilespmem:$0x16530] =	vst v63  }
0x6d: {  	s18 =	rddreg [dreg:$0x4];
	s26 =	simm.s32 $0x16410  }
0x6e: {  	[tilespmem:s26], [sflag:$0xC] =	stream.linear.gather [hbm4b:s18+s12], $0x1, $0x38;
	[tilespmem:$0x16530] =	vst v63  }
0x6f: {  	s18 =	rddreg [dreg:$0x5];
	s26 =	simm.s32 $0x16420  }
0x70: {  	[tilespmem:s26], [sflag:$0xC] =	stream.linear.gather [hbm4b:s18+s12], $0x1, $0x38;
	[tilespmem:$0x16530] =	vst v63  }
0x71: {  	s18 =	rddreg [dreg:$0x6];
	s26 =	simm.s32 $0x16430  }
0x72: {  	[tilespmem:s26], [sflag:$0xC] =	stream.linear.gather [hbm4b:s18+s12], $0x1, $0x38;
	[tilespmem:$0x16530] =	vst v63  }
0x73: {  	s18 =	rddreg [dreg:$0x7];
	s26 =	simm.s32 $0x16440  }
0x74: {  	[tilespmem:s26], [sflag:$0xC] =	stream.linear.gather [hbm4b:s18+s12], $0x1, $0x38;
	[tilespmem:$0x16530] =	vst v63  }
0x75: {  	s18 =	rddreg [dreg:$0x8];
	s26 =	simm.s32 $0x16450  }
0x76: {  	[tilespmem:s26], [sflag:$0xC] =	stream.linear.gather [hbm4b:s18+s12], $0x1, $0x38;
	[tilespmem:$0x16530] =	vst v63  }
0x77: {  	s18 =	rddreg [dreg:$0x9];
	s26 =	simm.s32 $0x16460  }
0x78: {  	[tilespmem:s26], [sflag:$0xC] =	stream.linear.gather [hbm4b:s18+s12], $0x1, $0x38;
	[tilespmem:$0x16530] =	vst v63  }
0x79: {  	s18 =	rddreg [dreg:$0xa];
	s26 =	simm.s32 $0x16470  }
0x7a: {  	[tilespmem:s26], [sflag:$0xC] =	stream.linear.gather [hbm4b:s18+s12], $0x1, $0x38;
	[tilespmem:$0x16530] =	vst v63  }
0x7b: {  	s18 =	rddreg [dreg:$0xb];
	s26 =	simm.s32 $0x16480  }
0x7c: {  	[tilespmem:s26], [sflag:$0xC] =	stream.linear.gather [hbm4b:s18+s12], $0x1, $0x38;
	[tilespmem:$0x16530] =	vst v63  }
0x7d: {  	s18 =	rddreg [dreg:$0xc];
	s26 =	simm.s32 $0x16490  }
0x7e: {  	[tilespmem:s26], [sflag:$0xC] =	stream.linear.gather [hbm4b:s18+s12], $0x1, $0x38;
	[tilespmem:$0x16530] =	vst v63  }
0x7f: {  	s18 =	rddreg [dreg:$0xd];
	s26 =	simm.s32 $0x164A0  }
0x80: {  	[tilespmem:s26], [sflag:$0xC] =	stream.linear.gather [hbm4b:s18+s12], $0x1, $0x38;
	[tilespmem:$0x16530] =	vst v63  }
0x81: {  	s18 =	rddreg [dreg:$0xe];
	s26 =	simm.s32 $0x164B0  }
0x82: {  	[tilespmem:s26], [sflag:$0xC] =	stream.linear.gather [hbm4b:s18+s12], $0x1, $0x38;
	[tilespmem:$0x16530] =	vst v63  }
0x83: {  	s18 =	rddreg [dreg:$0xf];
	s26 =	simm.s32 $0x164C0  }
0x84: {  	[tilespmem:s26], [sflag:$0xC] =	stream.linear.gather [hbm4b:s18+s12], $0x1, $0x38;
	[tilespmem:$0x16530] =	vst v63  }
0x85: {  	s18 =	rddreg [dreg:$0x10];
	s26 =	simm.s32 $0x164D0  }
0x86: {  	[tilespmem:s26], [sflag:$0xC] =	stream.linear.gather [hbm4b:s18+s12], $0x1, $0x38;
	[tilespmem:$0x16530] =	vst v63  }
0x87: {  	s18 =	rddreg [dreg:$0x11];
	s26 =	simm.s32 $0x164E0  }
0x88: {  	[tilespmem:s26], [sflag:$0xC] =	stream.linear.gather [hbm4b:s18+s12], $0x1, $0x38;
	[tilespmem:$0x16530] =	vst v63  }
0x89: {  	s18 =	rddreg [dreg:$0x12];
	s26 =	simm.s32 $0x164F0  }
0x8a: {  	[tilespmem:s26], [sflag:$0xC] =	stream.linear.gather [hbm4b:s18+s12], $0x1, $0x38;
	[tilespmem:$0x16530] =	vst v63  }
0x8b: {  	s18 =	rddreg [dreg:$0x13];
	s26 =	simm.s32 $0x16500  }
0x8c: {  	[tilespmem:s26], [sflag:$0xC] =	stream.linear.gather [hbm4b:s18+s12], $0x1, $0x38;
	[tilespmem:$0x16530] =	vst v63  }
0x8d: {  	s18 =	rddreg [dreg:$0x14];
	s26 =	simm.s32 $0x16510  }
0x8e: {  	[tilespmem:s26], [sflag:$0xC] =	stream.linear.gather [hbm4b:s18+s12], $0x1, $0x38;
	[tilespmem:$0x16530] =	vst v63  }
0x8f: {  	s18 =	rddreg [dreg:$0x15];
	s26 =	simm.s32 $0x16520  }
0x90: {  	[tilespmem:s26], [sflag:$0xC] =	stream.linear.gather [hbm4b:s18+s12], $0x1, $0x38;
	[tilespmem:$0x16530] =	vst v63  }
0x91: {  	_ =	swait.ge [sflag:s16], $0x1  }
0x92: {  	[sflag:s16] =	ssyncset.done $0x0  }
0x93: {  	[sflag:s16] =	ssyncadd.s32 $0xFFFFFFFF  }
0x94: {  	_ =	swait.ge [sflag:s16], $0x1  }
0x95: {  	[sflag:s16] =	ssyncset.done $0x0  }
0x96: {  	[sflag:s16] =	ssyncadd.s32 $0xFFFFFFFF  }
0x97: {  	_ =	swait.ge [sflag:s16], $0x1  }
0x98: {  	[sflag:s16] =	ssyncset.done $0x0  }
0x99: {  	[sflag:s16] =	ssyncadd.s32 $0xFFFFFFFF  }
0x9a: {  	_ =	swait.ge [sflag:s16], $0x1  }
0x9b: {  	[sflag:s16] =	ssyncset.done $0x0  }
0x9c: {  	[sflag:s16] =	ssyncadd.s32 $0xFFFFFFFF  }
0x9d: {  	_ =	swait.ge [sflag:s16], $0x1  }
0x9e: {  	[sflag:s16] =	ssyncset.done $0x0  }
0x9f: {  	[sflag:s16] =	ssyncadd.s32 $0xFFFFFFFF  }
0xa0: {  	_ =	swait.ge [sflag:s16], $0x1  }
0xa1: {  	[sflag:s16] =	ssyncset.done $0x0  }
0xa2: {  	[sflag:s16] =	ssyncadd.s32 $0xFFFFFFFF  }
0xa3: {  	_ =	swait.ge [sflag:s16], $0x1  }
0xa4: {  	[sflag:s16] =	ssyncset.done $0x0  }
0xa5: {  	[sflag:s16] =	ssyncadd.s32 $0xFFFFFFFF  }
0xa6: {  	_ =	swait.ge [sflag:s16], $0x1  }
0xa7: {  	[sflag:s16] =	ssyncset.done $0x0  }
0xa8: {  	[sflag:s16] =	ssyncadd.s32 $0xFFFFFFFF  }
0xa9: {  	_ =	swait.ge [sflag:s16], $0x1  }
0xaa: {  	[sflag:s16] =	ssyncset.done $0x0  }
0xab: {  	[sflag:s16] =	ssyncadd.s32 $0xFFFFFFFF  }
0xac: {  	_ =	swait.ge [sflag:s16], $0x1  }
0xad: {  	[sflag:s16] =	ssyncset.done $0x0  }
0xae: {  	[sflag:s16] =	ssyncadd.s32 $0xFFFFFFFF  }
0xaf: {  	_ =	swait.ge [sflag:s16], $0x1  }
0xb0: {  	[sflag:s16] =	ssyncset.done $0x0  }
0xb1: {  	[sflag:s16] =	ssyncadd.s32 $0xFFFFFFFF  }
0xb2: {  	_ =	swait.ge [sflag:s16], $0x1  }
0xb3: {  	[sflag:s16] =	ssyncset.done $0x0  }
0xb4: {  	[sflag:s16] =	ssyncadd.s32 $0xFFFFFFFF  }
0xb5: {  	_ =	swait.ge [sflag:s16], $0x1  }
0xb6: {  	[sflag:s16] =	ssyncset.done $0x0  }
0xb7: {  	[sflag:s16] =	ssyncadd.s32 $0xFFFFFFFF  }
0xb8: {  	_ =	swait.ge [sflag:s16], $0x1  }
0xb9: {  	[sflag:s16] =	ssyncset.done $0x0  }
0xba: {  	[sflag:s16] =	ssyncadd.s32 $0xFFFFFFFF  }
0xbb: {  	_ =	swait.ge [sflag:s16], $0x1  }
0xbc: {  	[sflag:s16] =	ssyncset.done $0x0  }
0xbd: {  	[sflag:s16] =	ssyncadd.s32 $0xFFFFFFFF  }
0xbe: {  	_ =	swait.ge [sflag:s16], $0x1  }
0xbf: {  	[sflag:s16] =	ssyncset.done $0x0  }
0xc0: {  	[sflag:s16] =	ssyncadd.s32 $0xFFFFFFFF  }
0xc1: {  	_ =	swait.ge [sflag:s16], $0x1  }
0xc2: {  	[sflag:s16] =	ssyncset.done $0x0  }
0xc3: {  	[sflag:s16] =	ssyncadd.s32 $0xFFFFFFFF  }
0xc4: {  	_ =	swait.ge [sflag:s16], $0x1  }
0xc5: {  	[sflag:s16] =	ssyncset.done $0x0  }
0xc6: {  	[sflag:s16] =	ssyncadd.s32 $0xFFFFFFFF  }
0xc7: {  	_ =	swait.ge [sflag:s16], $0x1  }
0xc8: {  	[sflag:s16] =	ssyncset.done $0x0  }
0xc9: {  	[sflag:s16] =	ssyncadd.s32 $0xFFFFFFFF  }
0xca: {  	_ =	swait.ge [sflag:s16], $0x1  }
0xcb: {  	[sflag:s16] =	ssyncset.done $0x0  }
0xcc: {  	s18 =	simm.s32 $0x0;
	[sflag:s16] =	ssyncadd.s32 $0xFFFFFFFF  }
0xcd: {  	[tilespmem:s18+$0x9100] =	vst v0  }
0xce: {  	s4 =	simm.s32 $0x1420;
	[tilespmem:s18+$0x98D0] =	vst v1  }
0xcf: {  	[tilespmem:s4+$0xFFFFFFF0] =	vst v1  }
0xd0: {  	[tilespmem:s4+$0xFFFFFFE0] =	vst v1  }
0xd1: {  	s18 =	simm.s32 $0x40;
	[tilespmem:s4+$0x0] =	vst v1  }
.LBB3_2:
0xd2: {  	s26 =	sshra.s32 s18, $0x2;
	[tilespmem:s4+$0x10] =	vst v1;
	p1 =	sne.s32 s18, $0x1F00  }
.Ltmp2:
0xd3: {  	[tilespmem:s26+$0x9100] =	vst v0;
	(pc) =	sbr.rel @p1 .LBB3_2-.Ltmp2, $4  }
0xd4: {  	s18 =	sadd.s32 $0x40, s18;
	s4 =	sadd.s32 $0x40, s4;
	[tilespmem:s26+$0x98D0] =	vst v1  }
0xd5: {  	[tilespmem:s4+$0xFFFFFFF0] =	vst v1  }
0xd6: {  	[tilespmem:s4+$0xFFFFFFE0] =	vst v1  }
0xd7: {  	[tilespmem:s4+$0x0] =	vst v1  }
0xd8: {  	[tilespmem:s4+$0x10] =	vst v1;
	s18 =	rddreg [dreg:$0x1c]  }
0xd9: {  	[spmem:s18] =	stream.linear.scatter [tilespmem:s17], [sflag:$0xC], $0x1F40, $0x38;
	[tilespmem:$0x16530] =	vst v63  }
0xda: {  	_ =	swait.ge [sflag:s16], $0x1F40  }
0xdb: {  	[sflag:s16] =	ssyncset.done $0x0  }
0xdc: {  	s14 =	simm.s32 $0x98D0;
	s26 =	rddreg [dreg:$0x1d];
	[sflag:s16] =	ssyncadd.s32 $0xFFFFE0C0  }
0xdd: {  	[spmem:s26] =	stream.linear.scatter [tilespmem:s14], [sflag:$0xC], $0x7D0, $0x38;
	[tilespmem:$0x16530] =	vst v63  }
0xde: {  	_ =	swait.ge [sflag:s16], $0x7D0  }
0xdf: {  	[sflag:s16] =	ssyncset.done $0x0  }
0xe0: {  	s18 =	rddreg [dreg:$0x1e];
	[sflag:s16] =	ssyncadd.s32 $0xFFFFF830  }
0xe1: {  	[spmem:s18] =	stream.linear.scatter [tilespmem:s17], [sflag:$0xC], $0x1F40, $0x38;
	[tilespmem:$0x16530] =	vst v63  }
0xe2: {  	_ =	swait.ge [sflag:s16], $0x1F40  }
0xe3: {  	[sflag:s16] =	ssyncset.done $0x0  }
0xe4: {  	s26 =	rddreg [dreg:$0x1f];
	[sflag:s16] =	ssyncadd.s32 $0xFFFFE0C0  }
0xe5: {  	[spmem:s26] =	stream.linear.scatter [tilespmem:s14], [sflag:$0xC], $0x7D0, $0x38;
	[tilespmem:$0x16530] =	vst v63  }
0xe6: {  	_ =	swait.ge [sflag:s16], $0x7D0  }
0xe7: {  	s18 =	sld [smem:$0x7F2]  }
0xe8: {  	[sflag:s16] =	ssyncset.done $0x0  }
0xe9: {  	[sflag:s16] =	ssyncadd.s32 $0xFFFFF830  }
0xea: {  	[spmem:s18] =	stream.linear.scatter [tilespmem:s17], [sflag:$0xC], $0x1F40, $0x38;
	[tilespmem:$0x16530] =	vst v63  }
0xeb: {  	_ =	swait.ge [sflag:s16], $0x1F40  }
0xec: {  	s26 =	sld [smem:$0x7F3]  }
0xed: {  	[sflag:s16] =	ssyncset.done $0x0  }
0xee: {  	[sflag:s16] =	ssyncadd.s32 $0xFFFFE0C0  }
0xef: {  	[spmem:s26] =	stream.linear.scatter [tilespmem:s14], [sflag:$0xC], $0x7D0, $0x38;
	[tilespmem:$0x16530] =	vst v63  }
0xf0: {  	_ =	swait.ge [sflag:s16], $0x7D0  }
0xf1: {  	s18 =	sld [smem:$0x7F4]  }
0xf2: {  	[sflag:s16] =	ssyncset.done $0x0  }
0xf3: {  	[sflag:s16] =	ssyncadd.s32 $0xFFFFF830  }
0xf4: {  	[spmem:s18] =	stream.linear.scatter [tilespmem:s17], [sflag:$0xC], $0x1F40, $0x38;
	[tilespmem:$0x16530] =	vst v63  }
0xf5: {  	_ =	swait.ge [sflag:s16], $0x1F40  }
0xf6: {  	s26 =	sld [smem:$0x7F5]  }
0xf7: {  	[sflag:s16] =	ssyncset.done $0x0  }
0xf8: {  	[sflag:s16] =	ssyncadd.s32 $0xFFFFE0C0  }
0xf9: {  	[spmem:s26] =	stream.linear.scatter [tilespmem:s14], [sflag:$0xC], $0x7D0, $0x38;
	[tilespmem:$0x16530] =	vst v63  }
0xfa: {  	_ =	swait.ge [sflag:s16], $0x7D0  }
0xfb: {  	s18 =	sld [smem:$0x7F6]  }
0xfc: {  	[sflag:s16] =	ssyncset.done $0x0  }
0xfd: {  	[sflag:s16] =	ssyncadd.s32 $0xFFFFF830  }
0xfe: {  	[spmem:s18] =	stream.linear.scatter [tilespmem:s17], [sflag:$0xC], $0x1F40, $0x38;
	[tilespmem:$0x16530] =	vst v63  }
0xff: {  	_ =	swait.ge [sflag:s16], $0x1F40  }
0x100: {  	s26 =	sld [smem:$0x7F7]  }
0x101: {  	[sflag:s16] =	ssyncset.done $0x0  }
0x102: {  	[sflag:s16] =	ssyncadd.s32 $0xFFFFE0C0  }
0x103: {  	[spmem:s26] =	stream.linear.scatter [tilespmem:s14], [sflag:$0xC], $0x7D0, $0x38;
	[tilespmem:$0x16530] =	vst v63  }
0x104: {  	_ =	swait.ge [sflag:s16], $0x7D0  }
0x105: {  	[sflag:s16] =	ssyncset.done $0x0  }
0x106: {  	[sflag:s16] =	ssyncadd.s32 $0xFFFFF830  }
0x107: {  	[bflag:$0x0] =	sbarrier.arrive $0xFFFF  }
.Ltmp3:
0x108: {  	s18 =	rddreg [dreg:$0x17];
	(pc) =	sbr.rel .LBB3_4-.Ltmp3, $4  }
0x109: {  	s26 =	sld [smem:$0x7FD]  }
0x10a: {  	[tilespmem:s12], [sflag:$0xA] =	stream.linear.gather [hbm4b:s18+s12], $0x500, $0x38;
	[tilespmem:$0x16530] =	vst v63  }
0x10b: {  	s4 =	sld [smem:$0x7F9];
	s18 =	simm.s32 $0x14  }
0x10c: {  	[tilespmem:s20], [sflag:$0xA] =	stream.linear.gather [hbm4b:s26+s12], $0x500, $0x38;
	[tilespmem:$0x16530] =	vst v63  }
.LBB3_9:
0x10d: {  	_ =	swait.ge [sflag:s7], $0x1F40  }
0x10e: {  	[sflag:s7] =	ssyncset.done $0x0  }
0x10f: {  	[sflag:s7] =	ssyncadd.s32 $0xFFFFE0C0  }
0x110: {  	_ =	swait.ge [sflag:s8], $0x1F40  }
0x111: {  	[sflag:s8] =	ssyncset.done $0x0  }
0x112: {  	s14 =	simm.s32 $0xC00;
	[sflag:s8] =	ssyncadd.s32 $0xFFFFE0C0  }
0x113: {  	[tilespmem:s17], [sflag:$0x1] =	stream.indirect.gather [hbm4b:s21+s23], $0x40, s14, s23, $0xb8;
	[tilespmem:$0x16530] =	vst v63  }
0x114: {  	s26 =	simm.s32 $0xF80  }
0x115: {  	[spmem:s24] =	stream.indirect.scatter.add.f32 [tilespmem:s1], [sflag:$0x6], $0x40, s26, s23, $0xb8;
	[tilespmem:$0x16530] =	vst v63  }
0x116: {  	_ = 	snop  }
0x117: {  	[spmem:s25] =	stream.indirect.scatter.add.f32 [tilespmem:s6], [sflag:$0x9], $0x10, s26, s23, $0xb8;
	[tilespmem:$0x16530] =	vst v63  }
0x118: {  	_ =	swait.ge [sflag:s13], $0x1F40  }
0x119: {  	[sflag:s13] =	ssyncset.done $0x0  }
0x11a: {  	[sflag:s13] =	ssyncadd.s32 $0xFFFFE0C0  }
0x11b: {  	_ =	swait.ge [sflag:s15], $0x1F40  }
0x11c: {  	[sflag:s15] =	ssyncset.done $0x0  }
0x11d: {  	s26 =	simm.s32 $0xC80;
	[sflag:s15] =	ssyncadd.s32 $0xFFFFE0C0  }
0x11e: {  	[tilespmem:s1], [sflag:$0x2] =	stream.indirect.gather [hbm4b:s21+s23], $0x40, s26, s23, $0xb8;
	[tilespmem:$0x16530] =	vst v63  }
0x11f: {  	s26 =	simm.s32 $0x1000  }
0x120: {  	[spmem:s24] =	stream.indirect.scatter.add.f32 [tilespmem:s3], [sflag:$0x7], $0x40, s26, s23, $0xb8;
	[tilespmem:$0x16530] =	vst v63  }
0x121: {  	_ =	swait.ge [sflag:s0], $0x1F40  }
0x122: {  	[sflag:s0] =	ssyncset.done $0x0  }
0x123: {  	[sflag:s0] =	ssyncadd.s32 $0xFFFFE0C0  }
0x124: {  	_ =	swait.ge [sflag:s2], $0x1F40  }
0x125: {  	[sflag:s2] =	ssyncset.done $0x0  }
0x126: {  	s26 =	simm.s32 $0xD00;
	[sflag:s2] =	ssyncadd.s32 $0xFFFFE0C0  }
0x127: {  	[tilespmem:s3], [sflag:$0x3] =	stream.indirect.gather [hbm4b:s21+s23], $0x40, s26, s23, $0xb8;
	[tilespmem:$0x16530] =	vst v63  }
0x128: {  	s26 =	simm.s32 $0x1080  }
0x129: {  	[spmem:s24] =	stream.indirect.scatter.add.f32 [tilespmem:s5], [sflag:$0x8], $0x40, s26, s23, $0xb8;
	[tilespmem:$0x16530] =	vst v63  }
0x12a: {  	_ = 	snop  }
0x12b: {  	[spmem:s25] =	stream.indirect.scatter.add.f32 [tilespmem:s6], [sflag:$0x9], $0x10, s26, s23, $0xb8;
	[tilespmem:$0x16530] =	vst v63  }
0x12c: {  	_ =	swait.ge [sflag:s28], $0x1F40  }
0x12d: {  	[sflag:s28] =	ssyncset.done $0x0  }
0x12e: {  	[sflag:s28] =	ssyncadd.s32 $0xFFFFE0C0  }
0x12f: {  	_ =	swait.ge [sflag:s11], $0x1F40  }
0x130: {  	[sflag:s11] =	ssyncset.done $0x0  }
0x131: {  	s26 =	simm.s32 $0xD80;
	[sflag:s11] =	ssyncadd.s32 $0xFFFFE0C0  }
0x132: {  	[tilespmem:s5], [sflag:$0x4] =	stream.indirect.gather [hbm4b:s21+s23], $0x40, s26, s23, $0xb8;
	[tilespmem:$0x16530] =	vst v63  }
0x133: {  	s26 =	simm.s32 $0x1100  }
0x134: {  	[spmem:s24] =	stream.indirect.scatter.add.f32 [tilespmem:s17], [sflag:$0x5], $0x40, s26, s23, $0xb8;
	[tilespmem:$0x16530] =	vst v63  }
0x135: {  	_ =	swait.ge [sflag:s7], $0x1F40  }
0x136: {  	[sflag:s7] =	ssyncset.done $0x0  }
0x137: {  	[sflag:s7] =	ssyncadd.s32 $0xFFFFE0C0  }
0x138: {  	_ =	swait.ge [sflag:s8], $0x1F40  }
0x139: {  	[sflag:s8] =	ssyncset.done $0x0  }
0x13a: {  	s26 =	simm.s32 $0xE00;
	[sflag:s8] =	ssyncadd.s32 $0xFFFFE0C0  }
0x13b: {  	[tilespmem:s17], [sflag:$0x1] =	stream.indirect.gather [hbm4b:s21+s23], $0x40, s26, s23, $0xb8;
	[tilespmem:$0x16530] =	vst v63  }
0x13c: {  	s26 =	simm.s32 $0x1180  }
0x13d: {  	[spmem:s24] =	stream.indirect.scatter.add.f32 [tilespmem:s1], [sflag:$0x6], $0x40, s26, s23, $0xb8;
	[tilespmem:$0x16530] =	vst v63  }
0x13e: {  	_ = 	snop  }
0x13f: {  	[spmem:s25] =	stream.indirect.scatter.add.f32 [tilespmem:s6], [sflag:$0x9], $0x10, s26, s23, $0xb8;
	[tilespmem:$0x16530] =	vst v63  }
0x140: {  	_ =	swait.ge [sflag:s13], $0x1F40  }
0x141: {  	[sflag:s13] =	ssyncset.done $0x0  }
0x142: {  	[sflag:s13] =	ssyncadd.s32 $0xFFFFE0C0  }
0x143: {  	_ =	swait.ge [sflag:s15], $0x1F40  }
0x144: {  	[sflag:s15] =	ssyncset.done $0x0  }
0x145: {  	s26 =	simm.s32 $0xE80;
	[sflag:s15] =	ssyncadd.s32 $0xFFFFE0C0  }
0x146: {  	[tilespmem:s1], [sflag:$0x2] =	stream.indirect.gather [hbm4b:s21+s23], $0x40, s26, s23, $0xb8;
	[tilespmem:$0x16530] =	vst v63  }
0x147: {  	s26 =	simm.s32 $0x1200  }
0x148: {  	[spmem:s24] =	stream.indirect.scatter.add.f32 [tilespmem:s3], [sflag:$0x7], $0x40, s26, s23, $0xb8;
	[tilespmem:$0x16530] =	vst v63  }
0x149: {  	_ =	swait.ge [sflag:s0], $0x1F40  }
0x14a: {  	[sflag:s0] =	ssyncset.done $0x0  }
0x14b: {  	s26 =	simm.s32 $0x1280;
	[sflag:s0] =	ssyncadd.s32 $0xFFFFE0C0  }
0x14c: {  	[spmem:s24] =	stream.indirect.scatter.add.f32 [tilespmem:s5], [sflag:$0x8], $0x40, s26, s23, $0xb8;
	[tilespmem:$0x16530] =	vst v63  }
0x14d: {  	_ = 	snop  }
0x14e: {  	[spmem:s25] =	stream.indirect.scatter.add.f32 [tilespmem:s6], [sflag:$0x9], $0x10, s26, s23, $0xb8;
	[tilespmem:$0x16530] =	vst v63  }
0x14f: {  	_ =	swait.ge [sflag:s28], $0x1F40  }
0x150: {  	[sflag:s28] =	ssyncset.done $0x0  }
0x151: {  	s26 =	simm.s32 $0x1300;
	[sflag:s28] =	ssyncadd.s32 $0xFFFFE0C0  }
0x152: {  	[spmem:s24] =	stream.indirect.scatter.add.f32 [tilespmem:s17], [sflag:$0x5], $0x40, s26, s23, $0xb8;
	[tilespmem:$0x16530] =	vst v63  }
0x153: {  	_ =	swait.ge [sflag:s7], $0x1F40  }
0x154: {  	[sflag:s7] =	ssyncset.done $0x0  }
0x155: {  	s26 =	simm.s32 $0x1380;
	[sflag:s7] =	ssyncadd.s32 $0xFFFFE0C0  }
0x156: {  	[spmem:s24] =	stream.indirect.scatter.add.f32 [tilespmem:s1], [sflag:$0x6], $0x40, s26, s23, $0xb8;
	[tilespmem:$0x16530] =	vst v63  }
0x157: {  	s30 =	simm.s32 $0x1380  }
0x158: {  	[spmem:s25] =	stream.indirect.scatter.add.f32 [tilespmem:s6], [sflag:$0x9], $0x10, s26, s23, $0xb8;
	[tilespmem:$0x16530] =	vst v63  }
.LBB3_10:
0x159: {  	_ =	swait.ge [sflag:s8], $0x1F40  }
0x15a: {  	[sflag:s8] =	ssyncset.done $0x0  }
0x15b: {  	[sflag:s8] =	ssyncadd.s32 $0xFFFFE0C0  }
0x15c: {  	_ =	swait.ge [sflag:s15], $0x1F40  }
0x15d: {  	[sflag:s15] =	ssyncset.done $0x0  }
0x15e: {  	[sflag:s15] =	ssyncadd.s32 $0xFFFFE0C0  }
0x15f: {  	_ =	swait.ge [sflag:s2], $0x1F40  }
0x160: {  	[sflag:s2] =	ssyncset.done $0x0  }
0x161: {  	[sflag:s2] =	ssyncadd.s32 $0xFFFFE0C0  }
0x162: {  	_ =	swait.ge [sflag:s11], $0x1F40  }
0x163: {  	[sflag:s11] =	ssyncset.done $0x0  }
0x164: {  	[sflag:s11] =	ssyncadd.s32 $0xFFFFE0C0  }
0x165: {  	_ =	swait.ge [sflag:s19], $0x7D0  }
0x166: {  	[sflag:s19] =	ssyncset.done $0x0  }
0x167: {  	[sflag:s19] =	ssyncadd.s32 $0xFFFFF830  }
0x168: {  	_ =	swait.ge [sflag:s19], $0x7D0  }
0x169: {  	[sflag:s19] =	ssyncset.done $0x0  }
0x16a: {  	[sflag:s19] =	ssyncadd.s32 $0xFFFFF830  }
0x16b: {  	_ =	swait.ge [sflag:s19], $0x7D0  }
0x16c: {  	[sflag:s19] =	ssyncset.done $0x0  }
0x16d: {  	s18 =	sadd.s32 $0x14, s18;
	[sflag:s19] =	ssyncadd.s32 $0xFFFFF830  }
0x16e: {  	p1 =	sne.s32 s18, $0xB4;
	_ =	swait.ge [sflag:s19], $0x7D0  }
.Ltmp4:
0x16f: {  	[sflag:s19] =	ssyncset.done $0x0;
	(pc) =	sbr.rel @!p1 .LBB3_11-.Ltmp4, $4  }
0x170: {  	[sflag:s19] =	ssyncadd.s32 $0xFFFFF830  }
0x171: {  	_ =	swait.ge [sflag:s19], $0x7D0  }
0x172: {  	[sflag:s19] =	ssyncset.done $0x0  }
0x173: {  	s4 =	sadd.s32 $0x140, s4;
	[sflag:s19] =	ssyncadd.s32 $0xFFFFF830  }
.LBB3_4:
0x174: {  	_ =	swait.ge [sflag:s22], $0x500  }
0x175: {  	[sflag:s22] =	ssyncset.done $0x0  }
0x176: {  	[sflag:s22] =	ssyncadd.s32 $0xFFFFFB00  }
0x177: {  	_ =	swait.ge [sflag:s22], $0x500  }
0x178: {  	[sflag:s22] =	ssyncset.done $0x0  }
0x179: {  	s14 =	simm.s32 $0xA00;
	s26 =	sadd.s32 $0xFFFF6000, s4;
	[sflag:s22] =	ssyncadd.s32 $0xFFFFFB00  }
0x17a: {  	[tilespmem:s14], [sflag:$0xB] =	stream.linear.gather [hbm4b:s26+s12], $0x500, $0x38;
	[tilespmem:$0x16530] =	vst v63  }
0x17b: {  	_ = 	snop  }
0x17c: {  	[tilespmem:s31], [sflag:$0xB] =	stream.linear.gather [hbm4b:s4+s12], $0x500, $0x38;
	[tilespmem:$0x16530] =	vst v63  }
0x17d: {  	_ = 	snop  }
0x17e: {  	[tilespmem:s17], [sflag:$0x1] =	stream.indirect.gather [hbm4b:s21+s23], $0x40, s12, s23, $0xb8;
	[tilespmem:$0x16530] =	vst v63  }
0x17f: {  	s26 =	simm.s32 $0x80  }
0x180: {  	[tilespmem:s1], [sflag:$0x2] =	stream.indirect.gather [hbm4b:s21+s23], $0x40, s26, s23, $0xb8;
	[tilespmem:$0x16530] =	vst v63  }
0x181: {  	s26 =	simm.s32 $0x100  }
0x182: {  	[tilespmem:s3], [sflag:$0x3] =	stream.indirect.gather [hbm4b:s21+s23], $0x40, s26, s23, $0xb8;
	[tilespmem:$0x16530] =	vst v63  }
0x183: {  	_ =	swait.ge [sflag:s28], $0x1F40  }
.Ltmp5:
0x184: {  	[sflag:s28] =	ssyncset.done $0x0;
	(pc) =	sbr.rel @p0 .LBB3_6-.Ltmp5, $4  }
0x185: {  	s26 =	simm.s32 $0x180;
	[sflag:s28] =	ssyncadd.s32 $0xFFFFE0C0  }
0x186: {  	[tilespmem:s5], [sflag:$0x4] =	stream.indirect.gather [hbm4b:s21+s23], $0x40, s26, s23, $0xb8;
	[tilespmem:$0x16530] =	vst v63  }
0x187: {  	_ = 	snop  }
0x188: {  	[spmem:s24] =	stream.indirect.scatter.add.f32 [tilespmem:s17], [sflag:$0x5], $0x40, s20, s23, $0xb8;
	[tilespmem:$0x16530] =	vst v63  }
0x189: {  	[spmem:s25] =	stream.indirect.scatter.add.f32 [tilespmem:s6], [sflag:$0x9], $0x10, s20, s23, $0xb8;
	[tilespmem:$0x16530] =	vst v63  }
0x18a: {  	_ =	swait.ge [sflag:s7], $0x1F40  }
0x18b: {  	[sflag:s7] =	ssyncset.done $0x0  }
0x18c: {  	[sflag:s7] =	ssyncadd.s32 $0xFFFFE0C0  }
0x18d: {  	_ =	swait.ge [sflag:s8], $0x1F40  }
0x18e: {  	[sflag:s8] =	ssyncset.done $0x0  }
0x18f: {  	s14 =	simm.s32 $0x200;
	[sflag:s8] =	ssyncadd.s32 $0xFFFFE0C0  }
0x190: {  	[tilespmem:s17], [sflag:$0x1] =	stream.indirect.gather [hbm4b:s21+s23], $0x40, s14, s23, $0xb8;
	[tilespmem:$0x16530] =	vst v63  }
0x191: {  	s26 =	simm.s32 $0x580  }
0x192: {  	[spmem:s24] =	stream.indirect.scatter.add.f32 [tilespmem:s1], [sflag:$0x6], $0x40, s26, s23, $0xb8;
	[tilespmem:$0x16530] =	vst v63  }
0x193: {  	_ =	swait.ge [sflag:s13], $0x1F40  }
0x194: {  	[sflag:s13] =	ssyncset.done $0x0  }
0x195: {  	[sflag:s13] =	ssyncadd.s32 $0xFFFFE0C0  }
0x196: {  	_ =	swait.ge [sflag:s15], $0x1F40  }
0x197: {  	[sflag:s15] =	ssyncset.done $0x0  }
0x198: {  	s26 =	simm.s32 $0x280;
	[sflag:s15] =	ssyncadd.s32 $0xFFFFE0C0  }
0x199: {  	[tilespmem:s1], [sflag:$0x2] =	stream.indirect.gather [hbm4b:s21+s23], $0x40, s26, s23, $0xb8;
	[tilespmem:$0x16530] =	vst v63  }
0x19a: {  	s26 =	simm.s32 $0x600  }
0x19b: {  	[spmem:s24] =	stream.indirect.scatter.add.f32 [tilespmem:s3], [sflag:$0x7], $0x40, s26, s23, $0xb8;
	[tilespmem:$0x16530] =	vst v63  }
0x19c: {  	_ = 	snop  }
0x19d: {  	[spmem:s25] =	stream.indirect.scatter.add.f32 [tilespmem:s6], [sflag:$0x9], $0x10, s26, s23, $0xb8;
	[tilespmem:$0x16530] =	vst v63  }
0x19e: {  	_ =	swait.ge [sflag:s0], $0x1F40  }
0x19f: {  	[sflag:s0] =	ssyncset.done $0x0  }
0x1a0: {  	[sflag:s0] =	ssyncadd.s32 $0xFFFFE0C0  }
0x1a1: {  	_ =	swait.ge [sflag:s2], $0x1F40  }
0x1a2: {  	[sflag:s2] =	ssyncset.done $0x0  }
0x1a3: {  	s26 =	simm.s32 $0x300;
	[sflag:s2] =	ssyncadd.s32 $0xFFFFE0C0  }
0x1a4: {  	[tilespmem:s3], [sflag:$0x3] =	stream.indirect.gather [hbm4b:s21+s23], $0x40, s26, s23, $0xb8;
	[tilespmem:$0x16530] =	vst v63  }
0x1a5: {  	s26 =	simm.s32 $0x680  }
0x1a6: {  	[spmem:s24] =	stream.indirect.scatter.add.f32 [tilespmem:s5], [sflag:$0x8], $0x40, s26, s23, $0xb8;
	[tilespmem:$0x16530] =	vst v63  }
0x1a7: {  	_ =	swait.ge [sflag:s28], $0x1F40  }
0x1a8: {  	[sflag:s28] =	ssyncset.done $0x0  }
0x1a9: {  	[sflag:s28] =	ssyncadd.s32 $0xFFFFE0C0  }
0x1aa: {  	_ =	swait.ge [sflag:s11], $0x1F40  }
0x1ab: {  	[sflag:s11] =	ssyncset.done $0x0  }
0x1ac: {  	s26 =	simm.s32 $0x380;
	[sflag:s11] =	ssyncadd.s32 $0xFFFFE0C0  }
0x1ad: {  	[tilespmem:s5], [sflag:$0x4] =	stream.indirect.gather [hbm4b:s21+s23], $0x40, s26, s23, $0xb8;
	[tilespmem:$0x16530] =	vst v63  }
0x1ae: {  	s26 =	simm.s32 $0x700  }
0x1af: {  	[spmem:s24] =	stream.indirect.scatter.add.f32 [tilespmem:s17], [sflag:$0x5], $0x40, s26, s23, $0xb8;
	[tilespmem:$0x16530] =	vst v63  }
0x1b0: {  	_ = 	snop  }
0x1b1: {  	[spmem:s25] =	stream.indirect.scatter.add.f32 [tilespmem:s6], [sflag:$0x9], $0x10, s26, s23, $0xb8;
	[tilespmem:$0x16530] =	vst v63  }
0x1b2: {  	_ =	swait.ge [sflag:s7], $0x1F40  }
0x1b3: {  	[sflag:s7] =	ssyncset.done $0x0  }
0x1b4: {  	[sflag:s7] =	ssyncadd.s32 $0xFFFFE0C0  }
0x1b5: {  	_ =	swait.ge [sflag:s8], $0x1F40  }
0x1b6: {  	[sflag:s8] =	ssyncset.done $0x0  }
0x1b7: {  	s26 =	simm.s32 $0x400;
	[sflag:s8] =	ssyncadd.s32 $0xFFFFE0C0  }
0x1b8: {  	[tilespmem:s17], [sflag:$0x1] =	stream.indirect.gather [hbm4b:s21+s23], $0x40, s26, s23, $0xb8;
	[tilespmem:$0x16530] =	vst v63  }
0x1b9: {  	s26 =	simm.s32 $0x780  }
0x1ba: {  	[spmem:s24] =	stream.indirect.scatter.add.f32 [tilespmem:s1], [sflag:$0x6], $0x40, s26, s23, $0xb8;
	[tilespmem:$0x16530] =	vst v63  }
0x1bb: {  	_ =	swait.ge [sflag:s13], $0x1F40  }
0x1bc: {  	[sflag:s13] =	ssyncset.done $0x0  }
0x1bd: {  	[sflag:s13] =	ssyncadd.s32 $0xFFFFE0C0  }
0x1be: {  	_ =	swait.ge [sflag:s15], $0x1F40  }
0x1bf: {  	[sflag:s15] =	ssyncset.done $0x0  }
0x1c0: {  	s26 =	simm.s32 $0x480;
	[sflag:s15] =	ssyncadd.s32 $0xFFFFE0C0  }
0x1c1: {  	[tilespmem:s1], [sflag:$0x2] =	stream.indirect.gather [hbm4b:s21+s23], $0x40, s26, s23, $0xb8;
	[tilespmem:$0x16530] =	vst v63  }
0x1c2: {  	s26 =	simm.s32 $0x800  }
0x1c3: {  	[spmem:s24] =	stream.indirect.scatter.add.f32 [tilespmem:s3], [sflag:$0x7], $0x40, s26, s23, $0xb8;
	[tilespmem:$0x16530] =	vst v63  }
0x1c4: {  	_ = 	snop  }
0x1c5: {  	[spmem:s25] =	stream.indirect.scatter.add.f32 [tilespmem:s6], [sflag:$0x9], $0x10, s26, s23, $0xb8;
	[tilespmem:$0x16530] =	vst v63  }
0x1c6: {  	_ =	swait.ge [sflag:s0], $0x1F40  }
0x1c7: {  	[sflag:s0] =	ssyncset.done $0x0  }
0x1c8: {  	s26 =	simm.s32 $0x880;
	[sflag:s0] =	ssyncadd.s32 $0xFFFFE0C0  }
0x1c9: {  	[spmem:s24] =	stream.indirect.scatter.add.f32 [tilespmem:s5], [sflag:$0x8], $0x40, s26, s23, $0xb8;
	[tilespmem:$0x16530] =	vst v63  }
0x1ca: {  	_ =	swait.ge [sflag:s28], $0x1F40  }
0x1cb: {  	[sflag:s28] =	ssyncset.done $0x0  }
0x1cc: {  	s26 =	simm.s32 $0x900;
	[sflag:s28] =	ssyncadd.s32 $0xFFFFE0C0  }
0x1cd: {  	[spmem:s24] =	stream.indirect.scatter.add.f32 [tilespmem:s17], [sflag:$0x5], $0x40, s26, s23, $0xb8;
	[tilespmem:$0x16530] =	vst v63  }
0x1ce: {  	_ = 	snop  }
0x1cf: {  	[spmem:s25] =	stream.indirect.scatter.add.f32 [tilespmem:s6], [sflag:$0x9], $0x10, s26, s23, $0xb8;
	[tilespmem:$0x16530] =	vst v63  }
.Ltmp6:
0x1d0: {  	_ = 	snop;
	(pc) =	sbr.rel .LBB3_7-.Ltmp6, $4  }
0x1d1: {  	_ =	swait.ge [sflag:s7], $0x1F40  }
0x1d2: {  	[sflag:s7] =	ssyncset.done $0x0  }
0x1d3: {  	[sflag:s7] =	ssyncadd.s32 $0xFFFFE0C0  }
0x1d4: {  	[spmem:s24] =	stream.indirect.scatter.add.f32 [tilespmem:s1], [sflag:$0x6], $0x40, s10, s23, $0xb8;
	[tilespmem:$0x16530] =	vst v63  }
.LBB3_6:
0x1d5: {  	_ =	swait.ge [sflag:s7], $0x1F40  }
0x1d6: {  	[sflag:s7] =	ssyncset.done $0x0  }
0x1d7: {  	[sflag:s7] =	ssyncadd.s32 $0xFFFFE0C0  }
0x1d8: {  	_ =	swait.ge [sflag:s8], $0x1F40  }
0x1d9: {  	[sflag:s8] =	ssyncset.done $0x0  }
0x1da: {  	s14 =	simm.s32 $0x200;
	[sflag:s8] =	ssyncadd.s32 $0xFFFFE0C0  }
0x1db: {  	[tilespmem:s17], [sflag:$0x1] =	stream.indirect.gather [hbm4b:s21+s23], $0x40, s14, s23, $0xb8;
	[tilespmem:$0x16530] =	vst v63  }
0x1dc: {  	s10 =	simm.s32 $0x580  }
0x1dd: {  	[spmem:s24] =	stream.indirect.scatter.add.f32 [tilespmem:s1], [sflag:$0x6], $0x40, s10, s23, $0xb8;
	[tilespmem:$0x16530] =	vst v63  }
0x1de: {  	_ = 	snop  }
0x1df: {  	[spmem:s25] =	stream.indirect.scatter.add.f32 [tilespmem:s6], [sflag:$0x9], $0x10, s10, s23, $0xb8;
	[tilespmem:$0x16530] =	vst v63  }
0x1e0: {  	_ =	swait.ge [sflag:s13], $0x1F40  }
0x1e1: {  	[sflag:s13] =	ssyncset.done $0x0  }
0x1e2: {  	[sflag:s13] =	ssyncadd.s32 $0xFFFFE0C0  }
0x1e3: {  	_ =	swait.ge [sflag:s15], $0x1F40  }
0x1e4: {  	[sflag:s15] =	ssyncset.done $0x0  }
0x1e5: {  	s26 =	simm.s32 $0x280;
	[sflag:s15] =	ssyncadd.s32 $0xFFFFE0C0  }
0x1e6: {  	[tilespmem:s1], [sflag:$0x2] =	stream.indirect.gather [hbm4b:s21+s23], $0x40, s26, s23, $0xb8;
	[tilespmem:$0x16530] =	vst v63  }
0x1e7: {  	s10 =	simm.s32 $0x600  }
0x1e8: {  	[spmem:s24] =	stream.indirect.scatter.add.f32 [tilespmem:s3], [sflag:$0x7], $0x40, s10, s23, $0xb8;
	[tilespmem:$0x16530] =	vst v63  }
0x1e9: {  	_ =	swait.ge [sflag:s0], $0x1F40  }
0x1ea: {  	[sflag:s0] =	ssyncset.done $0x0  }
0x1eb: {  	[sflag:s0] =	ssyncadd.s32 $0xFFFFE0C0  }
0x1ec: {  	_ =	swait.ge [sflag:s2], $0x1F40  }
0x1ed: {  	[sflag:s2] =	ssyncset.done $0x0  }
0x1ee: {  	s10 =	simm.s32 $0x300;
	[sflag:s2] =	ssyncadd.s32 $0xFFFFE0C0  }
0x1ef: {  	[tilespmem:s3], [sflag:$0x3] =	stream.indirect.gather [hbm4b:s21+s23], $0x40, s10, s23, $0xb8;
	[tilespmem:$0x16530] =	vst v63  }
0x1f0: {  	s26 =	simm.s32 $0x680  }
0x1f1: {  	[spmem:s24] =	stream.indirect.scatter.add.f32 [tilespmem:s5], [sflag:$0x8], $0x40, s26, s23, $0xb8;
	[tilespmem:$0x16530] =	vst v63  }
0x1f2: {  	_ = 	snop  }
0x1f3: {  	[spmem:s25] =	stream.indirect.scatter.add.f32 [tilespmem:s6], [sflag:$0x9], $0x10, s26, s23, $0xb8;
	[tilespmem:$0x16530] =	vst v63  }
0x1f4: {  	_ =	swait.ge [sflag:s28], $0x1F40  }
0x1f5: {  	[sflag:s28] =	ssyncset.done $0x0  }
0x1f6: {  	[sflag:s28] =	ssyncadd.s32 $0xFFFFE0C0  }
0x1f7: {  	_ =	swait.ge [sflag:s11], $0x1F40  }
0x1f8: {  	[sflag:s11] =	ssyncset.done $0x0  }
0x1f9: {  	s10 =	simm.s32 $0x380;
	[sflag:s11] =	ssyncadd.s32 $0xFFFFE0C0  }
0x1fa: {  	[tilespmem:s5], [sflag:$0x4] =	stream.indirect.gather [hbm4b:s21+s23], $0x40, s10, s23, $0xb8;
	[tilespmem:$0x16530] =	vst v63  }
0x1fb: {  	s26 =	simm.s32 $0x700  }
0x1fc: {  	[spmem:s24] =	stream.indirect.scatter.add.f32 [tilespmem:s17], [sflag:$0x5], $0x40, s26, s23, $0xb8;
	[tilespmem:$0x16530] =	vst v63  }
0x1fd: {  	_ =	swait.ge [sflag:s7], $0x1F40  }
0x1fe: {  	[sflag:s7] =	ssyncset.done $0x0  }
0x1ff: {  	[sflag:s7] =	ssyncadd.s32 $0xFFFFE0C0  }
0x200: {  	_ =	swait.ge [sflag:s8], $0x1F40  }
0x201: {  	[sflag:s8] =	ssyncset.done $0x0  }
0x202: {  	s10 =	simm.s32 $0x400;
	[sflag:s8] =	ssyncadd.s32 $0xFFFFE0C0  }
0x203: {  	[tilespmem:s17], [sflag:$0x1] =	stream.indirect.gather [hbm4b:s21+s23], $0x40, s10, s23, $0xb8;
	[tilespmem:$0x16530] =	vst v63  }
0x204: {  	s26 =	simm.s32 $0x780  }
0x205: {  	[spmem:s24] =	stream.indirect.scatter.add.f32 [tilespmem:s1], [sflag:$0x6], $0x40, s26, s23, $0xb8;
	[tilespmem:$0x16530] =	vst v63  }
0x206: {  	_ = 	snop  }
0x207: {  	[spmem:s25] =	stream.indirect.scatter.add.f32 [tilespmem:s6], [sflag:$0x9], $0x10, s26, s23, $0xb8;
	[tilespmem:$0x16530] =	vst v63  }
0x208: {  	_ =	swait.ge [sflag:s13], $0x1F40  }
0x209: {  	[sflag:s13] =	ssyncset.done $0x0  }
0x20a: {  	[sflag:s13] =	ssyncadd.s32 $0xFFFFE0C0  }
0x20b: {  	_ =	swait.ge [sflag:s15], $0x1F40  }
0x20c: {  	[sflag:s15] =	ssyncset.done $0x0  }
0x20d: {  	s10 =	simm.s32 $0x480;
	[sflag:s15] =	ssyncadd.s32 $0xFFFFE0C0  }
0x20e: {  	[tilespmem:s1], [sflag:$0x2] =	stream.indirect.gather [hbm4b:s21+s23], $0x40, s10, s23, $0xb8;
	[tilespmem:$0x16530] =	vst v63  }
0x20f: {  	s26 =	simm.s32 $0x800  }
0x210: {  	[spmem:s24] =	stream.indirect.scatter.add.f32 [tilespmem:s3], [sflag:$0x7], $0x40, s26, s23, $0xb8;
	[tilespmem:$0x16530] =	vst v63  }
0x211: {  	_ =	swait.ge [sflag:s0], $0x1F40  }
0x212: {  	[sflag:s0] =	ssyncset.done $0x0  }
0x213: {  	s10 =	simm.s32 $0x880;
	[sflag:s0] =	ssyncadd.s32 $0xFFFFE0C0  }
0x214: {  	[spmem:s24] =	stream.indirect.scatter.add.f32 [tilespmem:s5], [sflag:$0x8], $0x40, s10, s23, $0xb8;
	[tilespmem:$0x16530] =	vst v63  }
0x215: {  	_ = 	snop  }
0x216: {  	[spmem:s25] =	stream.indirect.scatter.add.f32 [tilespmem:s6], [sflag:$0x9], $0x10, s10, s23, $0xb8;
	[tilespmem:$0x16530] =	vst v63  }
0x217: {  	_ =	swait.ge [sflag:s28], $0x1F40  }
0x218: {  	[sflag:s28] =	ssyncset.done $0x0  }
0x219: {  	s14 =	simm.s32 $0x900;
	[sflag:s28] =	ssyncadd.s32 $0xFFFFE0C0  }
0x21a: {  	[spmem:s24] =	stream.indirect.scatter.add.f32 [tilespmem:s17], [sflag:$0x5], $0x40, s14, s23, $0xb8;
	[tilespmem:$0x16530] =	vst v63  }
0x21b: {  	_ =	swait.ge [sflag:s7], $0x1F40  }
0x21c: {  	[sflag:s7] =	ssyncset.done $0x0  }
0x21d: {  	s26 =	simm.s32 $0x980;
	[sflag:s7] =	ssyncadd.s32 $0xFFFFE0C0  }
0x21e: {  	[spmem:s24] =	stream.indirect.scatter.add.f32 [tilespmem:s1], [sflag:$0x6], $0x40, s26, s23, $0xb8;
	[tilespmem:$0x16530] =	vst v63  }
0x21f: {  	s10 =	simm.s32 $0x980  }
0x220: {  	[spmem:s25] =	stream.indirect.scatter.add.f32 [tilespmem:s6], [sflag:$0x9], $0x10, s26, s23, $0xb8;
	[tilespmem:$0x16530] =	vst v63  }
.LBB3_7:
0x221: {  	_ =	swait.ge [sflag:s8], $0x1F40  }
0x222: {  	[sflag:s8] =	ssyncset.done $0x0  }
0x223: {  	[sflag:s8] =	ssyncadd.s32 $0xFFFFE0C0  }
0x224: {  	_ =	swait.ge [sflag:s15], $0x1F40  }
0x225: {  	[sflag:s15] =	ssyncset.done $0x0  }
0x226: {  	[sflag:s15] =	ssyncadd.s32 $0xFFFFE0C0  }
0x227: {  	_ =	swait.ge [sflag:s2], $0x1F40  }
0x228: {  	[sflag:s2] =	ssyncset.done $0x0  }
0x229: {  	[sflag:s2] =	ssyncadd.s32 $0xFFFFE0C0  }
0x22a: {  	_ =	swait.ge [sflag:s11], $0x1F40  }
0x22b: {  	[sflag:s11] =	ssyncset.done $0x0  }
0x22c: {  	[sflag:s11] =	ssyncadd.s32 $0xFFFFE0C0  }
0x22d: {  	_ =	swait.ge [sflag:s19], $0x7D0  }
0x22e: {  	[sflag:s19] =	ssyncset.done $0x0  }
0x22f: {  	[sflag:s19] =	ssyncadd.s32 $0xFFFFF830  }
0x230: {  	_ =	swait.ge [sflag:s19], $0x7D0  }
0x231: {  	[sflag:s19] =	ssyncset.done $0x0  }
0x232: {  	[sflag:s19] =	ssyncadd.s32 $0xFFFFF830  }
0x233: {  	_ =	swait.ge [sflag:s19], $0x7D0  }
0x234: {  	[sflag:s19] =	ssyncset.done $0x0  }
0x235: {  	[sflag:s19] =	ssyncadd.s32 $0xFFFFF830  }
0x236: {  	_ =	swait.ge [sflag:s19], $0x7D0  }
0x237: {  	[sflag:s19] =	ssyncset.done $0x0  }
0x238: {  	[sflag:s19] =	ssyncadd.s32 $0xFFFFF830  }
0x239: {  	_ =	swait.ge [sflag:s19], $0x7D0  }
0x23a: {  	[sflag:s19] =	ssyncset.done $0x0  }
0x23b: {  	[sflag:s19] =	ssyncadd.s32 $0xFFFFF830  }
0x23c: {  	_ =	swait.ge [sflag:s9], $0x500  }
0x23d: {  	s14 =	sld [smem:$0x7FC];
	_ =	sdelay $0x1  }
0x23e: {  	[sflag:s9] =	ssyncset.done $0x0  }
0x23f: {  	[sflag:s9] =	ssyncadd.s32 $0xFFFFFB00;
	s26 =	sadd.s32 s18, s14  }
0x240: {  	_ =	swait.ge [sflag:s9], $0x500;
	s14 =	smov.u32 s29;
	p1 =	slt.s32 s26, s29  }
0x241: {  	s14 =	smov.u32 @p1 s26;
	s26 =	sld [smem:$0x7F8];
	_ =	sdelay $0x1  }
0x242: {  	[sflag:s9] =	ssyncset.done $0x0;
	s14 =	sshll.u32 s14, $0x4  }
0x243: {  	[sflag:s9] =	ssyncadd.s32 $0xFFFFFB00;
	s26 =	sadd.s32 s26, s14  }
0x244: {  	[tilespmem:s12], [sflag:$0xA] =	stream.linear.gather [hbm4b:s26+s12], $0x500, $0x38;
	[tilespmem:$0x16530] =	vst v63  }
0x245: {  	s26 =	rddreg [dreg:$0x18]  }
0x246: {  	s14 =	sadd.s32 s14, s26  }
0x247: {  	[tilespmem:s20], [sflag:$0xA] =	stream.linear.gather [hbm4b:s14+s12], $0x500, $0x38;
	[tilespmem:$0x16530] =	vst v63  }
0x248: {  	s26 =	simm.s32 $0xA00  }
0x249: {  	[tilespmem:s17], [sflag:$0x1] =	stream.indirect.gather [hbm4b:s21+s23], $0x40, s26, s23, $0xb8;
	[tilespmem:$0x16530] =	vst v63  }
0x24a: {  	s26 =	simm.s32 $0xA80  }
0x24b: {  	[tilespmem:s1], [sflag:$0x2] =	stream.indirect.gather [hbm4b:s21+s23], $0x40, s26, s23, $0xb8;
	[tilespmem:$0x16530] =	vst v63  }
0x24c: {  	s26 =	simm.s32 $0xB00  }
0x24d: {  	[tilespmem:s3], [sflag:$0x3] =	stream.indirect.gather [hbm4b:s21+s23], $0x40, s26, s23, $0xb8;
	[tilespmem:$0x16530] =	vst v63  }
0x24e: {  	_ =	swait.ge [sflag:s28], $0x1F40  }
.Ltmp7:
0x24f: {  	[sflag:s28] =	ssyncset.done $0x0;
	(pc) =	sbr.rel @p0 .LBB3_9-.Ltmp7, $4  }
0x250: {  	s26 =	simm.s32 $0xB80;
	[sflag:s28] =	ssyncadd.s32 $0xFFFFE0C0  }
0x251: {  	[tilespmem:s5], [sflag:$0x4] =	stream.indirect.gather [hbm4b:s21+s23], $0x40, s26, s23, $0xb8;
	[tilespmem:$0x16530] =	vst v63  }
0x252: {  	_ = 	snop  }
0x253: {  	[spmem:s24] =	stream.indirect.scatter.add.f32 [tilespmem:s17], [sflag:$0x5], $0x40, s31, s23, $0xb8;
	[tilespmem:$0x16530] =	vst v63  }
0x254: {  	[spmem:s25] =	stream.indirect.scatter.add.f32 [tilespmem:s6], [sflag:$0x9], $0x10, s31, s23, $0xb8;
	[tilespmem:$0x16530] =	vst v63  }
0x255: {  	_ =	swait.ge [sflag:s7], $0x1F40  }
0x256: {  	[sflag:s7] =	ssyncset.done $0x0  }
0x257: {  	[sflag:s7] =	ssyncadd.s32 $0xFFFFE0C0  }
0x258: {  	_ =	swait.ge [sflag:s8], $0x1F40  }
0x259: {  	[sflag:s8] =	ssyncset.done $0x0  }
0x25a: {  	s14 =	simm.s32 $0xC00;
	[sflag:s8] =	ssyncadd.s32 $0xFFFFE0C0  }
0x25b: {  	[tilespmem:s17], [sflag:$0x1] =	stream.indirect.gather [hbm4b:s21+s23], $0x40, s14, s23, $0xb8;
	[tilespmem:$0x16530] =	vst v63  }
0x25c: {  	s26 =	simm.s32 $0xF80  }
0x25d: {  	[spmem:s24] =	stream.indirect.scatter.add.f32 [tilespmem:s1], [sflag:$0x6], $0x40, s26, s23, $0xb8;
	[tilespmem:$0x16530] =	vst v63  }
0x25e: {  	_ =	swait.ge [sflag:s13], $0x1F40  }
0x25f: {  	[sflag:s13] =	ssyncset.done $0x0  }
0x260: {  	[sflag:s13] =	ssyncadd.s32 $0xFFFFE0C0  }
0x261: {  	_ =	swait.ge [sflag:s15], $0x1F40  }
0x262: {  	[sflag:s15] =	ssyncset.done $0x0  }
0x263: {  	s26 =	simm.s32 $0xC80;
	[sflag:s15] =	ssyncadd.s32 $0xFFFFE0C0  }
0x264: {  	[tilespmem:s1], [sflag:$0x2] =	stream.indirect.gather [hbm4b:s21+s23], $0x40, s26, s23, $0xb8;
	[tilespmem:$0x16530] =	vst v63  }
0x265: {  	s26 =	simm.s32 $0x1000  }
0x266: {  	[spmem:s24] =	stream.indirect.scatter.add.f32 [tilespmem:s3], [sflag:$0x7], $0x40, s26, s23, $0xb8;
	[tilespmem:$0x16530] =	vst v63  }
0x267: {  	_ = 	snop  }
0x268: {  	[spmem:s25] =	stream.indirect.scatter.add.f32 [tilespmem:s6], [sflag:$0x9], $0x10, s26, s23, $0xb8;
	[tilespmem:$0x16530] =	vst v63  }
0x269: {  	_ =	swait.ge [sflag:s0], $0x1F40  }
0x26a: {  	[sflag:s0] =	ssyncset.done $0x0  }
0x26b: {  	[sflag:s0] =	ssyncadd.s32 $0xFFFFE0C0  }
0x26c: {  	_ =	swait.ge [sflag:s2], $0x1F40  }
0x26d: {  	[sflag:s2] =	ssyncset.done $0x0  }
0x26e: {  	s26 =	simm.s32 $0xD00;
	[sflag:s2] =	ssyncadd.s32 $0xFFFFE0C0  }
0x26f: {  	[tilespmem:s3], [sflag:$0x3] =	stream.indirect.gather [hbm4b:s21+s23], $0x40, s26, s23, $0xb8;
	[tilespmem:$0x16530] =	vst v63  }
0x270: {  	s26 =	simm.s32 $0x1080  }
0x271: {  	[spmem:s24] =	stream.indirect.scatter.add.f32 [tilespmem:s5], [sflag:$0x8], $0x40, s26, s23, $0xb8;
	[tilespmem:$0x16530] =	vst v63  }
0x272: {  	_ =	swait.ge [sflag:s28], $0x1F40  }
0x273: {  	[sflag:s28] =	ssyncset.done $0x0  }
0x274: {  	[sflag:s28] =	ssyncadd.s32 $0xFFFFE0C0  }
0x275: {  	_ =	swait.ge [sflag:s11], $0x1F40  }
0x276: {  	[sflag:s11] =	ssyncset.done $0x0  }
0x277: {  	s26 =	simm.s32 $0xD80;
	[sflag:s11] =	ssyncadd.s32 $0xFFFFE0C0  }
0x278: {  	[tilespmem:s5], [sflag:$0x4] =	stream.indirect.gather [hbm4b:s21+s23], $0x40, s26, s23, $0xb8;
	[tilespmem:$0x16530] =	vst v63  }
0x279: {  	s26 =	simm.s32 $0x1100  }
0x27a: {  	[spmem:s24] =	stream.indirect.scatter.add.f32 [tilespmem:s17], [sflag:$0x5], $0x40, s26, s23, $0xb8;
	[tilespmem:$0x16530] =	vst v63  }
0x27b: {  	_ = 	snop  }
0x27c: {  	[spmem:s25] =	stream.indirect.scatter.add.f32 [tilespmem:s6], [sflag:$0x9], $0x10, s26, s23, $0xb8;
	[tilespmem:$0x16530] =	vst v63  }
0x27d: {  	_ =	swait.ge [sflag:s7], $0x1F40  }
0x27e: {  	[sflag:s7] =	ssyncset.done $0x0  }
0x27f: {  	[sflag:s7] =	ssyncadd.s32 $0xFFFFE0C0  }
0x280: {  	_ =	swait.ge [sflag:s8], $0x1F40  }
0x281: {  	[sflag:s8] =	ssyncset.done $0x0  }
0x282: {  	s26 =	simm.s32 $0xE00;
	[sflag:s8] =	ssyncadd.s32 $0xFFFFE0C0  }
0x283: {  	[tilespmem:s17], [sflag:$0x1] =	stream.indirect.gather [hbm4b:s21+s23], $0x40, s26, s23, $0xb8;
	[tilespmem:$0x16530] =	vst v63  }
0x284: {  	s26 =	simm.s32 $0x1180  }
0x285: {  	[spmem:s24] =	stream.indirect.scatter.add.f32 [tilespmem:s1], [sflag:$0x6], $0x40, s26, s23, $0xb8;
	[tilespmem:$0x16530] =	vst v63  }
0x286: {  	_ =	swait.ge [sflag:s13], $0x1F40  }
0x287: {  	[sflag:s13] =	ssyncset.done $0x0  }
0x288: {  	[sflag:s13] =	ssyncadd.s32 $0xFFFFE0C0  }
0x289: {  	_ =	swait.ge [sflag:s15], $0x1F40  }
0x28a: {  	[sflag:s15] =	ssyncset.done $0x0  }
0x28b: {  	s26 =	simm.s32 $0xE80;
	[sflag:s15] =	ssyncadd.s32 $0xFFFFE0C0  }
0x28c: {  	[tilespmem:s1], [sflag:$0x2] =	stream.indirect.gather [hbm4b:s21+s23], $0x40, s26, s23, $0xb8;
	[tilespmem:$0x16530] =	vst v63  }
0x28d: {  	s26 =	simm.s32 $0x1200  }
0x28e: {  	[spmem:s24] =	stream.indirect.scatter.add.f32 [tilespmem:s3], [sflag:$0x7], $0x40, s26, s23, $0xb8;
	[tilespmem:$0x16530] =	vst v63  }
0x28f: {  	_ = 	snop  }
0x290: {  	[spmem:s25] =	stream.indirect.scatter.add.f32 [tilespmem:s6], [sflag:$0x9], $0x10, s26, s23, $0xb8;
	[tilespmem:$0x16530] =	vst v63  }
0x291: {  	_ =	swait.ge [sflag:s0], $0x1F40  }
0x292: {  	[sflag:s0] =	ssyncset.done $0x0  }
0x293: {  	s26 =	simm.s32 $0x1280;
	[sflag:s0] =	ssyncadd.s32 $0xFFFFE0C0  }
0x294: {  	[spmem:s24] =	stream.indirect.scatter.add.f32 [tilespmem:s5], [sflag:$0x8], $0x40, s26, s23, $0xb8;
	[tilespmem:$0x16530] =	vst v63  }
0x295: {  	_ =	swait.ge [sflag:s28], $0x1F40  }
0x296: {  	[sflag:s28] =	ssyncset.done $0x0  }
0x297: {  	s26 =	simm.s32 $0x1300;
	[sflag:s28] =	ssyncadd.s32 $0xFFFFE0C0  }
0x298: {  	[spmem:s24] =	stream.indirect.scatter.add.f32 [tilespmem:s17], [sflag:$0x5], $0x40, s26, s23, $0xb8;
	[tilespmem:$0x16530] =	vst v63  }
0x299: {  	_ = 	snop  }
0x29a: {  	[spmem:s25] =	stream.indirect.scatter.add.f32 [tilespmem:s6], [sflag:$0x9], $0x10, s26, s23, $0xb8;
	[tilespmem:$0x16530] =	vst v63  }
.Ltmp8:
0x29b: {  	_ = 	snop;
	(pc) =	sbr.rel .LBB3_10-.Ltmp8, $4  }
0x29c: {  	_ =	swait.ge [sflag:s7], $0x1F40  }
0x29d: {  	[sflag:s7] =	ssyncset.done $0x0  }
0x29e: {  	[sflag:s7] =	ssyncadd.s32 $0xFFFFE0C0  }
0x29f: {  	[spmem:s24] =	stream.indirect.scatter.add.f32 [tilespmem:s1], [sflag:$0x6], $0x40, s30, s23, $0xb8;
	[tilespmem:$0x16530] =	vst v63  }
.LBB3_12:
0x2a0: {  	_ =	sfence.sel $0x180000  }
0x2a1: {  	[bflag:$0x0] =	sbarrier.arrive $0xFFFF  }
0x2a2: {  	_ =	strace $0x90000047  }
0x2a3: {  	s0 =	stileid.u32;
	[bflag:$0x2] =	sbarrier.arrive $0xFFFF  }
0x2a4: {  	p0 =	sne.s32 s0, $0x0;
	s0 =	rddreg [dreg:$0x16]  }
0x2a5: {  	s0 =	sadd.s32 @!p0 $0x100000, s0  }
0x2a6: {  	[sflag:s0] =	ssyncadd.tile.s32 @!p0 $0x1;
	_ =	shalt  }
.Lfunc_end3:
_tile_overlayer_lowered:
.L_overlay_start_3:
0x2a7: {  	(tag) =	ssettag $0x3  }
0x2a8: {  	s0 =	rddreg [dreg:$0x0];
	s2 =	stileid.u32  }
0x2a9: {  	s1 =	rddreg [dreg:$0x1];
	p0 =	sne.s32 s2, $0x0  }
0x2aa: {  	s3 =	rddreg [dreg:$0x2];
	[bflag:$0x3] =	sbarrier.arrive $0xFFFF;
	s2 =	simm.s32 @!p0 $0x1C0C  }
0x2ab: {  	[timem:s3], [sflag:s2] =	dma.local @!p0 [hbm:s0], s1  }
0x2ac: {  	s0 =	simm.s32 @!p0 $0xC  }
0x2ad: {  	_ =	swait.ge @!p0 [sflag:s0], s1  }
0x2ae: {  	s1 =	ssub.s32 @!p0 $0x0, s1;
	[sflag:s0] =	ssyncset.done @!p0 $0x0  }
0x2af: {  	[sflag:s0] =	ssyncadd.s32 @!p0 s1  }
0x2b0: {  	[bflag:$0x3] =	sbarrier.arrive $0xFFFF  }
0x2b1: {  	_ =	shalt  }

</sc_bundles>
